<compile_context>
chip_gen: v7x
topology: tpu7x:2x2x1
jax: 0.10.2.dev20260603
libtpu: 0.0.44.dev20260713+nightly
codegen_flags: <defaults>
</compile_context>

<pallas_src>
import functools

import jax
import jax.numpy as jnp
from jax import lax
from jax.experimental import pallas as pl
from jax.experimental.pallas import tpu as pltpu
from jax.experimental.pallas import tpu_sc as plsc

NC = 2
NS = 16
NW = NC * NS

BBLK = 512
TPC = BBLK // 128


def _emb_body(hist, d, table_hbm, idx_hbm, out_hbm,
              idx_v, g0, g1, r0, r1, semg0, semg1, semw0, semw1):
    c = lax.axis_index("c")
    s = lax.axis_index("s")
    wid = s * NC + c
    ct = d // 8

    pltpu.sync_copy(idx_hbm.at[:, pl.ds(wid * BBLK, BBLK)], idx_v)

    bufs = (g0, g1)
    rbufs = (r0, r1)
    semg = (semg0, semg1)
    semw = (semw0, semw1)

    def start_gather(h, slot):
        pltpu.async_copy(table_hbm.at[idx_v.at[h]],
                         bufs[slot], semg[slot])

    def wait_gather(h, slot):
        pltpu.make_async_copy(table_hbm.at[idx_v.at[h]],
                              bufs[slot], semg[slot]).wait()

    def start_write(h, slot):
        for i in range(ct):
            pltpu.async_copy(rbufs[slot].at[i],
                             out_hbm.at[h * ct + i, pl.ds(wid * TPC, TPC)],
                             semw[slot])

    def wait_write(h, slot):
        for i in range(ct):
            pltpu.make_async_copy(rbufs[slot].at[i],
                                  out_hbm.at[h * ct + i, pl.ds(wid * TPC, TPC)],
                                  semw[slot]).wait()

    iota = lax.iota(jnp.int32, 16)
    cols = [jnp.full((16,), cc, jnp.int32) for cc in range(d)]

    def transpose_chunk(slot):
        g = bufs[slot]
        r = rbufs[slot]

        @plsc.parallel_loop(0, TPC * 8, unroll=2)
        def _(tb):
            tl = tb // 8
            blk = tb % 8
            rows = tl * 128 + blk * 16 + iota
            for i in range(ct):
                for cl in range(8):
                    r[i, tl, cl, pl.ds(blk * 16, 16)] = plsc.load_gather(
                        g, [rows, cols[i * 8 + cl]])

    start_gather(0, 0)
    start_gather(1, 1)

    @pl.loop(0, hist // 2)
    def _(p):
        h = p * 2
        for slot in (0, 1):
            hh = h + slot
            wait_gather(hh, slot)

            @pl.when(p > 0)
            def _():
                wait_write(hh - 2, slot)

            transpose_chunk(slot)
            start_write(hh, slot)

            @pl.when(hh + 2 < hist)
            def _():
                start_gather(hh + 2, slot)

    wait_write(hist - 2, 0)
    wait_write(hist - 1, 1)


def _detile_body(v, d, table_t_hbm, tail_hbm, out_hbm,
                 t0, t1, s0, s1, semi0, semi1, semo0, semo1):
    c = lax.axis_index("c")
    s = lax.axis_index("s")
    wid = s * NC + c
    ct = d // 8
    nfull = v // 128
    rem = v - nfull * 128
    per = nfull // NW
    extra = nfull - per * NW
    base = per * wid + jnp.minimum(wid, extra)
    cnt = per + jnp.where(wid < extra, 1, 0)

    tb = (t0, t1)
    sb = (s0, s1)
    semi = (semi0, semi1)
    semo = (semo0, semo1)
    orow = d

    def load(j, slot):
        for i in range(ct):
            pltpu.async_copy(
                table_t_hbm.at[pl.ds(8 * i, 8), pl.ds(j * 128, 128)],
                tb[slot].at[pl.ds(8 * i, 8)], semi[slot])

    def wait_load(j, slot):
        for i in range(ct):
            pltpu.make_async_copy(
                table_t_hbm.at[pl.ds(8 * i, 8), pl.ds(j * 128, 128)],
                tb[slot].at[pl.ds(8 * i, 8)], semi[slot]).wait()

    def store(j, slot):
        pltpu.async_copy(sb[slot], out_hbm.at[pl.ds(j * orow, orow)],
                         semo[slot])

    def wait_store(j, slot):
        pltpu.make_async_copy(sb[slot], out_hbm.at[pl.ds(j * orow, orow)],
                              semo[slot]).wait()

    iota = lax.iota(jnp.int32, 16)
    rows0 = iota
    rows1 = iota + 16

    def process(slot):
        t = tb[slot]
        sbuf = sb[slot]

        @plsc.parallel_loop(0, orow, unroll=2)
        def _(u):
            for q in range(8):
                rl = u * 4 + q // 2
                rows = rows1 if (q % 2) else rows0
                sbuf[u, pl.ds(q * 16, 16)] = plsc.load_gather(
                    t, [rows, jnp.full((16,), 0, jnp.int32) + rl])

    pairs = cnt // 2

    @pl.when(cnt > 0)
    def _():
        load(base, 0)

    @pl.when(cnt > 1)
    def _():
        load(base + 1, 1)

    @pl.loop(0, pairs)
    def _(p):
        j = base + 2 * p
        for slot in (0, 1):
            jj = j + slot
            wait_load(jj, slot)

            @pl.when(p > 0)
            def _():
                wait_store(jj - 2, slot)

            process(slot)
            store(jj, slot)

            @pl.when(2 * p + 2 + slot < cnt)
            def _():
                load(jj + 2, slot)

    @pl.when(cnt % 2 == 1)
    def _():
        j = base + cnt - 1
        wait_load(j, 0)

        @pl.when(cnt > 2)
        def _():
            wait_store(j - 2, 0)

        process(0)
        store(j, 0)

    even = cnt % 2 == 0

    @pl.when(even)
    def _():
        wait_store(base + cnt - 2, 0)
        wait_store(base + cnt - 1, 1)

    @pl.when(jnp.logical_not(even))
    def _():
        @pl.when(cnt > 1)
        def _():
            wait_store(base + cnt - 2, 1)

        wait_store(base + cnt - 1, 0)

    if rem:
        prow = rem * d // 128

        @pl.when(wid == NW - 1)
        def _():
            pltpu.sync_copy(tail_hbm, s0.at[pl.ds(0, prow)])
            pltpu.sync_copy(s0.at[pl.ds(0, prow)],
                            out_hbm.at[pl.ds(nfull * orow, prow)])


@functools.partial(jax.jit, static_argnames=("v", "d"))
def _sc_detile(table_t, tail, v, d):
    assert d % 8 == 0 and (v * d) % 128 == 0
    mesh = plsc.VectorSubcoreMesh(
        core_axis_name="c", subcore_axis_name="s", num_cores=NC, num_subcores=NS
    )
    return pl.kernel(
        functools.partial(_detile_body, v, d),
        out_type=jax.ShapeDtypeStruct((v * d // 128, 128), table_t.dtype),
        mesh=mesh,
        scratch_types=[
            pltpu.VMEM((d, 128), table_t.dtype),
            pltpu.VMEM((d, 128), table_t.dtype),
            pltpu.VMEM((d, 128), table_t.dtype),
            pltpu.VMEM((d, 128), table_t.dtype),
            pltpu.SemaphoreType.DMA,
            pltpu.SemaphoreType.DMA,
            pltpu.SemaphoreType.DMA,
            pltpu.SemaphoreType.DMA,
        ],
        compiler_params=pltpu.CompilerParams(
            use_tc_tiling_on_sc=True, needs_layout_passes=False),
    )(table_t, tail)


@functools.partial(jax.jit, static_argnames=("b", "hist", "d"))
def _sc_emb(table, idx_t, b, hist, d):
    assert b % (NW * BBLK) == 0 and hist % 2 == 0 and d % 8 == 0
    ct = d // 8
    mesh = plsc.VectorSubcoreMesh(
        core_axis_name="c", subcore_axis_name="s", num_cores=NC, num_subcores=NS
    )
    ltile = pl.kernel(
        functools.partial(_emb_body, hist, d),
        out_type=jax.ShapeDtypeStruct((hist * ct, b // 128, 8, 128),
                                      table.dtype),
        mesh=mesh,
        scratch_types=[
            pltpu.VMEM((hist, BBLK), jnp.int32),
            pltpu.VMEM((BBLK, d), table.dtype),
            pltpu.VMEM((BBLK, d), table.dtype),
            pltpu.VMEM((ct, TPC, 8, 128), table.dtype),
            pltpu.VMEM((ct, TPC, 8, 128), table.dtype),
            pltpu.SemaphoreType.DMA,
            pltpu.SemaphoreType.DMA,
            pltpu.SemaphoreType.DMA,
            pltpu.SemaphoreType.DMA,
        ],
        compiler_params=pltpu.CompilerParams(
            use_tc_tiling_on_sc=False, needs_layout_passes=False),
    )(table, idx_t)
    l5 = ltile.reshape(hist, ct, b // 128, 8, 128)
    return jnp.transpose(l5, (2, 4, 0, 1, 3)).reshape(b, hist, d)


def kernel(indices, table):
    b, h = indices.shape
    v, d = table.shape
    idx_t = jnp.transpose(indices).astype(jnp.int32)
    nfull = v // 128
    rem = v - nfull * 128
    if rem:
        tail = table[nfull * 128:].reshape(rem * d // 128, 128)
    else:
        tail = jnp.zeros((1, 128), table.dtype)
    table_lin = _sc_detile(jnp.transpose(table), tail, v, d).reshape(v, d)
    return _sc_emb(table_lin, idx_t, b, h, d)

# --- scband reference (transcript-rebuilt; emitter-appended) ---
"""Pipeline reference for scband-torch-embeddings-31490700214475 (READ-ONLY COPY).

The authoritative reference and input builder live on the scoring server;
editing this copy changes nothing except your own understanding.
"""

import jax, jax.numpy as jnp
import numpy as np

NUM_EMBEDDINGS = 1000000
EMBEDDING_DIM = 32
BATCH = 16384
HIST_LEN = 50


def setup_inputs(seed: int = 0) -> dict:
    key = jax.random.key(seed)
    k_idx, k_tab = jax.random.split(key)
    indices = jax.random.randint(k_idx, (BATCH, HIST_LEN), 0, NUM_EMBEDDINGS, dtype=jnp.int64) if jax.config.jax_enable_x64 else jax.random.randint(k_idx, (BATCH, HIST_LEN), 0, NUM_EMBEDDINGS, dtype=jnp.int32)
    table = jax.random.normal(k_tab, (NUM_EMBEDDINGS, EMBEDDING_DIM), dtype=jnp.float32)
    return {"indices": indices, "table": table}


def reference(indices, table):
    # Faithful translation of nn.Embedding forward: row gather from the table.
    return jnp.take(table, indices, axis=0)

if __name__ == "__main__":
    import jax
    _d = setup_inputs()
    print(jax.jit(kernel)(*tuple(_d.values())))

</pallas_src>

<mosaic_0001>
#map = affine_map<(d0, d1) -> (0, 0)>
module attributes {stable_mosaic.version = 14 : i64} {
  func.func @_detile_body(%arg0: i32, %arg1: i32, %arg2: memref<32x1000000xf32, #tpu.memory_space<hbm>>, %arg3: memref<16x128xf32, #tpu.memory_space<hbm>>, %arg4: memref<250000x128xf32, #tpu.memory_space<hbm>>, %arg5: memref<32x128xf32, #tpu.memory_space<vmem>>, %arg6: memref<32x128xf32, #tpu.memory_space<vmem>>, %arg7: memref<32x128xf32, #tpu.memory_space<vmem>>, %arg8: memref<32x128xf32, #tpu.memory_space<vmem>>, %arg9: memref<!tpu.dma_semaphore, #tpu.memory_space<semaphore_mem>>, %arg10: memref<!tpu.dma_semaphore, #tpu.memory_space<semaphore_mem>>, %arg11: memref<!tpu.dma_semaphore, #tpu.memory_space<semaphore_mem>>, %arg12: memref<!tpu.dma_semaphore, #tpu.memory_space<semaphore_mem>>) attributes {dimension_semantics = [#tpu.dimension_semantics<core_parallel>, #tpu.dimension_semantics<subcore_parallel>], iteration_bounds = array<i64: 2, 16>, scalar_prefetch = 0 : i64, scratch_operands = 8 : i64, tpu.core_type = #tpu.core_type<sc_vector_subcore>, window_params = [{transform_indices = #map}, {transform_indices = #map}, {transform_indices = #map}]} {
    %mul3A = arith.constant 2 : i32
    %mul3A_0 = arith.muli %arg1, %mul3A : i32
    %add3A = arith.addi %mul3A_0, %arg0 : i32
    %mul3A_1 = arith.constant 244 : i32
    %mul3A_2 = arith.muli %mul3A_1, %add3A : i32
    %min3A = arith.constant 4 : i32
    %min3A_3 = arith.minsi %add3A, %min3A : i32
    %add3A_4 = arith.addi %mul3A_2, %min3A_3 : i32
    %lt3A = arith.constant 4 : i32
    %lt3A_5 = arith.cmpi slt, %add3A, %lt3A : i32
    %jit3A = arith.constant 1 : i32
    %jit3A_6 = arith.constant 0 : i32
    %select_n3A = arith.select %lt3A_5, %jit3A, %jit3A_6 : i32
    %add3A_7 = arith.constant 244 : i32
    %add3A_8 = arith.addi %add3A_7, %select_n3A : i32
    %iota3A = tpu.iota {dimensions = array<i32: 0>} : vector<16xi32>
    %add3A_9 = arith.constant 16 : i32
    %add3A_10 = vector.broadcast %add3A_9 : i32 to vector<16xi32>
    %add3A_11 = arith.addi %iota3A, %add3A_10 : vector<16xi32>
    %jit3A_12 = arith.constant 2 : i32
    %div3A = arith.divsi %add3A_8, %jit3A_12 : i32
    %sign3A = arith.constant 0 : i32
    %sign3A_13 = arith.cmpi sgt, %add3A_8, %sign3A : i32
    %sign3A_14 = arith.extui %sign3A_13 : i1 to i32
    %sign3A_15 = arith.constant 0 : i32
    %sign3A_16 = arith.cmpi slt, %add3A_8, %sign3A_15 : i32
    %sign3A_17 = arith.extui %sign3A_16 : i1 to i32
    %sign3A_18 = arith.subi %sign3A_14, %sign3A_17 : i32
    %sign3A_19 = arith.constant 0 : i32
    %sign3A_20 = arith.cmpi sgt, %jit3A_12, %sign3A_19 : i32
    %sign3A_21 = arith.extui %sign3A_20 : i1 to i32
    %sign3A_22 = arith.constant 0 : i32
    %sign3A_23 = arith.cmpi slt, %jit3A_12, %sign3A_22 : i32
    %sign3A_24 = arith.extui %sign3A_23 : i1 to i32
    %sign3A_25 = arith.subi %sign3A_21, %sign3A_24 : i32
    %ne3A = arith.cmpi ne, %sign3A_18, %sign3A_25 : i32
    %rem3A = arith.remsi %add3A_8, %jit3A_12 : i32
    %ne3A_26 = arith.constant 0 : i32
    %ne3A_27 = arith.cmpi ne, %rem3A, %ne3A_26 : i32
    %and3A = arith.andi %ne3A, %ne3A_27 : i1
    %sub3A = arith.constant 1 : i32
    %sub3A_28 = arith.subi %div3A, %sub3A : i32
    %select_n3A_29 = arith.select %and3A, %sub3A_28, %div3A : i32
    %gt3A = arith.constant 0 : i32
    %gt3A_30 = arith.cmpi sgt, %add3A_8, %gt3A : i32
    %convert_element_type3A = arith.extui %gt3A_30 : i1 to i32
    %cond3A = arith.constant 0 : i32
    %cond3A_31 = arith.cmpi ne, %convert_element_type3A, %cond3A : i32
    scf.if %cond3A_31 {
      %mul3A_105 = arith.constant 128 : i32
      %mul3A_106 = arith.muli %add3A_4, %mul3A_105 : i32
      %dma_start3A = arith.constant 0 : i32
      %dma_start3A_107 = arith.constant 0 : i32
      %dma_start3A_108 = tpu.memref_slice %arg5[%dma_start3A, %dma_start3A_107] : memref<32x128xf32, #tpu.memory_space<vmem>> -> memref<8x128xf32, #tpu.memory_space<vmem>>
      %dma_start3A_109 = arith.constant 0 : i32
      %dma_start3A_110 = tpu.memref_slice %arg2[%dma_start3A_109, %mul3A_106] : memref<32x1000000xf32, #tpu.memory_space<hbm>> -> memref<8x128xf32, #tpu.memory_space<hbm>>
      %dma_start3A_111 = arith.constant 0 : i32
      %dma_start3A_112 = arith.constant 0 : i32
      %dma_start3A_113 = tpu.memref_slice %arg5[%dma_start3A_111, %dma_start3A_112] : memref<32x128xf32, #tpu.memory_space<vmem>> -> memref<8x128xf32, #tpu.memory_space<vmem>>
      %dma_start3A_114 = arith.constant 0 : i32
      %dma_start3A_115 = tpu.memref_slice %arg2[%dma_start3A_114, %mul3A_106] : memref<32x1000000xf32, #tpu.memory_space<hbm>> -> memref<8x128xf32, #tpu.memory_space<hbm>>
      tpu.enqueue_dma source(%dma_start3A_115 : memref<8x128xf32, #tpu.memory_space<hbm>>) target(%dma_start3A_113 : memref<8x128xf32, #tpu.memory_space<vmem>>) target_semaphore(%arg9 : memref<!tpu.dma_semaphore, #tpu.memory_space<semaphore_mem>>)
      %mul3A_116 = arith.constant 128 : i32
      %mul3A_117 = arith.muli %add3A_4, %mul3A_116 : i32
      %dma_start3A_118 = arith.constant 8 : i32
      %dma_start3A_119 = arith.constant 0 : i32
      %dma_start3A_120 = tpu.memref_slice %arg5[%dma_start3A_118, %dma_start3A_119] : memref<32x128xf32, #tpu.memory_space<vmem>> -> memref<8x128xf32, #tpu.memory_space<vmem>>
      %dma_start3A_121 = arith.constant 8 : i32
      %dma_start3A_122 = tpu.memref_slice %arg2[%dma_start3A_121, %mul3A_117] : memref<32x1000000xf32, #tpu.memory_space<hbm>> -> memref<8x128xf32, #tpu.memory_space<hbm>>
      %dma_start3A_123 = arith.constant 8 : i32
      %dma_start3A_124 = arith.constant 0 : i32
      %dma_start3A_125 = tpu.memref_slice %arg5[%dma_start3A_123, %dma_start3A_124] : memref<32x128xf32, #tpu.memory_space<vmem>> -> memref<8x128xf32, #tpu.memory_space<vmem>>
      %dma_start3A_126 = arith.constant 8 : i32
      %dma_start3A_127 = tpu.memref_slice %arg2[%dma_start3A_126, %mul3A_117] : memref<32x1000000xf32, #tpu.memory_space<hbm>> -> memref<8x128xf32, #tpu.memory_space<hbm>>
      tpu.enqueue_dma source(%dma_start3A_127 : memref<8x128xf32, #tpu.memory_space<hbm>>) target(%dma_start3A_125 : memref<8x128xf32, #tpu.memory_space<vmem>>) target_semaphore(%arg9 : memref<!tpu.dma_semaphore, #tpu.memory_space<semaphore_mem>>)
      %mul3A_128 = arith.constant 128 : i32
      %mul3A_129 = arith.muli %add3A_4, %mul3A_128 : i32
      %dma_start3A_130 = arith.constant 16 : i32
      %dma_start3A_131 = arith.constant 0 : i32
      %dma_start3A_132 = tpu.memref_slice %arg5[%dma_start3A_130, %dma_start3A_131] : memref<32x128xf32, #tpu.memory_space<vmem>> -> memref<8x128xf32, #tpu.memory_space<vmem>>
      %dma_start3A_133 = arith.constant 16 : i32
      %dma_start3A_134 = tpu.memref_slice %arg2[%dma_start3A_133, %mul3A_129] : memref<32x1000000xf32, #tpu.memory_space<hbm>> -> memref<8x128xf32, #tpu.memory_space<hbm>>
      %dma_start3A_135 = arith.constant 16 : i32
      %dma_start3A_136 = arith.constant 0 : i32
      %dma_start3A_137 = tpu.memref_slice %arg5[%dma_start3A_135, %dma_start3A_136] : memref<32x128xf32, #tpu.memory_space<vmem>> -> memref<8x128xf32, #tpu.memory_space<vmem>>
      %dma_start3A_138 = arith.constant 16 : i32
      %dma_start3A_139 = tpu.memref_slice %arg2[%dma_start3A_138, %mul3A_129] : memref<32x1000000xf32, #tpu.memory_space<hbm>> -> memref<8x128xf32, #tpu.memory_space<hbm>>
      tpu.enqueue_dma source(%dma_start3A_139 : memref<8x128xf32, #tpu.memory_space<hbm>>) target(%dma_start3A_137 : memref<8x128xf32, #tpu.memory_space<vmem>>) target_semaphore(%arg9 : memref<!tpu.dma_semaphore, #tpu.memory_space<semaphore_mem>>)
      %mul3A_140 = arith.constant 128 : i32
      %mul3A_141 = arith.muli %add3A_4, %mul3A_140 : i32
      %dma_start3A_142 = arith.constant 24 : i32
      %dma_start3A_143 = arith.constant 0 : i32
      %dma_start3A_144 = tpu.memref_slice %arg5[%dma_start3A_142, %dma_start3A_143] : memref<32x128xf32, #tpu.memory_space<vmem>> -> memref<8x128xf32, #tpu.memory_space<vmem>>
      %dma_start3A_145 = arith.constant 24 : i32
      %dma_start3A_146 = tpu.memref_slice %arg2[%dma_start3A_145, %mul3A_141] : memref<32x1000000xf32, #tpu.memory_space<hbm>> -> memref<8x128xf32, #tpu.memory_space<hbm>>
      %dma_start3A_147 = arith.constant 24 : i32
      %dma_start3A_148 = arith.constant 0 : i32
      %dma_start3A_149 = tpu.memref_slice %arg5[%dma_start3A_147, %dma_start3A_148] : memref<32x128xf32, #tpu.memory_space<vmem>> -> memref<8x128xf32, #tpu.memory_space<vmem>>
      %dma_start3A_150 = arith.constant 24 : i32
      %dma_start3A_151 = tpu.memref_slice %arg2[%dma_start3A_150, %mul3A_141] : memref<32x1000000xf32, #tpu.memory_space<hbm>> -> memref<8x128xf32, #tpu.memory_space<hbm>>
      tpu.enqueue_dma source(%dma_start3A_151 : memref<8x128xf32, #tpu.memory_space<hbm>>) target(%dma_start3A_149 : memref<8x128xf32, #tpu.memory_space<vmem>>) target_semaphore(%arg9 : memref<!tpu.dma_semaphore, #tpu.memory_space<semaphore_mem>>)
    } else {
    }
    %gt3A_32 = arith.constant 1 : i32
    %gt3A_33 = arith.cmpi sgt, %add3A_8, %gt3A_32 : i32
    %convert_element_type3A_34 = arith.extui %gt3A_33 : i1 to i32
    %cond3A_35 = arith.constant 0 : i32
    %cond3A_36 = arith.cmpi ne, %convert_element_type3A_34, %cond3A_35 : i32
    scf.if %cond3A_36 {
      %add3A_105 = arith.constant 1 : i32
      %add3A_106 = arith.addi %add3A_4, %add3A_105 : i32
      %mul3A_107 = arith.constant 128 : i32
      %mul3A_108 = arith.muli %add3A_106, %mul3A_107 : i32
      %dma_start3A = arith.constant 0 : i32
      %dma_start3A_109 = arith.constant 0 : i32
      %dma_start3A_110 = tpu.memref_slice %arg6[%dma_start3A, %dma_start3A_109] : memref<32x128xf32, #tpu.memory_space<vmem>> -> memref<8x128xf32, #tpu.memory_space<vmem>>
      %dma_start3A_111 = arith.constant 0 : i32
      %dma_start3A_112 = tpu.memref_slice %arg2[%dma_start3A_111, %mul3A_108] : memref<32x1000000xf32, #tpu.memory_space<hbm>> -> memref<8x128xf32, #tpu.memory_space<hbm>>
      %dma_start3A_113 = arith.constant 0 : i32
      %dma_start3A_114 = arith.constant 0 : i32
      %dma_start3A_115 = tpu.memref_slice %arg6[%dma_start3A_113, %dma_start3A_114] : memref<32x128xf32, #tpu.memory_space<vmem>> -> memref<8x128xf32, #tpu.memory_space<vmem>>
      %dma_start3A_116 = arith.constant 0 : i32
      %dma_start3A_117 = tpu.memref_slice %arg2[%dma_start3A_116, %mul3A_108] : memref<32x1000000xf32, #tpu.memory_space<hbm>> -> memref<8x128xf32, #tpu.memory_space<hbm>>
      tpu.enqueue_dma source(%dma_start3A_117 : memref<8x128xf32, #tpu.memory_space<hbm>>) target(%dma_start3A_115 : memref<8x128xf32, #tpu.memory_space<vmem>>) target_semaphore(%arg10 : memref<!tpu.dma_semaphore, #tpu.memory_space<semaphore_mem>>)
      %mul3A_118 = arith.constant 128 : i32
      %mul3A_119 = arith.muli %add3A_106, %mul3A_118 : i32
      %dma_start3A_120 = arith.constant 8 : i32
      %dma_start3A_121 = arith.constant 0 : i32
      %dma_start3A_122 = tpu.memref_slice %arg6[%dma_start3A_120, %dma_start3A_121] : memref<32x128xf32, #tpu.memory_space<vmem>> -> memref<8x128xf32, #tpu.memory_space<vmem>>
      %dma_start3A_123 = arith.constant 8 : i32
      %dma_start3A_124 = tpu.memref_slice %arg2[%dma_start3A_123, %mul3A_119] : memref<32x1000000xf32, #tpu.memory_space<hbm>> -> memref<8x128xf32, #tpu.memory_space<hbm>>
      %dma_start3A_125 = arith.constant 8 : i32
      %dma_start3A_126 = arith.constant 0 : i32
      %dma_start3A_127 = tpu.memref_slice %arg6[%dma_start3A_125, %dma_start3A_126] : memref<32x128xf32, #tpu.memory_space<vmem>> -> memref<8x128xf32, #tpu.memory_space<vmem>>
      %dma_start3A_128 = arith.constant 8 : i32
      %dma_start3A_129 = tpu.memref_slice %arg2[%dma_start3A_128, %mul3A_119] : memref<32x1000000xf32, #tpu.memory_space<hbm>> -> memref<8x128xf32, #tpu.memory_space<hbm>>
      tpu.enqueue_dma source(%dma_start3A_129 : memref<8x128xf32, #tpu.memory_space<hbm>>) target(%dma_start3A_127 : memref<8x128xf32, #tpu.memory_space<vmem>>) target_semaphore(%arg10 : memref<!tpu.dma_semaphore, #tpu.memory_space<semaphore_mem>>)
      %mul3A_130 = arith.constant 128 : i32
      %mul3A_131 = arith.muli %add3A_106, %mul3A_130 : i32
      %dma_start3A_132 = arith.constant 16 : i32
      %dma_start3A_133 = arith.constant 0 : i32
      %dma_start3A_134 = tpu.memref_slice %arg6[%dma_start3A_132, %dma_start3A_133] : memref<32x128xf32, #tpu.memory_space<vmem>> -> memref<8x128xf32, #tpu.memory_space<vmem>>
      %dma_start3A_135 = arith.constant 16 : i32
      %dma_start3A_136 = tpu.memref_slice %arg2[%dma_start3A_135, %mul3A_131] : memref<32x1000000xf32, #tpu.memory_space<hbm>> -> memref<8x128xf32, #tpu.memory_space<hbm>>
      %dma_start3A_137 = arith.constant 16 : i32
      %dma_start3A_138 = arith.constant 0 : i32
      %dma_start3A_139 = tpu.memref_slice %arg6[%dma_start3A_137, %dma_start3A_138] : memref<32x128xf32, #tpu.memory_space<vmem>> -> memref<8x128xf32, #tpu.memory_space<vmem>>
      %dma_start3A_140 = arith.constant 16 : i32
      %dma_start3A_141 = tpu.memref_slice %arg2[%dma_start3A_140, %mul3A_131] : memref<32x1000000xf32, #tpu.memory_space<hbm>> -> memref<8x128xf32, #tpu.memory_space<hbm>>
      tpu.enqueue_dma source(%dma_start3A_141 : memref<8x128xf32, #tpu.memory_space<hbm>>) target(%dma_start3A_139 : memref<8x128xf32, #tpu.memory_space<vmem>>) target_semaphore(%arg10 : memref<!tpu.dma_semaphore, #tpu.memory_space<semaphore_mem>>)
      %mul3A_142 = arith.constant 128 : i32
      %mul3A_143 = arith.muli %add3A_106, %mul3A_142 : i32
      %dma_start3A_144 = arith.constant 24 : i32
      %dma_start3A_145 = arith.constant 0 : i32
      %dma_start3A_146 = tpu.memref_slice %arg6[%dma_start3A_144, %dma_start3A_145] : memref<32x128xf32, #tpu.memory_space<vmem>> -> memref<8x128xf32, #tpu.memory_space<vmem>>
      %dma_start3A_147 = arith.constant 24 : i32
      %dma_start3A_148 = tpu.memref_slice %arg2[%dma_start3A_147, %mul3A_143] : memref<32x1000000xf32, #tpu.memory_space<hbm>> -> memref<8x128xf32, #tpu.memory_space<hbm>>
      %dma_start3A_149 = arith.constant 24 : i32
      %dma_start3A_150 = arith.constant 0 : i32
      %dma_start3A_151 = tpu.memref_slice %arg6[%dma_start3A_149, %dma_start3A_150] : memref<32x128xf32, #tpu.memory_space<vmem>> -> memref<8x128xf32, #tpu.memory_space<vmem>>
      %dma_start3A_152 = arith.constant 24 : i32
      %dma_start3A_153 = tpu.memref_slice %arg2[%dma_start3A_152, %mul3A_143] : memref<32x1000000xf32, #tpu.memory_space<hbm>> -> memref<8x128xf32, #tpu.memory_space<hbm>>
      tpu.enqueue_dma source(%dma_start3A_153 : memref<8x128xf32, #tpu.memory_space<hbm>>) target(%dma_start3A_151 : memref<8x128xf32, #tpu.memory_space<vmem>>) target_semaphore(%arg10 : memref<!tpu.dma_semaphore, #tpu.memory_space<semaphore_mem>>)
    } else {
    }
    %sub3A_37 = arith.constant 0 : i32
    %sub3A_38 = arith.subi %select_n3A_29, %sub3A_37 : i32
    %sub3A_39 = arith.constant 1 : i32
    %sub3A_40 = arith.constant 1 : i32
    %sub3A_41 = arith.subi %sub3A_39, %sub3A_40 : i32
    %add3A_42 = arith.addi %sub3A_38, %sub3A_41 : i32
    %div3A_43 = arith.constant 1 : i32
    %div3A_44 = arith.divsi %add3A_42, %div3A_43 : i32
    %while3A = arith.constant 1 : i32
    %while3A_45 = arith.constant 0 : i32
    %while3A_46 = arith.constant 0 : i32
    %while3A_47 = arith.subi %div3A_44, %while3A_46 : i32
    %while3A_48 = arith.addi %while3A_46, %while3A_47 : i32
    %while3A_49 = arith.constant 1 : i32
    %while3A_50 = arith.divsi %while3A_47, %while3A_49 : i32
    %while3A_51 = arith.muli %while3A_50, %while3A_49 : i32
    %while3A_52 = arith.addi %while3A_46, %while3A_51 : i32
    %while3A_53 = arith.constant 1 : i32
    scf.for %while3A_105 = %while3A_46 to %while3A_52 step %while3A_53  : i32 {
      %mul3A_106 = arith.muli %while3A_105, %while3A : i32
      %add3A_107 = arith.addi %while3A_45, %mul3A_106 : i32
      %mul3A_108 = arith.constant 2 : i32
      %mul3A_109 = arith.muli %mul3A_108, %add3A_107 : i32
      %add3A_110 = arith.addi %add3A_4, %mul3A_109 : i32
      %add3A_111 = arith.constant 0 : i32
      %add3A_112 = arith.addi %add3A_110, %add3A_111 : i32
      %mul3A_113 = arith.constant 128 : i32
      %mul3A_114 = arith.muli %add3A_112, %mul3A_113 : i32
      %dma_wait3A = arith.constant 0 : i32
      %dma_wait3A_115 = arith.constant 0 : i32
      %dma_wait3A_116 = tpu.memref_slice %arg5[%dma_wait3A, %dma_wait3A_115] : memref<32x128xf32, #tpu.memory_space<vmem>> -> memref<8x128xf32, #tpu.memory_space<vmem>>
      %dma_wait3A_117 = arith.constant 0 : i32
      %dma_wait3A_118 = tpu.memref_slice %arg2[%dma_wait3A_117, %mul3A_114] : memref<32x1000000xf32, #tpu.memory_space<hbm>> -> memref<8x128xf32, #tpu.memory_space<hbm>>
      %dma_wait3A_119 = arith.constant 0 : i32
      %dma_wait3A_120 = arith.constant 0 : i32
      %dma_wait3A_121 = tpu.memref_slice %arg5[%dma_wait3A_119, %dma_wait3A_120] : memref<32x128xf32, #tpu.memory_space<vmem>> -> memref<8x128xf32, #tpu.memory_space<vmem>>
      %dma_wait3A_122 = arith.constant 0 : i32
      %dma_wait3A_123 = tpu.memref_slice %arg2[%dma_wait3A_122, %mul3A_114] : memref<32x1000000xf32, #tpu.memory_space<hbm>> -> memref<8x128xf32, #tpu.memory_space<hbm>>
      tpu.wait_dma2 semaphore(%arg9 : memref<!tpu.dma_semaphore, #tpu.memory_space<semaphore_mem>>) src(%dma_wait3A_123 : memref<8x128xf32, #tpu.memory_space<hbm>>) dst(%dma_wait3A_121 : memref<8x128xf32, #tpu.memory_space<vmem>>)
      %mul3A_124 = arith.constant 128 : i32
      %mul3A_125 = arith.muli %add3A_112, %mul3A_124 : i32
      %dma_wait3A_126 = arith.constant 8 : i32
      %dma_wait3A_127 = arith.constant 0 : i32
      %dma_wait3A_128 = tpu.memref_slice %arg5[%dma_wait3A_126, %dma_wait3A_127] : memref<32x128xf32, #tpu.memory_space<vmem>> -> memref<8x128xf32, #tpu.memory_space<vmem>>
      %dma_wait3A_129 = arith.constant 8 : i32
      %dma_wait3A_130 = tpu.memref_slice %arg2[%dma_wait3A_129, %mul3A_125] : memref<32x1000000xf32, #tpu.memory_space<hbm>> -> memref<8x128xf32, #tpu.memory_space<hbm>>
      %dma_wait3A_131 = arith.constant 8 : i32
      %dma_wait3A_132 = arith.constant 0 : i32
      %dma_wait3A_133 = tpu.memref_slice %arg5[%dma_wait3A_131, %dma_wait3A_132] : memref<32x128xf32, #tpu.memory_space<vmem>> -> memref<8x128xf32, #tpu.memory_space<vmem>>
      %dma_wait3A_134 = arith.constant 8 : i32
      %dma_wait3A_135 = tpu.memref_slice %arg2[%dma_wait3A_134, %mul3A_125] : memref<32x1000000xf32, #tpu.memory_space<hbm>> -> memref<8x128xf32, #tpu.memory_space<hbm>>
      tpu.wait_dma2 semaphore(%arg9 : memref<!tpu.dma_semaphore, #tpu.memory_space<semaphore_mem>>) src(%dma_wait3A_135 : memref<8x128xf32, #tpu.memory_space<hbm>>) dst(%dma_wait3A_133 : memref<8x128xf32, #tpu.memory_space<vmem>>)
      %mul3A_136 = arith.constant 128 : i32
      %mul3A_137 = arith.muli %add3A_112, %mul3A_136 : i32
      %dma_wait3A_138 = arith.constant 16 : i32
      %dma_wait3A_139 = arith.constant 0 : i32
      %dma_wait3A_140 = tpu.memref_slice %arg5[%dma_wait3A_138, %dma_wait3A_139] : memref<32x128xf32, #tpu.memory_space<vmem>> -> memref<8x128xf32, #tpu.memory_space<vmem>>
      %dma_wait3A_141 = arith.constant 16 : i32
      %dma_wait3A_142 = tpu.memref_slice %arg2[%dma_wait3A_141, %mul3A_137] : memref<32x1000000xf32, #tpu.memory_space<hbm>> -> memref<8x128xf32, #tpu.memory_space<hbm>>
      %dma_wait3A_143 = arith.constant 16 : i32
      %dma_wait3A_144 = arith.constant 0 : i32
      %dma_wait3A_145 = tpu.memref_slice %arg5[%dma_wait3A_143, %dma_wait3A_144] : memref<32x128xf32, #tpu.memory_space<vmem>> -> memref<8x128xf32, #tpu.memory_space<vmem>>
      %dma_wait3A_146 = arith.constant 16 : i32
      %dma_wait3A_147 = tpu.memref_slice %arg2[%dma_wait3A_146, %mul3A_137] : memref<32x1000000xf32, #tpu.memory_space<hbm>> -> memref<8x128xf32, #tpu.memory_space<hbm>>
      tpu.wait_dma2 semaphore(%arg9 : memref<!tpu.dma_semaphore, #tpu.memory_space<semaphore_mem>>) src(%dma_wait3A_147 : memref<8x128xf32, #tpu.memory_space<hbm>>) dst(%dma_wait3A_145 : memref<8x128xf32, #tpu.memory_space<vmem>>)
      %mul3A_148 = arith.constant 128 : i32
      %mul3A_149 = arith.muli %add3A_112, %mul3A_148 : i32
      %dma_wait3A_150 = arith.constant 24 : i32
      %dma_wait3A_151 = arith.constant 0 : i32
      %dma_wait3A_152 = tpu.memref_slice %arg5[%dma_wait3A_150, %dma_wait3A_151] : memref<32x128xf32, #tpu.memory_space<vmem>> -> memref<8x128xf32, #tpu.memory_space<vmem>>
      %dma_wait3A_153 = arith.constant 24 : i32
      %dma_wait3A_154 = tpu.memref_slice %arg2[%dma_wait3A_153, %mul3A_149] : memref<32x1000000xf32, #tpu.memory_space<hbm>> -> memref<8x128xf32, #tpu.memory_space<hbm>>
      %dma_wait3A_155 = arith.constant 24 : i32
      %dma_wait3A_156 = arith.constant 0 : i32
      %dma_wait3A_157 = tpu.memref_slice %arg5[%dma_wait3A_155, %dma_wait3A_156] : memref<32x128xf32, #tpu.memory_space<vmem>> -> memref<8x128xf32, #tpu.memory_space<vmem>>
      %dma_wait3A_158 = arith.constant 24 : i32
      %dma_wait3A_159 = tpu.memref_slice %arg2[%dma_wait3A_158, %mul3A_149] : memref<32x1000000xf32, #tpu.memory_space<hbm>> -> memref<8x128xf32, #tpu.memory_space<hbm>>
      tpu.wait_dma2 semaphore(%arg9 : memref<!tpu.dma_semaphore, #tpu.memory_space<semaphore_mem>>) src(%dma_wait3A_159 : memref<8x128xf32, #tpu.memory_space<hbm>>) dst(%dma_wait3A_157 : memref<8x128xf32, #tpu.memory_space<vmem>>)
      %gt3A_160 = arith.constant 0 : i32
      %gt3A_161 = arith.cmpi sgt, %add3A_107, %gt3A_160 : i32
      %convert_element_type3A_162 = arith.extui %gt3A_161 : i1 to i32
      %cond3A_163 = arith.constant 0 : i32
      %cond3A_164 = arith.cmpi ne, %convert_element_type3A_162, %cond3A_163 : i32
      scf.if %cond3A_164 {
        %sub3A_256 = arith.constant 2 : i32
        %sub3A_257 = arith.subi %add3A_112, %sub3A_256 : i32
        %mul3A_258 = arith.constant 32 : i32
        %mul3A_259 = arith.muli %sub3A_257, %mul3A_258 : i32
        %dma_wait3A_260 = arith.constant 0 : i32
        %dma_wait3A_261 = tpu.memref_slice %arg4[%mul3A_259, %dma_wait3A_260] : memref<250000x128xf32, #tpu.memory_space<hbm>> -> memref<32x128xf32, #tpu.memory_space<hbm>>
        %dma_wait3A_262 = arith.constant 0 : i32
        %dma_wait3A_263 = tpu.memref_slice %arg4[%mul3A_259, %dma_wait3A_262] : memref<250000x128xf32, #tpu.memory_space<hbm>> -> memref<32x128xf32, #tpu.memory_space<hbm>>
        tpu.wait_dma2 semaphore(%arg11 : memref<!tpu.dma_semaphore, #tpu.memory_space<semaphore_mem>>) src(%arg7 : memref<32x128xf32, #tpu.memory_space<vmem>>) dst(%dma_wait3A_263 : memref<32x128xf32, #tpu.memory_space<hbm>>)
      } else {
      }
      %parallel_loop3A = arith.constant 0 : i32
      %parallel_loop3A_165 = arith.constant 32 : i32
      %parallel_loop3A_166 = arith.constant 1 : i32
      scf.for %parallel_loop3A_256 = %parallel_loop3A to %parallel_loop3A_165 step %parallel_loop3A_166  : i32 {
        %parallel_loop3A_257 = arith.constant 4 : i32
        %parallel_loop3A_258 = arith.muli %parallel_loop3A_256, %parallel_loop3A_257 : i32
        %parallel_loop3A_259 = arith.constant 0 : i32
        %parallel_loop3A_260 = arith.addi %parallel_loop3A_258, %parallel_loop3A_259 : i32
        %parallel_loop3A_261 = arith.constant 0 : i32
        %parallel_loop3A_262 = vector.broadcast %parallel_loop3A_261 : i32 to vector<16xi32>
        %parallel_loop3A_263 = vector.broadcast %parallel_loop3A_260 : i32 to vector<16xi32>
        %parallel_loop3A_264 = arith.addi %parallel_loop3A_262, %parallel_loop3A_263 : vector<16xi32>
        %parallel_loop3A_265 = tpu.vector_load_idx %arg5[%iota3A, %parallel_loop3A_264] : memref<32x128xf32, #tpu.memory_space<vmem>>[vector<16xi32>, vector<16xi32>], vector<16xf32>,
        %parallel_loop3A_266 = arith.index_cast %parallel_loop3A_256 : i32 to index
        %parallel_loop3A_267 = arith.constant 0 : index
        %parallel_loop3A_268 = tpu.vector_load %arg7[%parallel_loop3A_266, %parallel_loop3A_267] {strides = array<i32>} : memref<32x128xf32, #tpu.memory_space<vmem>>, vector<16xf32>,
        tpu.vector_store %arg7[%parallel_loop3A_266, %parallel_loop3A_267], %parallel_loop3A_265 {strides = array<i32>} : memref<32x128xf32, #tpu.memory_space<vmem>>, vector<16xf32>,
        %parallel_loop3A_269 = arith.constant 4 : i32
        %parallel_loop3A_270 = arith.muli %parallel_loop3A_256, %parallel_loop3A_269 : i32
        %parallel_loop3A_271 = arith.constant 0 : i32
        %parallel_loop3A_272 = arith.addi %parallel_loop3A_270, %parallel_loop3A_271 : i32
        %parallel_loop3A_273 = arith.constant 0 : i32
        %parallel_loop3A_274 = vector.broadcast %parallel_loop3A_273 : i32 to vector<16xi32>
        %parallel_loop3A_275 = vector.broadcast %parallel_loop3A_272 : i32 to vector<16xi32>
        %parallel_loop3A_276 = arith.addi %parallel_loop3A_274, %parallel_loop3A_275 : vector<16xi32>
        %parallel_loop3A_277 = tpu.vector_load_idx %arg5[%add3A_11, %parallel_loop3A_276] : memref<32x128xf32, #tpu.memory_space<vmem>>[vector<16xi32>, vector<16xi32>], vector<16xf32>,
        %parallel_loop3A_278 = arith.index_cast %parallel_loop3A_256 : i32 to index
        %parallel_loop3A_279 = arith.constant 16 : index
        %parallel_loop3A_280 = tpu.vector_load %arg7[%parallel_loop3A_278, %parallel_loop3A_279] {strides = array<i32>} : memref<32x128xf32, #tpu.memory_space<vmem>>, vector<16xf32>,
        tpu.vector_store %arg7[%parallel_loop3A_278, %parallel_loop3A_279], %parallel_loop3A_277 {strides = array<i32>} : memref<32x128xf32, #tpu.memory_space<vmem>>, vector<16xf32>,
        %parallel_loop3A_281 = arith.constant 4 : i32
        %parallel_loop3A_282 = arith.muli %parallel_loop3A_256, %parallel_loop3A_281 : i32
        %parallel_loop3A_283 = arith.constant 1 : i32
        %parallel_loop3A_284 = arith.addi %parallel_loop3A_282, %parallel_loop3A_283 : i32
        %parallel_loop3A_285 = arith.constant 0 : i32
        %parallel_loop3A_286 = vector.broadcast %parallel_loop3A_285 : i32 to vector<16xi32>
        %parallel_loop3A_287 = vector.broadcast %parallel_loop3A_284 : i32 to vector<16xi32>
        %parallel_loop3A_288 = arith.addi %parallel_loop3A_286, %parallel_loop3A_287 : vector<16xi32>
        %parallel_loop3A_289 = tpu.vector_load_idx %arg5[%iota3A, %parallel_loop3A_288] : memref<32x128xf32, #tpu.memory_space<vmem>>[vector<16xi32>, vector<16xi32>], vector<16xf32>,
        %parallel_loop3A_290 = arith.index_cast %parallel_loop3A_256 : i32 to index
        %parallel_loop3A_291 = arith.constant 32 : index
        %parallel_loop3A_292 = tpu.vector_load %arg7[%parallel_loop3A_290, %parallel_loop3A_291] {strides = array<i32>} : memref<32x128xf32, #tpu.memory_space<vmem>>, vector<16xf32>,
        tpu.vector_store %arg7[%parallel_loop3A_290, %parallel_loop3A_291], %parallel_loop3A_289 {strides = array<i32>} : memref<32x128xf32, #tpu.memory_space<vmem>>, vector<16xf32>,
        %parallel_loop3A_293 = arith.constant 4 : i32
        %parallel_loop3A_294 = arith.muli %parallel_loop3A_256, %parallel_loop3A_293 : i32
        %parallel_loop3A_295 = arith.constant 1 : i32
        %parallel_loop3A_296 = arith.addi %parallel_loop3A_294, %parallel_loop3A_295 : i32
        %parallel_loop3A_297 = arith.constant 0 : i32
        %parallel_loop3A_298 = vector.broadcast %parallel_loop3A_297 : i32 to vector<16xi32>
        %parallel_loop3A_299 = vector.broadcast %parallel_loop3A_296 : i32 to vector<16xi32>
        %parallel_loop3A_300 = arith.addi %parallel_loop3A_298, %parallel_loop3A_299 : vector<16xi32>
        %parallel_loop3A_301 = tpu.vector_load_idx %arg5[%add3A_11, %parallel_loop3A_300] : memref<32x128xf32, #tpu.memory_space<vmem>>[vector<16xi32>, vector<16xi32>], vector<16xf32>,
        %parallel_loop3A_302 = arith.index_cast %parallel_loop3A_256 : i32 to index
        %parallel_loop3A_303 = arith.constant 48 : index
        %parallel_loop3A_304 = tpu.vector_load %arg7[%parallel_loop3A_302, %parallel_loop3A_303] {strides = array<i32>} : memref<32x128xf32, #tpu.memory_space<vmem>>, vector<16xf32>,
        tpu.vector_store %arg7[%parallel_loop3A_302, %parallel_loop3A_303], %parallel_loop3A_301 {strides = array<i32>} : memref<32x128xf32, #tpu.memory_space<vmem>>, vector<16xf32>,
        %parallel_loop3A_305 = arith.constant 4 : i32
        %parallel_loop3A_306 = arith.muli %parallel_loop3A_256, %parallel_loop3A_305 : i32
        %parallel_loop3A_307 = arith.constant 2 : i32
        %parallel_loop3A_308 = arith.addi %parallel_loop3A_306, %parallel_loop3A_307 : i32
        %parallel_loop3A_309 = arith.constant 0 : i32
        %parallel_loop3A_310 = vector.broadcast %parallel_loop3A_309 : i32 to vector<16xi32>
        %parallel_loop3A_311 = vector.broadcast %parallel_loop3A_308 : i32 to vector<16xi32>
        %parallel_loop3A_312 = arith.addi %parallel_loop3A_310, %parallel_loop3A_311 : vector<16xi32>
        %parallel_loop3A_313 = tpu.vector_load_idx %arg5[%iota3A, %parallel_loop3A_312] : memref<32x128xf32, #tpu.memory_space<vmem>>[vector<16xi32>, vector<16xi32>], vector<16xf32>,
        %parallel_loop3A_314 = arith.index_cast %parallel_loop3A_256 : i32 to index
        %parallel_loop3A_315 = arith.constant 64 : index
        %parallel_loop3A_316 = tpu.vector_load %arg7[%parallel_loop3A_314, %parallel_loop3A_315] {strides = array<i32>} : memref<32x128xf32, #tpu.memory_space<vmem>>, vector<16xf32>,
        tpu.vector_store %arg7[%parallel_loop3A_314, %parallel_loop3A_315], %parallel_loop3A_313 {strides = array<i32>} : memref<32x128xf32, #tpu.memory_space<vmem>>, vector<16xf32>,
        %parallel_loop3A_317 = arith.constant 4 : i32
        %parallel_loop3A_318 = arith.muli %parallel_loop3A_256, %parallel_loop3A_317 : i32
        %parallel_loop3A_319 = arith.constant 2 : i32
        %parallel_loop3A_320 = arith.addi %parallel_loop3A_318, %parallel_loop3A_319 : i32
        %parallel_loop3A_321 = arith.constant 0 : i32
        %parallel_loop3A_322 = vector.broadcast %parallel_loop3A_321 : i32 to vector<16xi32>
        %parallel_loop3A_323 = vector.broadcast %parallel_loop3A_320 : i32 to vector<16xi32>
        %parallel_loop3A_324 = arith.addi %parallel_loop3A_322, %parallel_loop3A_323 : vector<16xi32>
        %parallel_loop3A_325 = tpu.vector_load_idx %arg5[%add3A_11, %parallel_loop3A_324] : memref<32x128xf32, #tpu.memory_space<vmem>>[vector<16xi32>, vector<16xi32>], vector<16xf32>,
        %parallel_loop3A_326 = arith.index_cast %parallel_loop3A_256 : i32 to index
        %parallel_loop3A_327 = arith.constant 80 : index
        %parallel_loop3A_328 = tpu.vector_load %arg7[%parallel_loop3A_326, %parallel_loop3A_327] {strides = array<i32>} : memref<32x128xf32, #tpu.memory_space<vmem>>, vector<16xf32>,
        tpu.vector_store %arg7[%parallel_loop3A_326, %parallel_loop3A_327], %parallel_loop3A_325 {strides = array<i32>} : memref<32x128xf32, #tpu.memory_space<vmem>>, vector<16xf32>,
        %parallel_loop3A_329 = arith.constant 4 : i32
        %parallel_loop3A_330 = arith.muli %parallel_loop3A_256, %parallel_loop3A_329 : i32
        %parallel_loop3A_331 = arith.constant 3 : i32
        %parallel_loop3A_332 = arith.addi %parallel_loop3A_330, %parallel_loop3A_331 : i32
        %parallel_loop3A_333 = arith.constant 0 : i32
        %parallel_loop3A_334 = vector.broadcast %parallel_loop3A_333 : i32 to vector<16xi32>
        %parallel_loop3A_335 = vector.broadcast %parallel_loop3A_332 : i32 to vector<16xi32>
        %parallel_loop3A_336 = arith.addi %parallel_loop3A_334, %parallel_loop3A_335 : vector<16xi32>
        %parallel_loop3A_337 = tpu.vector_load_idx %arg5[%iota3A, %parallel_loop3A_336] : memref<32x128xf32, #tpu.memory_space<vmem>>[vector<16xi32>, vector<16xi32>], vector<16xf32>,
        %parallel_loop3A_338 = arith.index_cast %parallel_loop3A_256 : i32 to index
        %parallel_loop3A_339 = arith.constant 96 : index
        %parallel_loop3A_340 = tpu.vector_load %arg7[%parallel_loop3A_338, %parallel_loop3A_339] {strides = array<i32>} : memref<32x128xf32, #tpu.memory_space<vmem>>, vector<16xf32>,
        tpu.vector_store %arg7[%parallel_loop3A_338, %parallel_loop3A_339], %parallel_loop3A_337 {strides = array<i32>} : memref<32x128xf32, #tpu.memory_space<vmem>>, vector<16xf32>,
        %parallel_loop3A_341 = arith.constant 4 : i32
        %parallel_loop3A_342 = arith.muli %parallel_loop3A_256, %parallel_loop3A_341 : i32
        %parallel_loop3A_343 = arith.constant 3 : i32
        %parallel_loop3A_344 = arith.addi %parallel_loop3A_342, %parallel_loop3A_343 : i32
        %parallel_loop3A_345 = arith.constant 0 : i32
        %parallel_loop3A_346 = vector.broadcast %parallel_loop3A_345 : i32 to vector<16xi32>
        %parallel_loop3A_347 = vector.broadcast %parallel_loop3A_344 : i32 to vector<16xi32>
        %parallel_loop3A_348 = arith.addi %parallel_loop3A_346, %parallel_loop3A_347 : vector<16xi32>
        %parallel_loop3A_349 = tpu.vector_load_idx %arg5[%add3A_11, %parallel_loop3A_348] : memref<32x128xf32, #tpu.memory_space<vmem>>[vector<16xi32>, vector<16xi32>], vector<16xf32>,
        %parallel_loop3A_350 = arith.index_cast %parallel_loop3A_256 : i32 to index
        %parallel_loop3A_351 = arith.constant 112 : index
        %parallel_loop3A_352 = tpu.vector_load %arg7[%parallel_loop3A_350, %parallel_loop3A_351] {strides = array<i32>} : memref<32x128xf32, #tpu.memory_space<vmem>>, vector<16xf32>,
        tpu.vector_store %arg7[%parallel_loop3A_350, %parallel_loop3A_351], %parallel_loop3A_349 {strides = array<i32>} : memref<32x128xf32, #tpu.memory_space<vmem>>, vector<16xf32>,
      } {sc.loop_unroll_factor = 2 : i64, sc.parallel_access}
      %mul3A_167 = arith.constant 32 : i32
      %mul3A_168 = arith.muli %add3A_112, %mul3A_167 : i32
      %dma_start3A = arith.constant 0 : i32
      %dma_start3A_169 = tpu.memref_slice %arg4[%mul3A_168, %dma_start3A] : memref<250000x128xf32, #tpu.memory_space<hbm>> -> memref<32x128xf32, #tpu.memory_space<hbm>>
      %dma_start3A_170 = arith.constant 0 : i32
      %dma_start3A_171 = tpu.memref_slice %arg4[%mul3A_168, %dma_start3A_170] : memref<250000x128xf32, #tpu.memory_space<hbm>> -> memref<32x128xf32, #tpu.memory_space<hbm>>
      tpu.enqueue_dma source(%arg7 : memref<32x128xf32, #tpu.memory_space<vmem>>) target(%dma_start3A_171 : memref<32x128xf32, #tpu.memory_space<hbm>>) target_semaphore(%arg11 : memref<!tpu.dma_semaphore, #tpu.memory_space<semaphore_mem>>)
      %mul3A_172 = arith.constant 2 : i32
      %mul3A_173 = arith.muli %mul3A_172, %add3A_107 : i32
      %add3A_174 = arith.constant 2 : i32
      %add3A_175 = arith.addi %mul3A_173, %add3A_174 : i32
      %add3A_176 = arith.constant 0 : i32
      %add3A_177 = arith.addi %add3A_175, %add3A_176 : i32
      %lt3A_178 = arith.cmpi slt, %add3A_177, %add3A_8 : i32
      %convert_element_type3A_179 = arith.extui %lt3A_178 : i1 to i32
      %cond3A_180 = arith.constant 0 : i32
      %cond3A_181 = arith.cmpi ne, %convert_element_type3A_179, %cond3A_180 : i32
      scf.if %cond3A_181 {
        %add3A_256 = arith.constant 2 : i32
        %add3A_257 = arith.addi %add3A_112, %add3A_256 : i32
        %mul3A_258 = arith.constant 128 : i32
        %mul3A_259 = arith.muli %add3A_257, %mul3A_258 : i32
        %dma_start3A_260 = arith.constant 0 : i32
        %dma_start3A_261 = arith.constant 0 : i32
        %dma_start3A_262 = tpu.memref_slice %arg5[%dma_start3A_260, %dma_start3A_261] : memref<32x128xf32, #tpu.memory_space<vmem>> -> memref<8x128xf32, #tpu.memory_space<vmem>>
        %dma_start3A_263 = arith.constant 0 : i32
        %dma_start3A_264 = tpu.memref_slice %arg2[%dma_start3A_263, %mul3A_259] : memref<32x1000000xf32, #tpu.memory_space<hbm>> -> memref<8x128xf32, #tpu.memory_space<hbm>>
        %dma_start3A_265 = arith.constant 0 : i32
        %dma_start3A_266 = arith.constant 0 : i32
        %dma_start3A_267 = tpu.memref_slice %arg5[%dma_start3A_265, %dma_start3A_266] : memref<32x128xf32, #tpu.memory_space<vmem>> -> memref<8x128xf32, #tpu.memory_space<vmem>>
        %dma_start3A_268 = arith.constant 0 : i32
        %dma_start3A_269 = tpu.memref_slice %arg2[%dma_start3A_268, %mul3A_259] : memref<32x1000000xf32, #tpu.memory_space<hbm>> -> memref<8x128xf32, #tpu.memory_space<hbm>>
        tpu.enqueue_dma source(%dma_start3A_269 : memref<8x128xf32, #tpu.memory_space<hbm>>) target(%dma_start3A_267 : memref<8x128xf32, #tpu.memory_space<vmem>>) target_semaphore(%arg9 : memref<!tpu.dma_semaphore, #tpu.memory_space<semaphore_mem>>)
        %mul3A_270 = arith.constant 128 : i32
        %mul3A_271 = arith.muli %add3A_257, %mul3A_270 : i32
        %dma_start3A_272 = arith.constant 8 : i32
        %dma_start3A_273 = arith.constant 0 : i32
        %dma_start3A_274 = tpu.memref_slice %arg5[%dma_start3A_272, %dma_start3A_273] : memref<32x128xf32, #tpu.memory_space<vmem>> -> memref<8x128xf32, #tpu.memory_space<vmem>>
        %dma_start3A_275 = arith.constant 8 : i32
        %dma_start3A_276 = tpu.memref_slice %arg2[%dma_start3A_275, %mul3A_271] : memref<32x1000000xf32, #tpu.memory_space<hbm>> -> memref<8x128xf32, #tpu.memory_space<hbm>>
        %dma_start3A_277 = arith.constant 8 : i32
        %dma_start3A_278 = arith.constant 0 : i32
        %dma_start3A_279 = tpu.memref_slice %arg5[%dma_start3A_277, %dma_start3A_278] : memref<32x128xf32, #tpu.memory_space<vmem>> -> memref<8x128xf32, #tpu.memory_space<vmem>>
        %dma_start3A_280 = arith.constant 8 : i32
        %dma_start3A_281 = tpu.memref_slice %arg2[%dma_start3A_280, %mul3A_271] : memref<32x1000000xf32, #tpu.memory_space<hbm>> -> memref<8x128xf32, #tpu.memory_space<hbm>>
        tpu.enqueue_dma source(%dma_start3A_281 : memref<8x128xf32, #tpu.memory_space<hbm>>) target(%dma_start3A_279 : memref<8x128xf32, #tpu.memory_space<vmem>>) target_semaphore(%arg9 : memref<!tpu.dma_semaphore, #tpu.memory_space<semaphore_mem>>)
        %mul3A_282 = arith.constant 128 : i32
        %mul3A_283 = arith.muli %add3A_257, %mul3A_282 : i32
        %dma_start3A_284 = arith.constant 16 : i32
        %dma_start3A_285 = arith.constant 0 : i32
        %dma_start3A_286 = tpu.memref_slice %arg5[%dma_start3A_284, %dma_start3A_285] : memref<32x128xf32, #tpu.memory_space<vmem>> -> memref<8x128xf32, #tpu.memory_space<vmem>>
        %dma_start3A_287 = arith.constant 16 : i32
        %dma_start3A_288 = tpu.memref_slice %arg2[%dma_start3A_287, %mul3A_283] : memref<32x1000000xf32, #tpu.memory_space<hbm>> -> memref<8x128xf32, #tpu.memory_space<hbm>>
        %dma_start3A_289 = arith.constant 16 : i32
        %dma_start3A_290 = arith.constant 0 : i32
        %dma_start3A_291 = tpu.memref_slice %arg5[%dma_start3A_289, %dma_start3A_290] : memref<32x128xf32, #tpu.memory_space<vmem>> -> memref<8x128xf32, #tpu.memory_space<vmem>>
        %dma_start3A_292 = arith.constant 16 : i32
        %dma_start3A_293 = tpu.memref_slice %arg2[%dma_start3A_292, %mul3A_283] : memref<32x1000000xf32, #tpu.memory_space<hbm>> -> memref<8x128xf32, #tpu.memory_space<hbm>>
        tpu.enqueue_dma source(%dma_start3A_293 : memref<8x128xf32, #tpu.memory_space<hbm>>) target(%dma_start3A_291 : memref<8x128xf32, #tpu.memory_space<vmem>>) target_semaphore(%arg9 : memref<!tpu.dma_semaphore, #tpu.memory_space<semaphore_mem>>)
        %mul3A_294 = arith.constant 128 : i32
        %mul3A_295 = arith.muli %add3A_257, %mul3A_294 : i32
        %dma_start3A_296 = arith.constant 24 : i32
        %dma_start3A_297 = arith.constant 0 : i32
        %dma_start3A_298 = tpu.memref_slice %arg5[%dma_start3A_296, %dma_start3A_297] : memref<32x128xf32, #tpu.memory_space<vmem>> -> memref<8x128xf32, #tpu.memory_space<vmem>>
        %dma_start3A_299 = arith.constant 24 : i32
        %dma_start3A_300 = tpu.memref_slice %arg2[%dma_start3A_299, %mul3A_295] : memref<32x1000000xf32, #tpu.memory_space<hbm>> -> memref<8x128xf32, #tpu.memory_space<hbm>>
        %dma_start3A_301 = arith.constant 24 : i32
        %dma_start3A_302 = arith.constant 0 : i32
        %dma_start3A_303 = tpu.memref_slice %arg5[%dma_start3A_301, %dma_start3A_302] : memref<32x128xf32, #tpu.memory_space<vmem>> -> memref<8x128xf32, #tpu.memory_space<vmem>>
        %dma_start3A_304 = arith.constant 24 : i32
        %dma_start3A_305 = tpu.memref_slice %arg2[%dma_start3A_304, %mul3A_295] : memref<32x1000000xf32, #tpu.memory_space<hbm>> -> memref<8x128xf32, #tpu.memory_space<hbm>>
        tpu.enqueue_dma source(%dma_start3A_305 : memref<8x128xf32, #tpu.memory_space<hbm>>) target(%dma_start3A_303 : memref<8x128xf32, #tpu.memory_space<vmem>>) target_semaphore(%arg9 : memref<!tpu.dma_semaphore, #tpu.memory_space<semaphore_mem>>)
      } else {
      }
      %add3A_182 = arith.constant 1 : i32
      %add3A_183 = arith.addi %add3A_110, %add3A_182 : i32
      %mul3A_184 = arith.constant 128 : i32
      %mul3A_185 = arith.muli %add3A_183, %mul3A_184 : i32
      %dma_wait3A_186 = arith.constant 0 : i32
      %dma_wait3A_187 = arith.constant 0 : i32
      %dma_wait3A_188 = tpu.memref_slice %arg6[%dma_wait3A_186, %dma_wait3A_187] : memref<32x128xf32, #tpu.memory_space<vmem>> -> memref<8x128xf32, #tpu.memory_space<vmem>>
      %dma_wait3A_189 = arith.constant 0 : i32
      %dma_wait3A_190 = tpu.memref_slice %arg2[%dma_wait3A_189, %mul3A_185] : memref<32x1000000xf32, #tpu.memory_space<hbm>> -> memref<8x128xf32, #tpu.memory_space<hbm>>
      %dma_wait3A_191 = arith.constant 0 : i32
      %dma_wait3A_192 = arith.constant 0 : i32
      %dma_wait3A_193 = tpu.memref_slice %arg6[%dma_wait3A_191, %dma_wait3A_192] : memref<32x128xf32, #tpu.memory_space<vmem>> -> memref<8x128xf32, #tpu.memory_space<vmem>>
      %dma_wait3A_194 = arith.constant 0 : i32
      %dma_wait3A_195 = tpu.memref_slice %arg2[%dma_wait3A_194, %mul3A_185] : memref<32x1000000xf32, #tpu.memory_space<hbm>> -> memref<8x128xf32, #tpu.memory_space<hbm>>
      tpu.wait_dma2 semaphore(%arg10 : memref<!tpu.dma_semaphore, #tpu.memory_space<semaphore_mem>>) src(%dma_wait3A_195 : memref<8x128xf32, #tpu.memory_space<hbm>>) dst(%dma_wait3A_193 : memref<8x128xf32, #tpu.memory_space<vmem>>)
      %mul3A_196 = arith.constant 128 : i32
      %mul3A_197 = arith.muli %add3A_183, %mul3A_196 : i32
      %dma_wait3A_198 = arith.constant 8 : i32
      %dma_wait3A_199 = arith.constant 0 : i32
      %dma_wait3A_200 = tpu.memref_slice %arg6[%dma_wait3A_198, %dma_wait3A_199] : memref<32x128xf32, #tpu.memory_space<vmem>> -> memref<8x128xf32, #tpu.memory_space<vmem>>
      %dma_wait3A_201 = arith.constant 8 : i32
      %dma_wait3A_202 = tpu.memref_slice %arg2[%dma_wait3A_201, %mul3A_197] : memref<32x1000000xf32, #tpu.memory_space<hbm>> -> memref<8x128xf32, #tpu.memory_space<hbm>>
      %dma_wait3A_203 = arith.constant 8 : i32
      %dma_wait3A_204 = arith.constant 0 : i32
      %dma_wait3A_205 = tpu.memref_slice %arg6[%dma_wait3A_203, %dma_wait3A_204] : memref<32x128xf32, #tpu.memory_space<vmem>> -> memref<8x128xf32, #tpu.memory_space<vmem>>
      %dma_wait3A_206 = arith.constant 8 : i32
      %dma_wait3A_207 = tpu.memref_slice %arg2[%dma_wait3A_206, %mul3A_197] : memref<32x1000000xf32, #tpu.memory_space<hbm>> -> memref<8x128xf32, #tpu.memory_space<hbm>>
      tpu.wait_dma2 semaphore(%arg10 : memref<!tpu.dma_semaphore, #tpu.memory_space<semaphore_mem>>) src(%dma_wait3A_207 : memref<8x128xf32, #tpu.memory_space<hbm>>) dst(%dma_wait3A_205 : memref<8x128xf32, #tpu.memory_space<vmem>>)
      %mul3A_208 = arith.constant 128 : i32
      %mul3A_209 = arith.muli %add3A_183, %mul3A_208 : i32
      %dma_wait3A_210 = arith.constant 16 : i32
      %dma_wait3A_211 = arith.constant 0 : i32
      %dma_wait3A_212 = tpu.memref_slice %arg6[%dma_wait3A_210, %dma_wait3A_211] : memref<32x128xf32, #tpu.memory_space<vmem>> -> memref<8x128xf32, #tpu.memory_space<vmem>>
      %dma_wait3A_213 = arith.constant 16 : i32
      %dma_wait3A_214 = tpu.memref_slice %arg2[%dma_wait3A_213, %mul3A_209] : memref<32x1000000xf32, #tpu.memory_space<hbm>> -> memref<8x128xf32, #tpu.memory_space<hbm>>
      %dma_wait3A_215 = arith.constant 16 : i32
      %dma_wait3A_216 = arith.constant 0 : i32
      %dma_wait3A_217 = tpu.memref_slice %arg6[%dma_wait3A_215, %dma_wait3A_216] : memref<32x128xf32, #tpu.memory_space<vmem>> -> memref<8x128xf32, #tpu.memory_space<vmem>>
      %dma_wait3A_218 = arith.constant 16 : i32
      %dma_wait3A_219 = tpu.memref_slice %arg2[%dma_wait3A_218, %mul3A_209] : memref<32x1000000xf32, #tpu.memory_space<hbm>> -> memref<8x128xf32, #tpu.memory_space<hbm>>
      tpu.wait_dma2 semaphore(%arg10 : memref<!tpu.dma_semaphore, #tpu.memory_space<semaphore_mem>>) src(%dma_wait3A_219 : memref<8x128xf32, #tpu.memory_space<hbm>>) dst(%dma_wait3A_217 : memref<8x128xf32, #tpu.memory_space<vmem>>)
      %mul3A_220 = arith.constant 128 : i32
      %mul3A_221 = arith.muli %add3A_183, %mul3A_220 : i32
      %dma_wait3A_222 = arith.constant 24 : i32
      %dma_wait3A_223 = arith.constant 0 : i32
      %dma_wait3A_224 = tpu.memref_slice %arg6[%dma_wait3A_222, %dma_wait3A_223] : memref<32x128xf32, #tpu.memory_space<vmem>> -> memref<8x128xf32, #tpu.memory_space<vmem>>
      %dma_wait3A_225 = arith.constant 24 : i32
      %dma_wait3A_226 = tpu.memref_slice %arg2[%dma_wait3A_225, %mul3A_221] : memref<32x1000000xf32, #tpu.memory_space<hbm>> -> memref<8x128xf32, #tpu.memory_space<hbm>>
      %dma_wait3A_227 = arith.constant 24 : i32
      %dma_wait3A_228 = arith.constant 0 : i32
      %dma_wait3A_229 = tpu.memref_slice %arg6[%dma_wait3A_227, %dma_wait3A_228] : memref<32x128xf32, #tpu.memory_space<vmem>> -> memref<8x128xf32, #tpu.memory_space<vmem>>
      %dma_wait3A_230 = arith.constant 24 : i32
      %dma_wait3A_231 = tpu.memref_slice %arg2[%dma_wait3A_230, %mul3A_221] : memref<32x1000000xf32, #tpu.memory_space<hbm>> -> memref<8x128xf32, #tpu.memory_space<hbm>>
      tpu.wait_dma2 semaphore(%arg10 : memref<!tpu.dma_semaphore, #tpu.memory_space<semaphore_mem>>) src(%dma_wait3A_231 : memref<8x128xf32, #tpu.memory_space<hbm>>) dst(%dma_wait3A_229 : memref<8x128xf32, #tpu.memory_space<vmem>>)
      %gt3A_232 = arith.constant 0 : i32
      %gt3A_233 = arith.cmpi sgt, %add3A_107, %gt3A_232 : i32
      %convert_element_type3A_234 = arith.extui %gt3A_233 : i1 to i32
      %cond3A_235 = arith.constant 0 : i32
      %cond3A_236 = arith.cmpi ne, %convert_element_type3A_234, %cond3A_235 : i32
      scf.if %cond3A_236 {
        %sub3A_256 = arith.constant 2 : i32
        %sub3A_257 = arith.subi %add3A_183, %sub3A_256 : i32
        %mul3A_258 = arith.constant 32 : i32
        %mul3A_259 = arith.muli %sub3A_257, %mul3A_258 : i32
        %dma_wait3A_260 = arith.constant 0 : i32
        %dma_wait3A_261 = tpu.memref_slice %arg4[%mul3A_259, %dma_wait3A_260] : memref<250000x128xf32, #tpu.memory_space<hbm>> -> memref<32x128xf32, #tpu.memory_space<hbm>>
        %dma_wait3A_262 = arith.constant 0 : i32
        %dma_wait3A_263 = tpu.memref_slice %arg4[%mul3A_259, %dma_wait3A_262] : memref<250000x128xf32, #tpu.memory_space<hbm>> -> memref<32x128xf32, #tpu.memory_space<hbm>>
        tpu.wait_dma2 semaphore(%arg12 : memref<!tpu.dma_semaphore, #tpu.memory_space<semaphore_mem>>) src(%arg8 : memref<32x128xf32, #tpu.memory_space<vmem>>) dst(%dma_wait3A_263 : memref<32x128xf32, #tpu.memory_space<hbm>>)
      } else {
      }
      %parallel_loop3A_237 = arith.constant 0 : i32
      %parallel_loop3A_238 = arith.constant 32 : i32
      %parallel_loop3A_239 = arith.constant 1 : i32
      scf.for %parallel_loop3A_256 = %parallel_loop3A_237 to %parallel_loop3A_238 step %parallel_loop3A_239  : i32 {
        %parallel_loop3A_257 = arith.constant 4 : i32
        %parallel_loop3A_258 = arith.muli %parallel_loop3A_256, %parallel_loop3A_257 : i32
        %parallel_loop3A_259 = arith.constant 0 : i32
        %parallel_loop3A_260 = arith.addi %parallel_loop3A_258, %parallel_loop3A_259 : i32
        %parallel_loop3A_261 = arith.constant 0 : i32
        %parallel_loop3A_262 = vector.broadcast %parallel_loop3A_261 : i32 to vector<16xi32>
        %parallel_loop3A_263 = vector.broadcast %parallel_loop3A_260 : i32 to vector<16xi32>
        %parallel_loop3A_264 = arith.addi %parallel_loop3A_262, %parallel_loop3A_263 : vector<16xi32>
        %parallel_loop3A_265 = tpu.vector_load_idx %arg6[%iota3A, %parallel_loop3A_264] : memref<32x128xf32, #tpu.memory_space<vmem>>[vector<16xi32>, vector<16xi32>], vector<16xf32>,
        %parallel_loop3A_266 = arith.index_cast %parallel_loop3A_256 : i32 to index
        %parallel_loop3A_267 = arith.constant 0 : index
        %parallel_loop3A_268 = tpu.vector_load %arg8[%parallel_loop3A_266, %parallel_loop3A_267] {strides = array<i32>} : memref<32x128xf32, #tpu.memory_space<vmem>>, vector<16xf32>,
        tpu.vector_store %arg8[%parallel_loop3A_266, %parallel_loop3A_267], %parallel_loop3A_265 {strides = array<i32>} : memref<32x128xf32, #tpu.memory_space<vmem>>, vector<16xf32>,
        %parallel_loop3A_269 = arith.constant 4 : i32
        %parallel_loop3A_270 = arith.muli %parallel_loop3A_256, %parallel_loop3A_269 : i32
        %parallel_loop3A_271 = arith.constant 0 : i32
        %parallel_loop3A_272 = arith.addi %parallel_loop3A_270, %parallel_loop3A_271 : i32
        %parallel_loop3A_273 = arith.constant 0 : i32
        %parallel_loop3A_274 = vector.broadcast %parallel_loop3A_273 : i32 to vector<16xi32>
        %parallel_loop3A_275 = vector.broadcast %parallel_loop3A_272 : i32 to vector<16xi32>
        %parallel_loop3A_276 = arith.addi %parallel_loop3A_274, %parallel_loop3A_275 : vector<16xi32>
        %parallel_loop3A_277 = tpu.vector_load_idx %arg6[%add3A_11, %parallel_loop3A_276] : memref<32x128xf32, #tpu.memory_space<vmem>>[vector<16xi32>, vector<16xi32>], vector<16xf32>,
        %parallel_loop3A_278 = arith.index_cast %parallel_loop3A_256 : i32 to index
        %parallel_loop3A_279 = arith.constant 16 : index
        %parallel_loop3A_280 = tpu.vector_load %arg8[%parallel_loop3A_278, %parallel_loop3A_279] {strides = array<i32>} : memref<32x128xf32, #tpu.memory_space<vmem>>, vector<16xf32>,
        tpu.vector_store %arg8[%parallel_loop3A_278, %parallel_loop3A_279], %parallel_loop3A_277 {strides = array<i32>} : memref<32x128xf32, #tpu.memory_space<vmem>>, vector<16xf32>,
        %parallel_loop3A_281 = arith.constant 4 : i32
        %parallel_loop3A_282 = arith.muli %parallel_loop3A_256, %parallel_loop3A_281 : i32
        %parallel_loop3A_283 = arith.constant 1 : i32
        %parallel_loop3A_284 = arith.addi %parallel_loop3A_282, %parallel_loop3A_283 : i32
        %parallel_loop3A_285 = arith.constant 0 : i32
        %parallel_loop3A_286 = vector.broadcast %parallel_loop3A_285 : i32 to vector<16xi32>
        %parallel_loop3A_287 = vector.broadcast %parallel_loop3A_284 : i32 to vector<16xi32>
        %parallel_loop3A_288 = arith.addi %parallel_loop3A_286, %parallel_loop3A_287 : vector<16xi32>
        %parallel_loop3A_289 = tpu.vector_load_idx %arg6[%iota3A, %parallel_loop3A_288] : memref<32x128xf32, #tpu.memory_space<vmem>>[vector<16xi32>, vector<16xi32>], vector<16xf32>,
        %parallel_loop3A_290 = arith.index_cast %parallel_loop3A_256 : i32 to index
        %parallel_loop3A_291 = arith.constant 32 : index
        %parallel_loop3A_292 = tpu.vector_load %arg8[%parallel_loop3A_290, %parallel_loop3A_291] {strides = array<i32>} : memref<32x128xf32, #tpu.memory_space<vmem>>, vector<16xf32>,
        tpu.vector_store %arg8[%parallel_loop3A_290, %parallel_loop3A_291], %parallel_loop3A_289 {strides = array<i32>} : memref<32x128xf32, #tpu.memory_space<vmem>>, vector<16xf32>,
        %parallel_loop3A_293 = arith.constant 4 : i32
        %parallel_loop3A_294 = arith.muli %parallel_loop3A_256, %parallel_loop3A_293 : i32
        %parallel_loop3A_295 = arith.constant 1 : i32
        %parallel_loop3A_296 = arith.addi %parallel_loop3A_294, %parallel_loop3A_295 : i32
        %parallel_loop3A_297 = arith.constant 0 : i32
        %parallel_loop3A_298 = vector.broadcast %parallel_loop3A_297 : i32 to vector<16xi32>
        %parallel_loop3A_299 = vector.broadcast %parallel_loop3A_296 : i32 to vector<16xi32>
        %parallel_loop3A_300 = arith.addi %parallel_loop3A_298, %parallel_loop3A_299 : vector<16xi32>
        %parallel_loop3A_301 = tpu.vector_load_idx %arg6[%add3A_11, %parallel_loop3A_300] : memref<32x128xf32, #tpu.memory_space<vmem>>[vector<16xi32>, vector<16xi32>], vector<16xf32>,
        %parallel_loop3A_302 = arith.index_cast %parallel_loop3A_256 : i32 to index
        %parallel_loop3A_303 = arith.constant 48 : index
        %parallel_loop3A_304 = tpu.vector_load %arg8[%parallel_loop3A_302, %parallel_loop3A_303] {strides = array<i32>} : memref<32x128xf32, #tpu.memory_space<vmem>>, vector<16xf32>,
        tpu.vector_store %arg8[%parallel_loop3A_302, %parallel_loop3A_303], %parallel_loop3A_301 {strides = array<i32>} : memref<32x128xf32, #tpu.memory_space<vmem>>, vector<16xf32>,
        %parallel_loop3A_305 = arith.constant 4 : i32
        %parallel_loop3A_306 = arith.muli %parallel_loop3A_256, %parallel_loop3A_305 : i32
        %parallel_loop3A_307 = arith.constant 2 : i32
        %parallel_loop3A_308 = arith.addi %parallel_loop3A_306, %parallel_loop3A_307 : i32
        %parallel_loop3A_309 = arith.constant 0 : i32
        %parallel_loop3A_310 = vector.broadcast %parallel_loop3A_309 : i32 to vector<16xi32>
        %parallel_loop3A_311 = vector.broadcast %parallel_loop3A_308 : i32 to vector<16xi32>
        %parallel_loop3A_312 = arith.addi %parallel_loop3A_310, %parallel_loop3A_311 : vector<16xi32>
        %parallel_loop3A_313 = tpu.vector_load_idx %arg6[%iota3A, %parallel_loop3A_312] : memref<32x128xf32, #tpu.memory_space<vmem>>[vector<16xi32>, vector<16xi32>], vector<16xf32>,
        %parallel_loop3A_314 = arith.index_cast %parallel_loop3A_256 : i32 to index
        %parallel_loop3A_315 = arith.constant 64 : index
        %parallel_loop3A_316 = tpu.vector_load %arg8[%parallel_loop3A_314, %parallel_loop3A_315] {strides = array<i32>} : memref<32x128xf32, #tpu.memory_space<vmem>>, vector<16xf32>,
        tpu.vector_store %arg8[%parallel_loop3A_314, %parallel_loop3A_315], %parallel_loop3A_313 {strides = array<i32>} : memref<32x128xf32, #tpu.memory_space<vmem>>, vector<16xf32>,
        %parallel_loop3A_317 = arith.constant 4 : i32
        %parallel_loop3A_318 = arith.muli %parallel_loop3A_256, %parallel_loop3A_317 : i32
        %parallel_loop3A_319 = arith.constant 2 : i32
        %parallel_loop3A_320 = arith.addi %parallel_loop3A_318, %parallel_loop3A_319 : i32
        %parallel_loop3A_321 = arith.constant 0 : i32
        %parallel_loop3A_322 = vector.broadcast %parallel_loop3A_321 : i32 to vector<16xi32>
        %parallel_loop3A_323 = vector.broadcast %parallel_loop3A_320 : i32 to vector<16xi32>
        %parallel_loop3A_324 = arith.addi %parallel_loop3A_322, %parallel_loop3A_323 : vector<16xi32>
        %parallel_loop3A_325 = tpu.vector_load_idx %arg6[%add3A_11, %parallel_loop3A_324] : memref<32x128xf32, #tpu.memory_space<vmem>>[vector<16xi32>, vector<16xi32>], vector<16xf32>,
        %parallel_loop3A_326 = arith.index_cast %parallel_loop3A_256 : i32 to index
        %parallel_loop3A_327 = arith.constant 80 : index
        %parallel_loop3A_328 = tpu.vector_load %arg8[%parallel_loop3A_326, %parallel_loop3A_327] {strides = array<i32>} : memref<32x128xf32, #tpu.memory_space<vmem>>, vector<16xf32>,
        tpu.vector_store %arg8[%parallel_loop3A_326, %parallel_loop3A_327], %parallel_loop3A_325 {strides = array<i32>} : memref<32x128xf32, #tpu.memory_space<vmem>>, vector<16xf32>,
        %parallel_loop3A_329 = arith.constant 4 : i32
        %parallel_loop3A_330 = arith.muli %parallel_loop3A_256, %parallel_loop3A_329 : i32
        %parallel_loop3A_331 = arith.constant 3 : i32
        %parallel_loop3A_332 = arith.addi %parallel_loop3A_330, %parallel_loop3A_331 : i32
        %parallel_loop3A_333 = arith.constant 0 : i32
        %parallel_loop3A_334 = vector.broadcast %parallel_loop3A_333 : i32 to vector<16xi32>
        %parallel_loop3A_335 = vector.broadcast %parallel_loop3A_332 : i32 to vector<16xi32>
        %parallel_loop3A_336 = arith.addi %parallel_loop3A_334, %parallel_loop3A_335 : vector<16xi32>
        %parallel_loop3A_337 = tpu.vector_load_idx %arg6[%iota3A, %parallel_loop3A_336] : memref<32x128xf32, #tpu.memory_space<vmem>>[vector<16xi32>, vector<16xi32>], vector<16xf32>,
        %parallel_loop3A_338 = arith.index_cast %parallel_loop3A_256 : i32 to index
        %parallel_loop3A_339 = arith.constant 96 : index
        %parallel_loop3A_340 = tpu.vector_load %arg8[%parallel_loop3A_338, %parallel_loop3A_339] {strides = array<i32>} : memref<32x128xf32, #tpu.memory_space<vmem>>, vector<16xf32>,
        tpu.vector_store %arg8[%parallel_loop3A_338, %parallel_loop3A_339], %parallel_loop3A_337 {strides = array<i32>} : memref<32x128xf32, #tpu.memory_space<vmem>>, vector<16xf32>,
        %parallel_loop3A_341 = arith.constant 4 : i32
        %parallel_loop3A_342 = arith.muli %parallel_loop3A_256, %parallel_loop3A_341 : i32
        %parallel_loop3A_343 = arith.constant 3 : i32
        %parallel_loop3A_344 = arith.addi %parallel_loop3A_342, %parallel_loop3A_343 : i32
        %parallel_loop3A_345 = arith.constant 0 : i32
        %parallel_loop3A_346 = vector.broadcast %parallel_loop3A_345 : i32 to vector<16xi32>
        %parallel_loop3A_347 = vector.broadcast %parallel_loop3A_344 : i32 to vector<16xi32>
        %parallel_loop3A_348 = arith.addi %parallel_loop3A_346, %parallel_loop3A_347 : vector<16xi32>
        %parallel_loop3A_349 = tpu.vector_load_idx %arg6[%add3A_11, %parallel_loop3A_348] : memref<32x128xf32, #tpu.memory_space<vmem>>[vector<16xi32>, vector<16xi32>], vector<16xf32>,
        %parallel_loop3A_350 = arith.index_cast %parallel_loop3A_256 : i32 to index
        %parallel_loop3A_351 = arith.constant 112 : index
        %parallel_loop3A_352 = tpu.vector_load %arg8[%parallel_loop3A_350, %parallel_loop3A_351] {strides = array<i32>} : memref<32x128xf32, #tpu.memory_space<vmem>>, vector<16xf32>,
        tpu.vector_store %arg8[%parallel_loop3A_350, %parallel_loop3A_351], %parallel_loop3A_349 {strides = array<i32>} : memref<32x128xf32, #tpu.memory_space<vmem>>, vector<16xf32>,
      } {sc.loop_unroll_factor = 2 : i64, sc.parallel_access}
      %mul3A_240 = arith.constant 32 : i32
      %mul3A_241 = arith.muli %add3A_183, %mul3A_240 : i32
      %dma_start3A_242 = arith.constant 0 : i32
      %dma_start3A_243 = tpu.memref_slice %arg4[%mul3A_241, %dma_start3A_242] : memref<250000x128xf32, #tpu.memory_space<hbm>> -> memref<32x128xf32, #tpu.memory_space<hbm>>
      %dma_start3A_244 = arith.constant 0 : i32
      %dma_start3A_245 = tpu.memref_slice %arg4[%mul3A_241, %dma_start3A_244] : memref<250000x128xf32, #tpu.memory_space<hbm>> -> memref<32x128xf32, #tpu.memory_space<hbm>>
      tpu.enqueue_dma source(%arg8 : memref<32x128xf32, #tpu.memory_space<vmem>>) target(%dma_start3A_245 : memref<32x128xf32, #tpu.memory_space<hbm>>) target_semaphore(%arg12 : memref<!tpu.dma_semaphore, #tpu.memory_space<semaphore_mem>>)
      %mul3A_246 = arith.constant 2 : i32
      %mul3A_247 = arith.muli %mul3A_246, %add3A_107 : i32
      %add3A_248 = arith.constant 2 : i32
      %add3A_249 = arith.addi %mul3A_247, %add3A_248 : i32
      %add3A_250 = arith.constant 1 : i32
      %add3A_251 = arith.addi %add3A_249, %add3A_250 : i32
      %lt3A_252 = arith.cmpi slt, %add3A_251, %add3A_8 : i32
      %convert_element_type3A_253 = arith.extui %lt3A_252 : i1 to i32
      %cond3A_254 = arith.constant 0 : i32
      %cond3A_255 = arith.cmpi ne, %convert_element_type3A_253, %cond3A_254 : i32
      scf.if %cond3A_255 {
        %add3A_256 = arith.constant 2 : i32
        %add3A_257 = arith.addi %add3A_183, %add3A_256 : i32
        %mul3A_258 = arith.constant 128 : i32
        %mul3A_259 = arith.muli %add3A_257, %mul3A_258 : i32
        %dma_start3A_260 = arith.constant 0 : i32
        %dma_start3A_261 = arith.constant 0 : i32
        %dma_start3A_262 = tpu.memref_slice %arg6[%dma_start3A_260, %dma_start3A_261] : memref<32x128xf32, #tpu.memory_space<vmem>> -> memref<8x128xf32, #tpu.memory_space<vmem>>
        %dma_start3A_263 = arith.constant 0 : i32
        %dma_start3A_264 = tpu.memref_slice %arg2[%dma_start3A_263, %mul3A_259] : memref<32x1000000xf32, #tpu.memory_space<hbm>> -> memref<8x128xf32, #tpu.memory_space<hbm>>
        %dma_start3A_265 = arith.constant 0 : i32
        %dma_start3A_266 = arith.constant 0 : i32
        %dma_start3A_267 = tpu.memref_slice %arg6[%dma_start3A_265, %dma_start3A_266] : memref<32x128xf32, #tpu.memory_space<vmem>> -> memref<8x128xf32, #tpu.memory_space<vmem>>
        %dma_start3A_268 = arith.constant 0 : i32
        %dma_start3A_269 = tpu.memref_slice %arg2[%dma_start3A_268, %mul3A_259] : memref<32x1000000xf32, #tpu.memory_space<hbm>> -> memref<8x128xf32, #tpu.memory_space<hbm>>
        tpu.enqueue_dma source(%dma_start3A_269 : memref<8x128xf32, #tpu.memory_space<hbm>>) target(%dma_start3A_267 : memref<8x128xf32, #tpu.memory_space<vmem>>) target_semaphore(%arg10 : memref<!tpu.dma_semaphore, #tpu.memory_space<semaphore_mem>>)
        %mul3A_270 = arith.constant 128 : i32
        %mul3A_271 = arith.muli %add3A_257, %mul3A_270 : i32
        %dma_start3A_272 = arith.constant 8 : i32
        %dma_start3A_273 = arith.constant 0 : i32
        %dma_start3A_274 = tpu.memref_slice %arg6[%dma_start3A_272, %dma_start3A_273] : memref<32x128xf32, #tpu.memory_space<vmem>> -> memref<8x128xf32, #tpu.memory_space<vmem>>
        %dma_start3A_275 = arith.constant 8 : i32
        %dma_start3A_276 = tpu.memref_slice %arg2[%dma_start3A_275, %mul3A_271] : memref<32x1000000xf32, #tpu.memory_space<hbm>> -> memref<8x128xf32, #tpu.memory_space<hbm>>
        %dma_start3A_277 = arith.constant 8 : i32
        %dma_start3A_278 = arith.constant 0 : i32
        %dma_start3A_279 = tpu.memref_slice %arg6[%dma_start3A_277, %dma_start3A_278] : memref<32x128xf32, #tpu.memory_space<vmem>> -> memref<8x128xf32, #tpu.memory_space<vmem>>
        %dma_start3A_280 = arith.constant 8 : i32
        %dma_start3A_281 = tpu.memref_slice %arg2[%dma_start3A_280, %mul3A_271] : memref<32x1000000xf32, #tpu.memory_space<hbm>> -> memref<8x128xf32, #tpu.memory_space<hbm>>
        tpu.enqueue_dma source(%dma_start3A_281 : memref<8x128xf32, #tpu.memory_space<hbm>>) target(%dma_start3A_279 : memref<8x128xf32, #tpu.memory_space<vmem>>) target_semaphore(%arg10 : memref<!tpu.dma_semaphore, #tpu.memory_space<semaphore_mem>>)
        %mul3A_282 = arith.constant 128 : i32
        %mul3A_283 = arith.muli %add3A_257, %mul3A_282 : i32
        %dma_start3A_284 = arith.constant 16 : i32
        %dma_start3A_285 = arith.constant 0 : i32
        %dma_start3A_286 = tpu.memref_slice %arg6[%dma_start3A_284, %dma_start3A_285] : memref<32x128xf32, #tpu.memory_space<vmem>> -> memref<8x128xf32, #tpu.memory_space<vmem>>
        %dma_start3A_287 = arith.constant 16 : i32
        %dma_start3A_288 = tpu.memref_slice %arg2[%dma_start3A_287, %mul3A_283] : memref<32x1000000xf32, #tpu.memory_space<hbm>> -> memref<8x128xf32, #tpu.memory_space<hbm>>
        %dma_start3A_289 = arith.constant 16 : i32
        %dma_start3A_290 = arith.constant 0 : i32
        %dma_start3A_291 = tpu.memref_slice %arg6[%dma_start3A_289, %dma_start3A_290] : memref<32x128xf32, #tpu.memory_space<vmem>> -> memref<8x128xf32, #tpu.memory_space<vmem>>
        %dma_start3A_292 = arith.constant 16 : i32
        %dma_start3A_293 = tpu.memref_slice %arg2[%dma_start3A_292, %mul3A_283] : memref<32x1000000xf32, #tpu.memory_space<hbm>> -> memref<8x128xf32, #tpu.memory_space<hbm>>
        tpu.enqueue_dma source(%dma_start3A_293 : memref<8x128xf32, #tpu.memory_space<hbm>>) target(%dma_start3A_291 : memref<8x128xf32, #tpu.memory_space<vmem>>) target_semaphore(%arg10 : memref<!tpu.dma_semaphore, #tpu.memory_space<semaphore_mem>>)
        %mul3A_294 = arith.constant 128 : i32
        %mul3A_295 = arith.muli %add3A_257, %mul3A_294 : i32
        %dma_start3A_296 = arith.constant 24 : i32
        %dma_start3A_297 = arith.constant 0 : i32
        %dma_start3A_298 = tpu.memref_slice %arg6[%dma_start3A_296, %dma_start3A_297] : memref<32x128xf32, #tpu.memory_space<vmem>> -> memref<8x128xf32, #tpu.memory_space<vmem>>
        %dma_start3A_299 = arith.constant 24 : i32
        %dma_start3A_300 = tpu.memref_slice %arg2[%dma_start3A_299, %mul3A_295] : memref<32x1000000xf32, #tpu.memory_space<hbm>> -> memref<8x128xf32, #tpu.memory_space<hbm>>
        %dma_start3A_301 = arith.constant 24 : i32
        %dma_start3A_302 = arith.constant 0 : i32
        %dma_start3A_303 = tpu.memref_slice %arg6[%dma_start3A_301, %dma_start3A_302] : memref<32x128xf32, #tpu.memory_space<vmem>> -> memref<8x128xf32, #tpu.memory_space<vmem>>
        %dma_start3A_304 = arith.constant 24 : i32
        %dma_start3A_305 = tpu.memref_slice %arg2[%dma_start3A_304, %mul3A_295] : memref<32x1000000xf32, #tpu.memory_space<hbm>> -> memref<8x128xf32, #tpu.memory_space<hbm>>
        tpu.enqueue_dma source(%dma_start3A_305 : memref<8x128xf32, #tpu.memory_space<hbm>>) target(%dma_start3A_303 : memref<8x128xf32, #tpu.memory_space<vmem>>) target_semaphore(%arg10 : memref<!tpu.dma_semaphore, #tpu.memory_space<semaphore_mem>>)
      } else {
      }
    }
    %while3A_54 = arith.constant 1 : i32
    scf.for %while3A_105 = %while3A_52 to %while3A_48 step %while3A_54  : i32 {
      %mul3A_106 = arith.muli %while3A_105, %while3A : i32
      %add3A_107 = arith.addi %while3A_45, %mul3A_106 : i32
      %mul3A_108 = arith.constant 2 : i32
      %mul3A_109 = arith.muli %mul3A_108, %add3A_107 : i32
      %add3A_110 = arith.addi %add3A_4, %mul3A_109 : i32
      %add3A_111 = arith.constant 0 : i32
      %add3A_112 = arith.addi %add3A_110, %add3A_111 : i32
      %mul3A_113 = arith.constant 128 : i32
      %mul3A_114 = arith.muli %add3A_112, %mul3A_113 : i32
      %dma_wait3A = arith.constant 0 : i32
      %dma_wait3A_115 = arith.constant 0 : i32
      %dma_wait3A_116 = tpu.memref_slice %arg5[%dma_wait3A, %dma_wait3A_115] : memref<32x128xf32, #tpu.memory_space<vmem>> -> memref<8x128xf32, #tpu.memory_space<vmem>>
      %dma_wait3A_117 = arith.constant 0 : i32
      %dma_wait3A_118 = tpu.memref_slice %arg2[%dma_wait3A_117, %mul3A_114] : memref<32x1000000xf32, #tpu.memory_space<hbm>> -> memref<8x128xf32, #tpu.memory_space<hbm>>
      %dma_wait3A_119 = arith.constant 0 : i32
      %dma_wait3A_120 = arith.constant 0 : i32
      %dma_wait3A_121 = tpu.memref_slice %arg5[%dma_wait3A_119, %dma_wait3A_120] : memref<32x128xf32, #tpu.memory_space<vmem>> -> memref<8x128xf32, #tpu.memory_space<vmem>>
      %dma_wait3A_122 = arith.constant 0 : i32
      %dma_wait3A_123 = tpu.memref_slice %arg2[%dma_wait3A_122, %mul3A_114] : memref<32x1000000xf32, #tpu.memory_space<hbm>> -> memref<8x128xf32, #tpu.memory_space<hbm>>
      tpu.wait_dma2 semaphore(%arg9 : memref<!tpu.dma_semaphore, #tpu.memory_space<semaphore_mem>>) src(%dma_wait3A_123 : memref<8x128xf32, #tpu.memory_space<hbm>>) dst(%dma_wait3A_121 : memref<8x128xf32, #tpu.memory_space<vmem>>)
      %mul3A_124 = arith.constant 128 : i32
      %mul3A_125 = arith.muli %add3A_112, %mul3A_124 : i32
      %dma_wait3A_126 = arith.constant 8 : i32
      %dma_wait3A_127 = arith.constant 0 : i32
      %dma_wait3A_128 = tpu.memref_slice %arg5[%dma_wait3A_126, %dma_wait3A_127] : memref<32x128xf32, #tpu.memory_space<vmem>> -> memref<8x128xf32, #tpu.memory_space<vmem>>
      %dma_wait3A_129 = arith.constant 8 : i32
      %dma_wait3A_130 = tpu.memref_slice %arg2[%dma_wait3A_129, %mul3A_125] : memref<32x1000000xf32, #tpu.memory_space<hbm>> -> memref<8x128xf32, #tpu.memory_space<hbm>>
      %dma_wait3A_131 = arith.constant 8 : i32
      %dma_wait3A_132 = arith.constant 0 : i32
      %dma_wait3A_133 = tpu.memref_slice %arg5[%dma_wait3A_131, %dma_wait3A_132] : memref<32x128xf32, #tpu.memory_space<vmem>> -> memref<8x128xf32, #tpu.memory_space<vmem>>
      %dma_wait3A_134 = arith.constant 8 : i32
      %dma_wait3A_135 = tpu.memref_slice %arg2[%dma_wait3A_134, %mul3A_125] : memref<32x1000000xf32, #tpu.memory_space<hbm>> -> memref<8x128xf32, #tpu.memory_space<hbm>>
      tpu.wait_dma2 semaphore(%arg9 : memref<!tpu.dma_semaphore, #tpu.memory_space<semaphore_mem>>) src(%dma_wait3A_135 : memref<8x128xf32, #tpu.memory_space<hbm>>) dst(%dma_wait3A_133 : memref<8x128xf32, #tpu.memory_space<vmem>>)
      %mul3A_136 = arith.constant 128 : i32
      %mul3A_137 = arith.muli %add3A_112, %mul3A_136 : i32
      %dma_wait3A_138 = arith.constant 16 : i32
      %dma_wait3A_139 = arith.constant 0 : i32
      %dma_wait3A_140 = tpu.memref_slice %arg5[%dma_wait3A_138, %dma_wait3A_139] : memref<32x128xf32, #tpu.memory_space<vmem>> -> memref<8x128xf32, #tpu.memory_space<vmem>>
      %dma_wait3A_141 = arith.constant 16 : i32
      %dma_wait3A_142 = tpu.memref_slice %arg2[%dma_wait3A_141, %mul3A_137] : memref<32x1000000xf32, #tpu.memory_space<hbm>> -> memref<8x128xf32, #tpu.memory_space<hbm>>
      %dma_wait3A_143 = arith.constant 16 : i32
      %dma_wait3A_144 = arith.constant 0 : i32
      %dma_wait3A_145 = tpu.memref_slice %arg5[%dma_wait3A_143, %dma_wait3A_144] : memref<32x128xf32, #tpu.memory_space<vmem>> -> memref<8x128xf32, #tpu.memory_space<vmem>>
      %dma_wait3A_146 = arith.constant 16 : i32
      %dma_wait3A_147 = tpu.memref_slice %arg2[%dma_wait3A_146, %mul3A_137] : memref<32x1000000xf32, #tpu.memory_space<hbm>> -> memref<8x128xf32, #tpu.memory_space<hbm>>
      tpu.wait_dma2 semaphore(%arg9 : memref<!tpu.dma_semaphore, #tpu.memory_space<semaphore_mem>>) src(%dma_wait3A_147 : memref<8x128xf32, #tpu.memory_space<hbm>>) dst(%dma_wait3A_145 : memref<8x128xf32, #tpu.memory_space<vmem>>)
      %mul3A_148 = arith.constant 128 : i32
      %mul3A_149 = arith.muli %add3A_112, %mul3A_148 : i32
      %dma_wait3A_150 = arith.constant 24 : i32
      %dma_wait3A_151 = arith.constant 0 : i32
      %dma_wait3A_152 = tpu.memref_slice %arg5[%dma_wait3A_150, %dma_wait3A_151] : memref<32x128xf32, #tpu.memory_space<vmem>> -> memref<8x128xf32, #tpu.memory_space<vmem>>
      %dma_wait3A_153 = arith.constant 24 : i32
      %dma_wait3A_154 = tpu.memref_slice %arg2[%dma_wait3A_153, %mul3A_149] : memref<32x1000000xf32, #tpu.memory_space<hbm>> -> memref<8x128xf32, #tpu.memory_space<hbm>>
      %dma_wait3A_155 = arith.constant 24 : i32
      %dma_wait3A_156 = arith.constant 0 : i32
      %dma_wait3A_157 = tpu.memref_slice %arg5[%dma_wait3A_155, %dma_wait3A_156] : memref<32x128xf32, #tpu.memory_space<vmem>> -> memref<8x128xf32, #tpu.memory_space<vmem>>
      %dma_wait3A_158 = arith.constant 24 : i32
      %dma_wait3A_159 = tpu.memref_slice %arg2[%dma_wait3A_158, %mul3A_149] : memref<32x1000000xf32, #tpu.memory_space<hbm>> -> memref<8x128xf32, #tpu.memory_space<hbm>>
      tpu.wait_dma2 semaphore(%arg9 : memref<!tpu.dma_semaphore, #tpu.memory_space<semaphore_mem>>) src(%dma_wait3A_159 : memref<8x128xf32, #tpu.memory_space<hbm>>) dst(%dma_wait3A_157 : memref<8x128xf32, #tpu.memory_space<vmem>>)
      %gt3A_160 = arith.constant 0 : i32
      %gt3A_161 = arith.cmpi sgt, %add3A_107, %gt3A_160 : i32
      %convert_element_type3A_162 = arith.extui %gt3A_161 : i1 to i32
      %cond3A_163 = arith.constant 0 : i32
      %cond3A_164 = arith.cmpi ne, %convert_element_type3A_162, %cond3A_163 : i32
      scf.if %cond3A_164 {
        %sub3A_256 = arith.constant 2 : i32
        %sub3A_257 = arith.subi %add3A_112, %sub3A_256 : i32
        %mul3A_258 = arith.constant 32 : i32
        %mul3A_259 = arith.muli %sub3A_257, %mul3A_258 : i32
        %dma_wait3A_260 = arith.constant 0 : i32
        %dma_wait3A_261 = tpu.memref_slice %arg4[%mul3A_259, %dma_wait3A_260] : memref<250000x128xf32, #tpu.memory_space<hbm>> -> memref<32x128xf32, #tpu.memory_space<hbm>>
        %dma_wait3A_262 = arith.constant 0 : i32
        %dma_wait3A_263 = tpu.memref_slice %arg4[%mul3A_259, %dma_wait3A_262] : memref<250000x128xf32, #tpu.memory_space<hbm>> -> memref<32x128xf32, #tpu.memory_space<hbm>>
        tpu.wait_dma2 semaphore(%arg11 : memref<!tpu.dma_semaphore, #tpu.memory_space<semaphore_mem>>) src(%arg7 : memref<32x128xf32, #tpu.memory_space<vmem>>) dst(%dma_wait3A_263 : memref<32x128xf32, #tpu.memory_space<hbm>>)
      } else {
      }
      %parallel_loop3A = arith.constant 0 : i32
      %parallel_loop3A_165 = arith.constant 32 : i32
      %parallel_loop3A_166 = arith.constant 1 : i32
      scf.for %parallel_loop3A_256 = %parallel_loop3A to %parallel_loop3A_165 step %parallel_loop3A_166  : i32 {
        %parallel_loop3A_257 = arith.constant 4 : i32
        %parallel_loop3A_258 = arith.muli %parallel_loop3A_256, %parallel_loop3A_257 : i32
        %parallel_loop3A_259 = arith.constant 0 : i32
        %parallel_loop3A_260 = arith.addi %parallel_loop3A_258, %parallel_loop3A_259 : i32
        %parallel_loop3A_261 = arith.constant 0 : i32
        %parallel_loop3A_262 = vector.broadcast %parallel_loop3A_261 : i32 to vector<16xi32>
        %parallel_loop3A_263 = vector.broadcast %parallel_loop3A_260 : i32 to vector<16xi32>
        %parallel_loop3A_264 = arith.addi %parallel_loop3A_262, %parallel_loop3A_263 : vector<16xi32>
        %parallel_loop3A_265 = tpu.vector_load_idx %arg5[%iota3A, %parallel_loop3A_264] : memref<32x128xf32, #tpu.memory_space<vmem>>[vector<16xi32>, vector<16xi32>], vector<16xf32>,
        %parallel_loop3A_266 = arith.index_cast %parallel_loop3A_256 : i32 to index
        %parallel_loop3A_267 = arith.constant 0 : index
        %parallel_loop3A_268 = tpu.vector_load %arg7[%parallel_loop3A_266, %parallel_loop3A_267] {strides = array<i32>} : memref<32x128xf32, #tpu.memory_space<vmem>>, vector<16xf32>,
        tpu.vector_store %arg7[%parallel_loop3A_266, %parallel_loop3A_267], %parallel_loop3A_265 {strides = array<i32>} : memref<32x128xf32, #tpu.memory_space<vmem>>, vector<16xf32>,
        %parallel_loop3A_269 = arith.constant 4 : i32
        %parallel_loop3A_270 = arith.muli %parallel_loop3A_256, %parallel_loop3A_269 : i32
        %parallel_loop3A_271 = arith.constant 0 : i32
        %parallel_loop3A_272 = arith.addi %parallel_loop3A_270, %parallel_loop3A_271 : i32
        %parallel_loop3A_273 = arith.constant 0 : i32
        %parallel_loop3A_274 = vector.broadcast %parallel_loop3A_273 : i32 to vector<16xi32>
        %parallel_loop3A_275 = vector.broadcast %parallel_loop3A_272 : i32 to vector<16xi32>
        %parallel_loop3A_276 = arith.addi %parallel_loop3A_274, %parallel_loop3A_275 : vector<16xi32>
        %parallel_loop3A_277 = tpu.vector_load_idx %arg5[%add3A_11, %parallel_loop3A_276] : memref<32x128xf32, #tpu.memory_space<vmem>>[vector<16xi32>, vector<16xi32>], vector<16xf32>,
        %parallel_loop3A_278 = arith.index_cast %parallel_loop3A_256 : i32 to index
        %parallel_loop3A_279 = arith.constant 16 : index
        %parallel_loop3A_280 = tpu.vector_load %arg7[%parallel_loop3A_278, %parallel_loop3A_279] {strides = array<i32>} : memref<32x128xf32, #tpu.memory_space<vmem>>, vector<16xf32>,
        tpu.vector_store %arg7[%parallel_loop3A_278, %parallel_loop3A_279], %parallel_loop3A_277 {strides = array<i32>} : memref<32x128xf32, #tpu.memory_space<vmem>>, vector<16xf32>,
        %parallel_loop3A_281 = arith.constant 4 : i32
        %parallel_loop3A_282 = arith.muli %parallel_loop3A_256, %parallel_loop3A_281 : i32
        %parallel_loop3A_283 = arith.constant 1 : i32
        %parallel_loop3A_284 = arith.addi %parallel_loop3A_282, %parallel_loop3A_283 : i32
        %parallel_loop3A_285 = arith.constant 0 : i32
        %parallel_loop3A_286 = vector.broadcast %parallel_loop3A_285 : i32 to vector<16xi32>
        %parallel_loop3A_287 = vector.broadcast %parallel_loop3A_284 : i32 to vector<16xi32>
        %parallel_loop3A_288 = arith.addi %parallel_loop3A_286, %parallel_loop3A_287 : vector<16xi32>
        %parallel_loop3A_289 = tpu.vector_load_idx %arg5[%iota3A, %parallel_loop3A_288] : memref<32x128xf32, #tpu.memory_space<vmem>>[vector<16xi32>, vector<16xi32>], vector<16xf32>,
        %parallel_loop3A_290 = arith.index_cast %parallel_loop3A_256 : i32 to index
        %parallel_loop3A_291 = arith.constant 32 : index
        %parallel_loop3A_292 = tpu.vector_load %arg7[%parallel_loop3A_290, %parallel_loop3A_291] {strides = array<i32>} : memref<32x128xf32, #tpu.memory_space<vmem>>, vector<16xf32>,
        tpu.vector_store %arg7[%parallel_loop3A_290, %parallel_loop3A_291], %parallel_loop3A_289 {strides = array<i32>} : memref<32x128xf32, #tpu.memory_space<vmem>>, vector<16xf32>,
        %parallel_loop3A_293 = arith.constant 4 : i32
        %parallel_loop3A_294 = arith.muli %parallel_loop3A_256, %parallel_loop3A_293 : i32
        %parallel_loop3A_295 = arith.constant 1 : i32
        %parallel_loop3A_296 = arith.addi %parallel_loop3A_294, %parallel_loop3A_295 : i32
        %parallel_loop3A_297 = arith.constant 0 : i32
        %parallel_loop3A_298 = vector.broadcast %parallel_loop3A_297 : i32 to vector<16xi32>
        %parallel_loop3A_299 = vector.broadcast %parallel_loop3A_296 : i32 to vector<16xi32>
        %parallel_loop3A_300 = arith.addi %parallel_loop3A_298, %parallel_loop3A_299 : vector<16xi32>
        %parallel_loop3A_301 = tpu.vector_load_idx %arg5[%add3A_11, %parallel_loop3A_300] : memref<32x128xf32, #tpu.memory_space<vmem>>[vector<16xi32>, vector<16xi32>], vector<16xf32>,
        %parallel_loop3A_302 = arith.index_cast %parallel_loop3A_256 : i32 to index
        %parallel_loop3A_303 = arith.constant 48 : index
        %parallel_loop3A_304 = tpu.vector_load %arg7[%parallel_loop3A_302, %parallel_loop3A_303] {strides = array<i32>} : memref<32x128xf32, #tpu.memory_space<vmem>>, vector<16xf32>,
        tpu.vector_store %arg7[%parallel_loop3A_302, %parallel_loop3A_303], %parallel_loop3A_301 {strides = array<i32>} : memref<32x128xf32, #tpu.memory_space<vmem>>, vector<16xf32>,
        %parallel_loop3A_305 = arith.constant 4 : i32
        %parallel_loop3A_306 = arith.muli %parallel_loop3A_256, %parallel_loop3A_305 : i32
        %parallel_loop3A_307 = arith.constant 2 : i32
        %parallel_loop3A_308 = arith.addi %parallel_loop3A_306, %parallel_loop3A_307 : i32
        %parallel_loop3A_309 = arith.constant 0 : i32
        %parallel_loop3A_310 = vector.broadcast %parallel_loop3A_309 : i32 to vector<16xi32>
        %parallel_loop3A_311 = vector.broadcast %parallel_loop3A_308 : i32 to vector<16xi32>
        %parallel_loop3A_312 = arith.addi %parallel_loop3A_310, %parallel_loop3A_311 : vector<16xi32>
        %parallel_loop3A_313 = tpu.vector_load_idx %arg5[%iota3A, %parallel_loop3A_312] : memref<32x128xf32, #tpu.memory_space<vmem>>[vector<16xi32>, vector<16xi32>], vector<16xf32>,
        %parallel_loop3A_314 = arith.index_cast %parallel_loop3A_256 : i32 to index
        %parallel_loop3A_315 = arith.constant 64 : index
        %parallel_loop3A_316 = tpu.vector_load %arg7[%parallel_loop3A_314, %parallel_loop3A_315] {strides = array<i32>} : memref<32x128xf32, #tpu.memory_space<vmem>>, vector<16xf32>,
        tpu.vector_store %arg7[%parallel_loop3A_314, %parallel_loop3A_315], %parallel_loop3A_313 {strides = array<i32>} : memref<32x128xf32, #tpu.memory_space<vmem>>, vector<16xf32>,
        %parallel_loop3A_317 = arith.constant 4 : i32
        %parallel_loop3A_318 = arith.muli %parallel_loop3A_256, %parallel_loop3A_317 : i32
        %parallel_loop3A_319 = arith.constant 2 : i32
        %parallel_loop3A_320 = arith.addi %parallel_loop3A_318, %parallel_loop3A_319 : i32
        %parallel_loop3A_321 = arith.constant 0 : i32
        %parallel_loop3A_322 = vector.broadcast %parallel_loop3A_321 : i32 to vector<16xi32>
        %parallel_loop3A_323 = vector.broadcast %parallel_loop3A_320 : i32 to vector<16xi32>
        %parallel_loop3A_324 = arith.addi %parallel_loop3A_322, %parallel_loop3A_323 : vector<16xi32>
        %parallel_loop3A_325 = tpu.vector_load_idx %arg5[%add3A_11, %parallel_loop3A_324] : memref<32x128xf32, #tpu.memory_space<vmem>>[vector<16xi32>, vector<16xi32>], vector<16xf32>,
        %parallel_loop3A_326 = arith.index_cast %parallel_loop3A_256 : i32 to index
        %parallel_loop3A_327 = arith.constant 80 : index
        %parallel_loop3A_328 = tpu.vector_load %arg7[%parallel_loop3A_326, %parallel_loop3A_327] {strides = array<i32>} : memref<32x128xf32, #tpu.memory_space<vmem>>, vector<16xf32>,
        tpu.vector_store %arg7[%parallel_loop3A_326, %parallel_loop3A_327], %parallel_loop3A_325 {strides = array<i32>} : memref<32x128xf32, #tpu.memory_space<vmem>>, vector<16xf32>,
        %parallel_loop3A_329 = arith.constant 4 : i32
        %parallel_loop3A_330 = arith.muli %parallel_loop3A_256, %parallel_loop3A_329 : i32
        %parallel_loop3A_331 = arith.constant 3 : i32
        %parallel_loop3A_332 = arith.addi %parallel_loop3A_330, %parallel_loop3A_331 : i32
        %parallel_loop3A_333 = arith.constant 0 : i32
        %parallel_loop3A_334 = vector.broadcast %parallel_loop3A_333 : i32 to vector<16xi32>
        %parallel_loop3A_335 = vector.broadcast %parallel_loop3A_332 : i32 to vector<16xi32>
        %parallel_loop3A_336 = arith.addi %parallel_loop3A_334, %parallel_loop3A_335 : vector<16xi32>
        %parallel_loop3A_337 = tpu.vector_load_idx %arg5[%iota3A, %parallel_loop3A_336] : memref<32x128xf32, #tpu.memory_space<vmem>>[vector<16xi32>, vector<16xi32>], vector<16xf32>,
        %parallel_loop3A_338 = arith.index_cast %parallel_loop3A_256 : i32 to index
        %parallel_loop3A_339 = arith.constant 96 : index
        %parallel_loop3A_340 = tpu.vector_load %arg7[%parallel_loop3A_338, %parallel_loop3A_339] {strides = array<i32>} : memref<32x128xf32, #tpu.memory_space<vmem>>, vector<16xf32>,
        tpu.vector_store %arg7[%parallel_loop3A_338, %parallel_loop3A_339], %parallel_loop3A_337 {strides = array<i32>} : memref<32x128xf32, #tpu.memory_space<vmem>>, vector<16xf32>,
        %parallel_loop3A_341 = arith.constant 4 : i32
        %parallel_loop3A_342 = arith.muli %parallel_loop3A_256, %parallel_loop3A_341 : i32
        %parallel_loop3A_343 = arith.constant 3 : i32
        %parallel_loop3A_344 = arith.addi %parallel_loop3A_342, %parallel_loop3A_343 : i32
        %parallel_loop3A_345 = arith.constant 0 : i32
        %parallel_loop3A_346 = vector.broadcast %parallel_loop3A_345 : i32 to vector<16xi32>
        %parallel_loop3A_347 = vector.broadcast %parallel_loop3A_344 : i32 to vector<16xi32>
        %parallel_loop3A_348 = arith.addi %parallel_loop3A_346, %parallel_loop3A_347 : vector<16xi32>
        %parallel_loop3A_349 = tpu.vector_load_idx %arg5[%add3A_11, %parallel_loop3A_348] : memref<32x128xf32, #tpu.memory_space<vmem>>[vector<16xi32>, vector<16xi32>], vector<16xf32>,
        %parallel_loop3A_350 = arith.index_cast %parallel_loop3A_256 : i32 to index
        %parallel_loop3A_351 = arith.constant 112 : index
        %parallel_loop3A_352 = tpu.vector_load %arg7[%parallel_loop3A_350, %parallel_loop3A_351] {strides = array<i32>} : memref<32x128xf32, #tpu.memory_space<vmem>>, vector<16xf32>,
        tpu.vector_store %arg7[%parallel_loop3A_350, %parallel_loop3A_351], %parallel_loop3A_349 {strides = array<i32>} : memref<32x128xf32, #tpu.memory_space<vmem>>, vector<16xf32>,
      } {sc.loop_unroll_factor = 2 : i64, sc.parallel_access}
      %mul3A_167 = arith.constant 32 : i32
      %mul3A_168 = arith.muli %add3A_112, %mul3A_167 : i32
      %dma_start3A = arith.constant 0 : i32
      %dma_start3A_169 = tpu.memref_slice %arg4[%mul3A_168, %dma_start3A] : memref<250000x128xf32, #tpu.memory_space<hbm>> -> memref<32x128xf32, #tpu.memory_space<hbm>>
      %dma_start3A_170 = arith.constant 0 : i32
      %dma_start3A_171 = tpu.memref_slice %arg4[%mul3A_168, %dma_start3A_170] : memref<250000x128xf32, #tpu.memory_space<hbm>> -> memref<32x128xf32, #tpu.memory_space<hbm>>
      tpu.enqueue_dma source(%arg7 : memref<32x128xf32, #tpu.memory_space<vmem>>) target(%dma_start3A_171 : memref<32x128xf32, #tpu.memory_space<hbm>>) target_semaphore(%arg11 : memref<!tpu.dma_semaphore, #tpu.memory_space<semaphore_mem>>)
      %mul3A_172 = arith.constant 2 : i32
      %mul3A_173 = arith.muli %mul3A_172, %add3A_107 : i32
      %add3A_174 = arith.constant 2 : i32
      %add3A_175 = arith.addi %mul3A_173, %add3A_174 : i32
      %add3A_176 = arith.constant 0 : i32
      %add3A_177 = arith.addi %add3A_175, %add3A_176 : i32
      %lt3A_178 = arith.cmpi slt, %add3A_177, %add3A_8 : i32
      %convert_element_type3A_179 = arith.extui %lt3A_178 : i1 to i32
      %cond3A_180 = arith.constant 0 : i32
      %cond3A_181 = arith.cmpi ne, %convert_element_type3A_179, %cond3A_180 : i32
      scf.if %cond3A_181 {
        %add3A_256 = arith.constant 2 : i32
        %add3A_257 = arith.addi %add3A_112, %add3A_256 : i32
        %mul3A_258 = arith.constant 128 : i32
        %mul3A_259 = arith.muli %add3A_257, %mul3A_258 : i32
        %dma_start3A_260 = arith.constant 0 : i32
        %dma_start3A_261 = arith.constant 0 : i32
        %dma_start3A_262 = tpu.memref_slice %arg5[%dma_start3A_260, %dma_start3A_261] : memref<32x128xf32, #tpu.memory_space<vmem>> -> memref<8x128xf32, #tpu.memory_space<vmem>>
        %dma_start3A_263 = arith.constant 0 : i32
        %dma_start3A_264 = tpu.memref_slice %arg2[%dma_start3A_263, %mul3A_259] : memref<32x1000000xf32, #tpu.memory_space<hbm>> -> memref<8x128xf32, #tpu.memory_space<hbm>>
        %dma_start3A_265 = arith.constant 0 : i32
        %dma_start3A_266 = arith.constant 0 : i32
        %dma_start3A_267 = tpu.memref_slice %arg5[%dma_start3A_265, %dma_start3A_266] : memref<32x128xf32, #tpu.memory_space<vmem>> -> memref<8x128xf32, #tpu.memory_space<vmem>>
        %dma_start3A_268 = arith.constant 0 : i32
        %dma_start3A_269 = tpu.memref_slice %arg2[%dma_start3A_268, %mul3A_259] : memref<32x1000000xf32, #tpu.memory_space<hbm>> -> memref<8x128xf32, #tpu.memory_space<hbm>>
        tpu.enqueue_dma source(%dma_start3A_269 : memref<8x128xf32, #tpu.memory_space<hbm>>) target(%dma_start3A_267 : memref<8x128xf32, #tpu.memory_space<vmem>>) target_semaphore(%arg9 : memref<!tpu.dma_semaphore, #tpu.memory_space<semaphore_mem>>)
        %mul3A_270 = arith.constant 128 : i32
        %mul3A_271 = arith.muli %add3A_257, %mul3A_270 : i32
        %dma_start3A_272 = arith.constant 8 : i32
        %dma_start3A_273 = arith.constant 0 : i32
        %dma_start3A_274 = tpu.memref_slice %arg5[%dma_start3A_272, %dma_start3A_273] : memref<32x128xf32, #tpu.memory_space<vmem>> -> memref<8x128xf32, #tpu.memory_space<vmem>>
        %dma_start3A_275 = arith.constant 8 : i32
        %dma_start3A_276 = tpu.memref_slice %arg2[%dma_start3A_275, %mul3A_271] : memref<32x1000000xf32, #tpu.memory_space<hbm>> -> memref<8x128xf32, #tpu.memory_space<hbm>>
        %dma_start3A_277 = arith.constant 8 : i32
        %dma_start3A_278 = arith.constant 0 : i32
        %dma_start3A_279 = tpu.memref_slice %arg5[%dma_start3A_277, %dma_start3A_278] : memref<32x128xf32, #tpu.memory_space<vmem>> -> memref<8x128xf32, #tpu.memory_space<vmem>>
        %dma_start3A_280 = arith.constant 8 : i32
        %dma_start3A_281 = tpu.memref_slice %arg2[%dma_start3A_280, %mul3A_271] : memref<32x1000000xf32, #tpu.memory_space<hbm>> -> memref<8x128xf32, #tpu.memory_space<hbm>>
        tpu.enqueue_dma source(%dma_start3A_281 : memref<8x128xf32, #tpu.memory_space<hbm>>) target(%dma_start3A_279 : memref<8x128xf32, #tpu.memory_space<vmem>>) target_semaphore(%arg9 : memref<!tpu.dma_semaphore, #tpu.memory_space<semaphore_mem>>)
        %mul3A_282 = arith.constant 128 : i32
        %mul3A_283 = arith.muli %add3A_257, %mul3A_282 : i32
        %dma_start3A_284 = arith.constant 16 : i32
        %dma_start3A_285 = arith.constant 0 : i32
        %dma_start3A_286 = tpu.memref_slice %arg5[%dma_start3A_284, %dma_start3A_285] : memref<32x128xf32, #tpu.memory_space<vmem>> -> memref<8x128xf32, #tpu.memory_space<vmem>>
        %dma_start3A_287 = arith.constant 16 : i32
        %dma_start3A_288 = tpu.memref_slice %arg2[%dma_start3A_287, %mul3A_283] : memref<32x1000000xf32, #tpu.memory_space<hbm>> -> memref<8x128xf32, #tpu.memory_space<hbm>>
        %dma_start3A_289 = arith.constant 16 : i32
        %dma_start3A_290 = arith.constant 0 : i32
        %dma_start3A_291 = tpu.memref_slice %arg5[%dma_start3A_289, %dma_start3A_290] : memref<32x128xf32, #tpu.memory_space<vmem>> -> memref<8x128xf32, #tpu.memory_space<vmem>>
        %dma_start3A_292 = arith.constant 16 : i32
        %dma_start3A_293 = tpu.memref_slice %arg2[%dma_start3A_292, %mul3A_283] : memref<32x1000000xf32, #tpu.memory_space<hbm>> -> memref<8x128xf32, #tpu.memory_space<hbm>>
        tpu.enqueue_dma source(%dma_start3A_293 : memref<8x128xf32, #tpu.memory_space<hbm>>) target(%dma_start3A_291 : memref<8x128xf32, #tpu.memory_space<vmem>>) target_semaphore(%arg9 : memref<!tpu.dma_semaphore, #tpu.memory_space<semaphore_mem>>)
        %mul3A_294 = arith.constant 128 : i32
        %mul3A_295 = arith.muli %add3A_257, %mul3A_294 : i32
        %dma_start3A_296 = arith.constant 24 : i32
        %dma_start3A_297 = arith.constant 0 : i32
        %dma_start3A_298 = tpu.memref_slice %arg5[%dma_start3A_296, %dma_start3A_297] : memref<32x128xf32, #tpu.memory_space<vmem>> -> memref<8x128xf32, #tpu.memory_space<vmem>>
        %dma_start3A_299 = arith.constant 24 : i32
        %dma_start3A_300 = tpu.memref_slice %arg2[%dma_start3A_299, %mul3A_295] : memref<32x1000000xf32, #tpu.memory_space<hbm>> -> memref<8x128xf32, #tpu.memory_space<hbm>>
        %dma_start3A_301 = arith.constant 24 : i32
        %dma_start3A_302 = arith.constant 0 : i32
        %dma_start3A_303 = tpu.memref_slice %arg5[%dma_start3A_301, %dma_start3A_302] : memref<32x128xf32, #tpu.memory_space<vmem>> -> memref<8x128xf32, #tpu.memory_space<vmem>>
        %dma_start3A_304 = arith.constant 24 : i32
        %dma_start3A_305 = tpu.memref_slice %arg2[%dma_start3A_304, %mul3A_295] : memref<32x1000000xf32, #tpu.memory_space<hbm>> -> memref<8x128xf32, #tpu.memory_space<hbm>>
        tpu.enqueue_dma source(%dma_start3A_305 : memref<8x128xf32, #tpu.memory_space<hbm>>) target(%dma_start3A_303 : memref<8x128xf32, #tpu.memory_space<vmem>>) target_semaphore(%arg9 : memref<!tpu.dma_semaphore, #tpu.memory_space<semaphore_mem>>)
      } else {
      }
      %add3A_182 = arith.constant 1 : i32
      %add3A_183 = arith.addi %add3A_110, %add3A_182 : i32
      %mul3A_184 = arith.constant 128 : i32
      %mul3A_185 = arith.muli %add3A_183, %mul3A_184 : i32
      %dma_wait3A_186 = arith.constant 0 : i32
      %dma_wait3A_187 = arith.constant 0 : i32
      %dma_wait3A_188 = tpu.memref_slice %arg6[%dma_wait3A_186, %dma_wait3A_187] : memref<32x128xf32, #tpu.memory_space<vmem>> -> memref<8x128xf32, #tpu.memory_space<vmem>>
      %dma_wait3A_189 = arith.constant 0 : i32
      %dma_wait3A_190 = tpu.memref_slice %arg2[%dma_wait3A_189, %mul3A_185] : memref<32x1000000xf32, #tpu.memory_space<hbm>> -> memref<8x128xf32, #tpu.memory_space<hbm>>
      %dma_wait3A_191 = arith.constant 0 : i32
      %dma_wait3A_192 = arith.constant 0 : i32
      %dma_wait3A_193 = tpu.memref_slice %arg6[%dma_wait3A_191, %dma_wait3A_192] : memref<32x128xf32, #tpu.memory_space<vmem>> -> memref<8x128xf32, #tpu.memory_space<vmem>>
      %dma_wait3A_194 = arith.constant 0 : i32
      %dma_wait3A_195 = tpu.memref_slice %arg2[%dma_wait3A_194, %mul3A_185] : memref<32x1000000xf32, #tpu.memory_space<hbm>> -> memref<8x128xf32, #tpu.memory_space<hbm>>
      tpu.wait_dma2 semaphore(%arg10 : memref<!tpu.dma_semaphore, #tpu.memory_space<semaphore_mem>>) src(%dma_wait3A_195 : memref<8x128xf32, #tpu.memory_space<hbm>>) dst(%dma_wait3A_193 : memref<8x128xf32, #tpu.memory_space<vmem>>)
      %mul3A_196 = arith.constant 128 : i32
      %mul3A_197 = arith.muli %add3A_183, %mul3A_196 : i32
      %dma_wait3A_198 = arith.constant 8 : i32
      %dma_wait3A_199 = arith.constant 0 : i32
      %dma_wait3A_200 = tpu.memref_slice %arg6[%dma_wait3A_198, %dma_wait3A_199] : memref<32x128xf32, #tpu.memory_space<vmem>> -> memref<8x128xf32, #tpu.memory_space<vmem>>
      %dma_wait3A_201 = arith.constant 8 : i32
      %dma_wait3A_202 = tpu.memref_slice %arg2[%dma_wait3A_201, %mul3A_197] : memref<32x1000000xf32, #tpu.memory_space<hbm>> -> memref<8x128xf32, #tpu.memory_space<hbm>>
      %dma_wait3A_203 = arith.constant 8 : i32
      %dma_wait3A_204 = arith.constant 0 : i32
      %dma_wait3A_205 = tpu.memref_slice %arg6[%dma_wait3A_203, %dma_wait3A_204] : memref<32x128xf32, #tpu.memory_space<vmem>> -> memref<8x128xf32, #tpu.memory_space<vmem>>
      %dma_wait3A_206 = arith.constant 8 : i32
      %dma_wait3A_207 = tpu.memref_slice %arg2[%dma_wait3A_206, %mul3A_197] : memref<32x1000000xf32, #tpu.memory_space<hbm>> -> memref<8x128xf32, #tpu.memory_space<hbm>>
      tpu.wait_dma2 semaphore(%arg10 : memref<!tpu.dma_semaphore, #tpu.memory_space<semaphore_mem>>) src(%dma_wait3A_207 : memref<8x128xf32, #tpu.memory_space<hbm>>) dst(%dma_wait3A_205 : memref<8x128xf32, #tpu.memory_space<vmem>>)
      %mul3A_208 = arith.constant 128 : i32
      %mul3A_209 = arith.muli %add3A_183, %mul3A_208 : i32
      %dma_wait3A_210 = arith.constant 16 : i32
      %dma_wait3A_211 = arith.constant 0 : i32
      %dma_wait3A_212 = tpu.memref_slice %arg6[%dma_wait3A_210, %dma_wait3A_211] : memref<32x128xf32, #tpu.memory_space<vmem>> -> memref<8x128xf32, #tpu.memory_space<vmem>>
      %dma_wait3A_213 = arith.constant 16 : i32
      %dma_wait3A_214 = tpu.memref_slice %arg2[%dma_wait3A_213, %mul3A_209] : memref<32x1000000xf32, #tpu.memory_space<hbm>> -> memref<8x128xf32, #tpu.memory_space<hbm>>
      %dma_wait3A_215 = arith.constant 16 : i32
      %dma_wait3A_216 = arith.constant 0 : i32
      %dma_wait3A_217 = tpu.memref_slice %arg6[%dma_wait3A_215, %dma_wait3A_216] : memref<32x128xf32, #tpu.memory_space<vmem>> -> memref<8x128xf32, #tpu.memory_space<vmem>>
      %dma_wait3A_218 = arith.constant 16 : i32
      %dma_wait3A_219 = tpu.memref_slice %arg2[%dma_wait3A_218, %mul3A_209] : memref<32x1000000xf32, #tpu.memory_space<hbm>> -> memref<8x128xf32, #tpu.memory_space<hbm>>
      tpu.wait_dma2 semaphore(%arg10 : memref<!tpu.dma_semaphore, #tpu.memory_space<semaphore_mem>>) src(%dma_wait3A_219 : memref<8x128xf32, #tpu.memory_space<hbm>>) dst(%dma_wait3A_217 : memref<8x128xf32, #tpu.memory_space<vmem>>)
      %mul3A_220 = arith.constant 128 : i32
      %mul3A_221 = arith.muli %add3A_183, %mul3A_220 : i32
      %dma_wait3A_222 = arith.constant 24 : i32
      %dma_wait3A_223 = arith.constant 0 : i32
      %dma_wait3A_224 = tpu.memref_slice %arg6[%dma_wait3A_222, %dma_wait3A_223] : memref<32x128xf32, #tpu.memory_space<vmem>> -> memref<8x128xf32, #tpu.memory_space<vmem>>
      %dma_wait3A_225 = arith.constant 24 : i32
      %dma_wait3A_226 = tpu.memref_slice %arg2[%dma_wait3A_225, %mul3A_221] : memref<32x1000000xf32, #tpu.memory_space<hbm>> -> memref<8x128xf32, #tpu.memory_space<hbm>>
      %dma_wait3A_227 = arith.constant 24 : i32
      %dma_wait3A_228 = arith.constant 0 : i32
      %dma_wait3A_229 = tpu.memref_slice %arg6[%dma_wait3A_227, %dma_wait3A_228] : memref<32x128xf32, #tpu.memory_space<vmem>> -> memref<8x128xf32, #tpu.memory_space<vmem>>
      %dma_wait3A_230 = arith.constant 24 : i32
      %dma_wait3A_231 = tpu.memref_slice %arg2[%dma_wait3A_230, %mul3A_221] : memref<32x1000000xf32, #tpu.memory_space<hbm>> -> memref<8x128xf32, #tpu.memory_space<hbm>>
      tpu.wait_dma2 semaphore(%arg10 : memref<!tpu.dma_semaphore, #tpu.memory_space<semaphore_mem>>) src(%dma_wait3A_231 : memref<8x128xf32, #tpu.memory_space<hbm>>) dst(%dma_wait3A_229 : memref<8x128xf32, #tpu.memory_space<vmem>>)
      %gt3A_232 = arith.constant 0 : i32
      %gt3A_233 = arith.cmpi sgt, %add3A_107, %gt3A_232 : i32
      %convert_element_type3A_234 = arith.extui %gt3A_233 : i1 to i32
      %cond3A_235 = arith.constant 0 : i32
      %cond3A_236 = arith.cmpi ne, %convert_element_type3A_234, %cond3A_235 : i32
      scf.if %cond3A_236 {
        %sub3A_256 = arith.constant 2 : i32
        %sub3A_257 = arith.subi %add3A_183, %sub3A_256 : i32
        %mul3A_258 = arith.constant 32 : i32
        %mul3A_259 = arith.muli %sub3A_257, %mul3A_258 : i32
        %dma_wait3A_260 = arith.constant 0 : i32
        %dma_wait3A_261 = tpu.memref_slice %arg4[%mul3A_259, %dma_wait3A_260] : memref<250000x128xf32, #tpu.memory_space<hbm>> -> memref<32x128xf32, #tpu.memory_space<hbm>>
        %dma_wait3A_262 = arith.constant 0 : i32
        %dma_wait3A_263 = tpu.memref_slice %arg4[%mul3A_259, %dma_wait3A_262] : memref<250000x128xf32, #tpu.memory_space<hbm>> -> memref<32x128xf32, #tpu.memory_space<hbm>>
        tpu.wait_dma2 semaphore(%arg12 : memref<!tpu.dma_semaphore, #tpu.memory_space<semaphore_mem>>) src(%arg8 : memref<32x128xf32, #tpu.memory_space<vmem>>) dst(%dma_wait3A_263 : memref<32x128xf32, #tpu.memory_space<hbm>>)
      } else {
      }
      %parallel_loop3A_237 = arith.constant 0 : i32
      %parallel_loop3A_238 = arith.constant 32 : i32
      %parallel_loop3A_239 = arith.constant 1 : i32
      scf.for %parallel_loop3A_256 = %parallel_loop3A_237 to %parallel_loop3A_238 step %parallel_loop3A_239  : i32 {
        %parallel_loop3A_257 = arith.constant 4 : i32
        %parallel_loop3A_258 = arith.muli %parallel_loop3A_256, %parallel_loop3A_257 : i32
        %parallel_loop3A_259 = arith.constant 0 : i32
        %parallel_loop3A_260 = arith.addi %parallel_loop3A_258, %parallel_loop3A_259 : i32
        %parallel_loop3A_261 = arith.constant 0 : i32
        %parallel_loop3A_262 = vector.broadcast %parallel_loop3A_261 : i32 to vector<16xi32>
        %parallel_loop3A_263 = vector.broadcast %parallel_loop3A_260 : i32 to vector<16xi32>
        %parallel_loop3A_264 = arith.addi %parallel_loop3A_262, %parallel_loop3A_263 : vector<16xi32>
        %parallel_loop3A_265 = tpu.vector_load_idx %arg6[%iota3A, %parallel_loop3A_264] : memref<32x128xf32, #tpu.memory_space<vmem>>[vector<16xi32>, vector<16xi32>], vector<16xf32>,
        %parallel_loop3A_266 = arith.index_cast %parallel_loop3A_256 : i32 to index
        %parallel_loop3A_267 = arith.constant 0 : index
        %parallel_loop3A_268 = tpu.vector_load %arg8[%parallel_loop3A_266, %parallel_loop3A_267] {strides = array<i32>} : memref<32x128xf32, #tpu.memory_space<vmem>>, vector<16xf32>,
        tpu.vector_store %arg8[%parallel_loop3A_266, %parallel_loop3A_267], %parallel_loop3A_265 {strides = array<i32>} : memref<32x128xf32, #tpu.memory_space<vmem>>, vector<16xf32>,
        %parallel_loop3A_269 = arith.constant 4 : i32
        %parallel_loop3A_270 = arith.muli %parallel_loop3A_256, %parallel_loop3A_269 : i32
        %parallel_loop3A_271 = arith.constant 0 : i32
        %parallel_loop3A_272 = arith.addi %parallel_loop3A_270, %parallel_loop3A_271 : i32
        %parallel_loop3A_273 = arith.constant 0 : i32
        %parallel_loop3A_274 = vector.broadcast %parallel_loop3A_273 : i32 to vector<16xi32>
        %parallel_loop3A_275 = vector.broadcast %parallel_loop3A_272 : i32 to vector<16xi32>
        %parallel_loop3A_276 = arith.addi %parallel_loop3A_274, %parallel_loop3A_275 : vector<16xi32>
        %parallel_loop3A_277 = tpu.vector_load_idx %arg6[%add3A_11, %parallel_loop3A_276] : memref<32x128xf32, #tpu.memory_space<vmem>>[vector<16xi32>, vector<16xi32>], vector<16xf32>,
        %parallel_loop3A_278 = arith.index_cast %parallel_loop3A_256 : i32 to index
        %parallel_loop3A_279 = arith.constant 16 : index
        %parallel_loop3A_280 = tpu.vector_load %arg8[%parallel_loop3A_278, %parallel_loop3A_279] {strides = array<i32>} : memref<32x128xf32, #tpu.memory_space<vmem>>, vector<16xf32>,
        tpu.vector_store %arg8[%parallel_loop3A_278, %parallel_loop3A_279], %parallel_loop3A_277 {strides = array<i32>} : memref<32x128xf32, #tpu.memory_space<vmem>>, vector<16xf32>,
        %parallel_loop3A_281 = arith.constant 4 : i32
        %parallel_loop3A_282 = arith.muli %parallel_loop3A_256, %parallel_loop3A_281 : i32
        %parallel_loop3A_283 = arith.constant 1 : i32
        %parallel_loop3A_284 = arith.addi %parallel_loop3A_282, %parallel_loop3A_283 : i32
        %parallel_loop3A_285 = arith.constant 0 : i32
        %parallel_loop3A_286 = vector.broadcast %parallel_loop3A_285 : i32 to vector<16xi32>
        %parallel_loop3A_287 = vector.broadcast %parallel_loop3A_284 : i32 to vector<16xi32>
        %parallel_loop3A_288 = arith.addi %parallel_loop3A_286, %parallel_loop3A_287 : vector<16xi32>
        %parallel_loop3A_289 = tpu.vector_load_idx %arg6[%iota3A, %parallel_loop3A_288] : memref<32x128xf32, #tpu.memory_space<vmem>>[vector<16xi32>, vector<16xi32>], vector<16xf32>,
        %parallel_loop3A_290 = arith.index_cast %parallel_loop3A_256 : i32 to index
        %parallel_loop3A_291 = arith.constant 32 : index
        %parallel_loop3A_292 = tpu.vector_load %arg8[%parallel_loop3A_290, %parallel_loop3A_291] {strides = array<i32>} : memref<32x128xf32, #tpu.memory_space<vmem>>, vector<16xf32>,
        tpu.vector_store %arg8[%parallel_loop3A_290, %parallel_loop3A_291], %parallel_loop3A_289 {strides = array<i32>} : memref<32x128xf32, #tpu.memory_space<vmem>>, vector<16xf32>,
        %parallel_loop3A_293 = arith.constant 4 : i32
        %parallel_loop3A_294 = arith.muli %parallel_loop3A_256, %parallel_loop3A_293 : i32
        %parallel_loop3A_295 = arith.constant 1 : i32
        %parallel_loop3A_296 = arith.addi %parallel_loop3A_294, %parallel_loop3A_295 : i32
        %parallel_loop3A_297 = arith.constant 0 : i32
        %parallel_loop3A_298 = vector.broadcast %parallel_loop3A_297 : i32 to vector<16xi32>
        %parallel_loop3A_299 = vector.broadcast %parallel_loop3A_296 : i32 to vector<16xi32>
        %parallel_loop3A_300 = arith.addi %parallel_loop3A_298, %parallel_loop3A_299 : vector<16xi32>
        %parallel_loop3A_301 = tpu.vector_load_idx %arg6[%add3A_11, %parallel_loop3A_300] : memref<32x128xf32, #tpu.memory_space<vmem>>[vector<16xi32>, vector<16xi32>], vector<16xf32>,
        %parallel_loop3A_302 = arith.index_cast %parallel_loop3A_256 : i32 to index
        %parallel_loop3A_303 = arith.constant 48 : index
        %parallel_loop3A_304 = tpu.vector_load %arg8[%parallel_loop3A_302, %parallel_loop3A_303] {strides = array<i32>} : memref<32x128xf32, #tpu.memory_space<vmem>>, vector<16xf32>,
        tpu.vector_store %arg8[%parallel_loop3A_302, %parallel_loop3A_303], %parallel_loop3A_301 {strides = array<i32>} : memref<32x128xf32, #tpu.memory_space<vmem>>, vector<16xf32>,
        %parallel_loop3A_305 = arith.constant 4 : i32
        %parallel_loop3A_306 = arith.muli %parallel_loop3A_256, %parallel_loop3A_305 : i32
        %parallel_loop3A_307 = arith.constant 2 : i32
        %parallel_loop3A_308 = arith.addi %parallel_loop3A_306, %parallel_loop3A_307 : i32
        %parallel_loop3A_309 = arith.constant 0 : i32
        %parallel_loop3A_310 = vector.broadcast %parallel_loop3A_309 : i32 to vector<16xi32>
        %parallel_loop3A_311 = vector.broadcast %parallel_loop3A_308 : i32 to vector<16xi32>
        %parallel_loop3A_312 = arith.addi %parallel_loop3A_310, %parallel_loop3A_311 : vector<16xi32>
        %parallel_loop3A_313 = tpu.vector_load_idx %arg6[%iota3A, %parallel_loop3A_312] : memref<32x128xf32, #tpu.memory_space<vmem>>[vector<16xi32>, vector<16xi32>], vector<16xf32>,
        %parallel_loop3A_314 = arith.index_cast %parallel_loop3A_256 : i32 to index
        %parallel_loop3A_315 = arith.constant 64 : index
        %parallel_loop3A_316 = tpu.vector_load %arg8[%parallel_loop3A_314, %parallel_loop3A_315] {strides = array<i32>} : memref<32x128xf32, #tpu.memory_space<vmem>>, vector<16xf32>,
        tpu.vector_store %arg8[%parallel_loop3A_314, %parallel_loop3A_315], %parallel_loop3A_313 {strides = array<i32>} : memref<32x128xf32, #tpu.memory_space<vmem>>, vector<16xf32>,
        %parallel_loop3A_317 = arith.constant 4 : i32
        %parallel_loop3A_318 = arith.muli %parallel_loop3A_256, %parallel_loop3A_317 : i32
        %parallel_loop3A_319 = arith.constant 2 : i32
        %parallel_loop3A_320 = arith.addi %parallel_loop3A_318, %parallel_loop3A_319 : i32
        %parallel_loop3A_321 = arith.constant 0 : i32
        %parallel_loop3A_322 = vector.broadcast %parallel_loop3A_321 : i32 to vector<16xi32>
        %parallel_loop3A_323 = vector.broadcast %parallel_loop3A_320 : i32 to vector<16xi32>
        %parallel_loop3A_324 = arith.addi %parallel_loop3A_322, %parallel_loop3A_323 : vector<16xi32>
        %parallel_loop3A_325 = tpu.vector_load_idx %arg6[%add3A_11, %parallel_loop3A_324] : memref<32x128xf32, #tpu.memory_space<vmem>>[vector<16xi32>, vector<16xi32>], vector<16xf32>,
        %parallel_loop3A_326 = arith.index_cast %parallel_loop3A_256 : i32 to index
        %parallel_loop3A_327 = arith.constant 80 : index
        %parallel_loop3A_328 = tpu.vector_load %arg8[%parallel_loop3A_326, %parallel_loop3A_327] {strides = array<i32>} : memref<32x128xf32, #tpu.memory_space<vmem>>, vector<16xf32>,
        tpu.vector_store %arg8[%parallel_loop3A_326, %parallel_loop3A_327], %parallel_loop3A_325 {strides = array<i32>} : memref<32x128xf32, #tpu.memory_space<vmem>>, vector<16xf32>,
        %parallel_loop3A_329 = arith.constant 4 : i32
        %parallel_loop3A_330 = arith.muli %parallel_loop3A_256, %parallel_loop3A_329 : i32
        %parallel_loop3A_331 = arith.constant 3 : i32
        %parallel_loop3A_332 = arith.addi %parallel_loop3A_330, %parallel_loop3A_331 : i32
        %parallel_loop3A_333 = arith.constant 0 : i32
        %parallel_loop3A_334 = vector.broadcast %parallel_loop3A_333 : i32 to vector<16xi32>
        %parallel_loop3A_335 = vector.broadcast %parallel_loop3A_332 : i32 to vector<16xi32>
        %parallel_loop3A_336 = arith.addi %parallel_loop3A_334, %parallel_loop3A_335 : vector<16xi32>
        %parallel_loop3A_337 = tpu.vector_load_idx %arg6[%iota3A, %parallel_loop3A_336] : memref<32x128xf32, #tpu.memory_space<vmem>>[vector<16xi32>, vector<16xi32>], vector<16xf32>,
        %parallel_loop3A_338 = arith.index_cast %parallel_loop3A_256 : i32 to index
        %parallel_loop3A_339 = arith.constant 96 : index
        %parallel_loop3A_340 = tpu.vector_load %arg8[%parallel_loop3A_338, %parallel_loop3A_339] {strides = array<i32>} : memref<32x128xf32, #tpu.memory_space<vmem>>, vector<16xf32>,
        tpu.vector_store %arg8[%parallel_loop3A_338, %parallel_loop3A_339], %parallel_loop3A_337 {strides = array<i32>} : memref<32x128xf32, #tpu.memory_space<vmem>>, vector<16xf32>,
        %parallel_loop3A_341 = arith.constant 4 : i32
        %parallel_loop3A_342 = arith.muli %parallel_loop3A_256, %parallel_loop3A_341 : i32
        %parallel_loop3A_343 = arith.constant 3 : i32
        %parallel_loop3A_344 = arith.addi %parallel_loop3A_342, %parallel_loop3A_343 : i32
        %parallel_loop3A_345 = arith.constant 0 : i32
        %parallel_loop3A_346 = vector.broadcast %parallel_loop3A_345 : i32 to vector<16xi32>
        %parallel_loop3A_347 = vector.broadcast %parallel_loop3A_344 : i32 to vector<16xi32>
        %parallel_loop3A_348 = arith.addi %parallel_loop3A_346, %parallel_loop3A_347 : vector<16xi32>
        %parallel_loop3A_349 = tpu.vector_load_idx %arg6[%add3A_11, %parallel_loop3A_348] : memref<32x128xf32, #tpu.memory_space<vmem>>[vector<16xi32>, vector<16xi32>], vector<16xf32>,
        %parallel_loop3A_350 = arith.index_cast %parallel_loop3A_256 : i32 to index
        %parallel_loop3A_351 = arith.constant 112 : index
        %parallel_loop3A_352 = tpu.vector_load %arg8[%parallel_loop3A_350, %parallel_loop3A_351] {strides = array<i32>} : memref<32x128xf32, #tpu.memory_space<vmem>>, vector<16xf32>,
        tpu.vector_store %arg8[%parallel_loop3A_350, %parallel_loop3A_351], %parallel_loop3A_349 {strides = array<i32>} : memref<32x128xf32, #tpu.memory_space<vmem>>, vector<16xf32>,
      } {sc.loop_unroll_factor = 2 : i64, sc.parallel_access}
      %mul3A_240 = arith.constant 32 : i32
      %mul3A_241 = arith.muli %add3A_183, %mul3A_240 : i32
      %dma_start3A_242 = arith.constant 0 : i32
      %dma_start3A_243 = tpu.memref_slice %arg4[%mul3A_241, %dma_start3A_242] : memref<250000x128xf32, #tpu.memory_space<hbm>> -> memref<32x128xf32, #tpu.memory_space<hbm>>
      %dma_start3A_244 = arith.constant 0 : i32
      %dma_start3A_245 = tpu.memref_slice %arg4[%mul3A_241, %dma_start3A_244] : memref<250000x128xf32, #tpu.memory_space<hbm>> -> memref<32x128xf32, #tpu.memory_space<hbm>>
      tpu.enqueue_dma source(%arg8 : memref<32x128xf32, #tpu.memory_space<vmem>>) target(%dma_start3A_245 : memref<32x128xf32, #tpu.memory_space<hbm>>) target_semaphore(%arg12 : memref<!tpu.dma_semaphore, #tpu.memory_space<semaphore_mem>>)
      %mul3A_246 = arith.constant 2 : i32
      %mul3A_247 = arith.muli %mul3A_246, %add3A_107 : i32
      %add3A_248 = arith.constant 2 : i32
      %add3A_249 = arith.addi %mul3A_247, %add3A_248 : i32
      %add3A_250 = arith.constant 1 : i32
      %add3A_251 = arith.addi %add3A_249, %add3A_250 : i32
      %lt3A_252 = arith.cmpi slt, %add3A_251, %add3A_8 : i32
      %convert_element_type3A_253 = arith.extui %lt3A_252 : i1 to i32
      %cond3A_254 = arith.constant 0 : i32
      %cond3A_255 = arith.cmpi ne, %convert_element_type3A_253, %cond3A_254 : i32
      scf.if %cond3A_255 {
        %add3A_256 = arith.constant 2 : i32
        %add3A_257 = arith.addi %add3A_183, %add3A_256 : i32
        %mul3A_258 = arith.constant 128 : i32
        %mul3A_259 = arith.muli %add3A_257, %mul3A_258 : i32
        %dma_start3A_260 = arith.constant 0 : i32
        %dma_start3A_261 = arith.constant 0 : i32
        %dma_start3A_262 = tpu.memref_slice %arg6[%dma_start3A_260, %dma_start3A_261] : memref<32x128xf32, #tpu.memory_space<vmem>> -> memref<8x128xf32, #tpu.memory_space<vmem>>
        %dma_start3A_263 = arith.constant 0 : i32
        %dma_start3A_264 = tpu.memref_slice %arg2[%dma_start3A_263, %mul3A_259] : memref<32x1000000xf32, #tpu.memory_space<hbm>> -> memref<8x128xf32, #tpu.memory_space<hbm>>
        %dma_start3A_265 = arith.constant 0 : i32
        %dma_start3A_266 = arith.constant 0 : i32
        %dma_start3A_267 = tpu.memref_slice %arg6[%dma_start3A_265, %dma_start3A_266] : memref<32x128xf32, #tpu.memory_space<vmem>> -> memref<8x128xf32, #tpu.memory_space<vmem>>
        %dma_start3A_268 = arith.constant 0 : i32
        %dma_start3A_269 = tpu.memref_slice %arg2[%dma_start3A_268, %mul3A_259] : memref<32x1000000xf32, #tpu.memory_space<hbm>> -> memref<8x128xf32, #tpu.memory_space<hbm>>
        tpu.enqueue_dma source(%dma_start3A_269 : memref<8x128xf32, #tpu.memory_space<hbm>>) target(%dma_start3A_267 : memref<8x128xf32, #tpu.memory_space<vmem>>) target_semaphore(%arg10 : memref<!tpu.dma_semaphore, #tpu.memory_space<semaphore_mem>>)
        %mul3A_270 = arith.constant 128 : i32
        %mul3A_271 = arith.muli %add3A_257, %mul3A_270 : i32
        %dma_start3A_272 = arith.constant 8 : i32
        %dma_start3A_273 = arith.constant 0 : i32
        %dma_start3A_274 = tpu.memref_slice %arg6[%dma_start3A_272, %dma_start3A_273] : memref<32x128xf32, #tpu.memory_space<vmem>> -> memref<8x128xf32, #tpu.memory_space<vmem>>
        %dma_start3A_275 = arith.constant 8 : i32
        %dma_start3A_276 = tpu.memref_slice %arg2[%dma_start3A_275, %mul3A_271] : memref<32x1000000xf32, #tpu.memory_space<hbm>> -> memref<8x128xf32, #tpu.memory_space<hbm>>
        %dma_start3A_277 = arith.constant 8 : i32
        %dma_start3A_278 = arith.constant 0 : i32
        %dma_start3A_279 = tpu.memref_slice %arg6[%dma_start3A_277, %dma_start3A_278] : memref<32x128xf32, #tpu.memory_space<vmem>> -> memref<8x128xf32, #tpu.memory_space<vmem>>
        %dma_start3A_280 = arith.constant 8 : i32
        %dma_start3A_281 = tpu.memref_slice %arg2[%dma_start3A_280, %mul3A_271] : memref<32x1000000xf32, #tpu.memory_space<hbm>> -> memref<8x128xf32, #tpu.memory_space<hbm>>
        tpu.enqueue_dma source(%dma_start3A_281 : memref<8x128xf32, #tpu.memory_space<hbm>>) target(%dma_start3A_279 : memref<8x128xf32, #tpu.memory_space<vmem>>) target_semaphore(%arg10 : memref<!tpu.dma_semaphore, #tpu.memory_space<semaphore_mem>>)
        %mul3A_282 = arith.constant 128 : i32
        %mul3A_283 = arith.muli %add3A_257, %mul3A_282 : i32
        %dma_start3A_284 = arith.constant 16 : i32
        %dma_start3A_285 = arith.constant 0 : i32
        %dma_start3A_286 = tpu.memref_slice %arg6[%dma_start3A_284, %dma_start3A_285] : memref<32x128xf32, #tpu.memory_space<vmem>> -> memref<8x128xf32, #tpu.memory_space<vmem>>
        %dma_start3A_287 = arith.constant 16 : i32
        %dma_start3A_288 = tpu.memref_slice %arg2[%dma_start3A_287, %mul3A_283] : memref<32x1000000xf32, #tpu.memory_space<hbm>> -> memref<8x128xf32, #tpu.memory_space<hbm>>
        %dma_start3A_289 = arith.constant 16 : i32
        %dma_start3A_290 = arith.constant 0 : i32
        %dma_start3A_291 = tpu.memref_slice %arg6[%dma_start3A_289, %dma_start3A_290] : memref<32x128xf32, #tpu.memory_space<vmem>> -> memref<8x128xf32, #tpu.memory_space<vmem>>
        %dma_start3A_292 = arith.constant 16 : i32
        %dma_start3A_293 = tpu.memref_slice %arg2[%dma_start3A_292, %mul3A_283] : memref<32x1000000xf32, #tpu.memory_space<hbm>> -> memref<8x128xf32, #tpu.memory_space<hbm>>
        tpu.enqueue_dma source(%dma_start3A_293 : memref<8x128xf32, #tpu.memory_space<hbm>>) target(%dma_start3A_291 : memref<8x128xf32, #tpu.memory_space<vmem>>) target_semaphore(%arg10 : memref<!tpu.dma_semaphore, #tpu.memory_space<semaphore_mem>>)
        %mul3A_294 = arith.constant 128 : i32
        %mul3A_295 = arith.muli %add3A_257, %mul3A_294 : i32
        %dma_start3A_296 = arith.constant 24 : i32
        %dma_start3A_297 = arith.constant 0 : i32
        %dma_start3A_298 = tpu.memref_slice %arg6[%dma_start3A_296, %dma_start3A_297] : memref<32x128xf32, #tpu.memory_space<vmem>> -> memref<8x128xf32, #tpu.memory_space<vmem>>
        %dma_start3A_299 = arith.constant 24 : i32
        %dma_start3A_300 = tpu.memref_slice %arg2[%dma_start3A_299, %mul3A_295] : memref<32x1000000xf32, #tpu.memory_space<hbm>> -> memref<8x128xf32, #tpu.memory_space<hbm>>
        %dma_start3A_301 = arith.constant 24 : i32
        %dma_start3A_302 = arith.constant 0 : i32
        %dma_start3A_303 = tpu.memref_slice %arg6[%dma_start3A_301, %dma_start3A_302] : memref<32x128xf32, #tpu.memory_space<vmem>> -> memref<8x128xf32, #tpu.memory_space<vmem>>
        %dma_start3A_304 = arith.constant 24 : i32
        %dma_start3A_305 = tpu.memref_slice %arg2[%dma_start3A_304, %mul3A_295] : memref<32x1000000xf32, #tpu.memory_space<hbm>> -> memref<8x128xf32, #tpu.memory_space<hbm>>
        tpu.enqueue_dma source(%dma_start3A_305 : memref<8x128xf32, #tpu.memory_space<hbm>>) target(%dma_start3A_303 : memref<8x128xf32, #tpu.memory_space<vmem>>) target_semaphore(%arg10 : memref<!tpu.dma_semaphore, #tpu.memory_space<semaphore_mem>>)
      } else {
      }
    }
    %jit3A_55 = arith.constant 2 : i32
    %eq3A = arith.constant 0 : i32
    %eq3A_56 = arith.cmpi eq, %jit3A_55, %eq3A : i32
    %jit3A_57 = arith.constant 1 : i32
    %select_n3A_58 = arith.select %eq3A_56, %jit3A_57, %jit3A_55 : i32
    %rem3A_59 = arith.remsi %add3A_8, %select_n3A_58 : i32
    %ne3A_60 = arith.constant 0 : i32
    %ne3A_61 = arith.cmpi ne, %rem3A_59, %ne3A_60 : i32
    %lt3A_62 = arith.constant 0 : i32
    %lt3A_63 = arith.cmpi slt, %rem3A_59, %lt3A_62 : i32
    %lt3A_64 = arith.constant 0 : i32
    %lt3A_65 = arith.cmpi slt, %select_n3A_58, %lt3A_64 : i32
    %ne3A_66 = arith.xori %lt3A_63, %lt3A_65 : i1
    %and3A_67 = arith.andi %ne3A_66, %ne3A_61 : i1
    %add3A_68 = arith.addi %rem3A_59, %select_n3A_58 : i32
    %select_n3A_69 = arith.select %and3A_67, %add3A_68, %rem3A_59 : i32
    %eq3A_70 = arith.constant 1 : i32
    %eq3A_71 = arith.cmpi eq, %select_n3A_69, %eq3A_70 : i32
    %convert_element_type3A_72 = arith.extui %eq3A_71 : i1 to i32
    %cond3A_73 = arith.constant 0 : i32
    %cond3A_74 = arith.cmpi ne, %convert_element_type3A_72, %cond3A_73 : i32
    scf.if %cond3A_74 {
      %add3A_105 = arith.addi %add3A_4, %add3A_8 : i32
      %sub3A_106 = arith.constant 1 : i32
      %sub3A_107 = arith.subi %add3A_105, %sub3A_106 : i32
      %mul3A_108 = arith.constant 128 : i32
      %mul3A_109 = arith.muli %sub3A_107, %mul3A_108 : i32
      %dma_wait3A = arith.constant 0 : i32
      %dma_wait3A_110 = arith.constant 0 : i32
      %dma_wait3A_111 = tpu.memref_slice %arg5[%dma_wait3A, %dma_wait3A_110] : memref<32x128xf32, #tpu.memory_space<vmem>> -> memref<8x128xf32, #tpu.memory_space<vmem>>
      %dma_wait3A_112 = arith.constant 0 : i32
      %dma_wait3A_113 = tpu.memref_slice %arg2[%dma_wait3A_112, %mul3A_109] : memref<32x1000000xf32, #tpu.memory_space<hbm>> -> memref<8x128xf32, #tpu.memory_space<hbm>>
      %dma_wait3A_114 = arith.constant 0 : i32
      %dma_wait3A_115 = arith.constant 0 : i32
      %dma_wait3A_116 = tpu.memref_slice %arg5[%dma_wait3A_114, %dma_wait3A_115] : memref<32x128xf32, #tpu.memory_space<vmem>> -> memref<8x128xf32, #tpu.memory_space<vmem>>
      %dma_wait3A_117 = arith.constant 0 : i32
      %dma_wait3A_118 = tpu.memref_slice %arg2[%dma_wait3A_117, %mul3A_109] : memref<32x1000000xf32, #tpu.memory_space<hbm>> -> memref<8x128xf32, #tpu.memory_space<hbm>>
      tpu.wait_dma2 semaphore(%arg9 : memref<!tpu.dma_semaphore, #tpu.memory_space<semaphore_mem>>) src(%dma_wait3A_118 : memref<8x128xf32, #tpu.memory_space<hbm>>) dst(%dma_wait3A_116 : memref<8x128xf32, #tpu.memory_space<vmem>>)
      %mul3A_119 = arith.constant 128 : i32
      %mul3A_120 = arith.muli %sub3A_107, %mul3A_119 : i32
      %dma_wait3A_121 = arith.constant 8 : i32
      %dma_wait3A_122 = arith.constant 0 : i32
      %dma_wait3A_123 = tpu.memref_slice %arg5[%dma_wait3A_121, %dma_wait3A_122] : memref<32x128xf32, #tpu.memory_space<vmem>> -> memref<8x128xf32, #tpu.memory_space<vmem>>
      %dma_wait3A_124 = arith.constant 8 : i32
      %dma_wait3A_125 = tpu.memref_slice %arg2[%dma_wait3A_124, %mul3A_120] : memref<32x1000000xf32, #tpu.memory_space<hbm>> -> memref<8x128xf32, #tpu.memory_space<hbm>>
      %dma_wait3A_126 = arith.constant 8 : i32
      %dma_wait3A_127 = arith.constant 0 : i32
      %dma_wait3A_128 = tpu.memref_slice %arg5[%dma_wait3A_126, %dma_wait3A_127] : memref<32x128xf32, #tpu.memory_space<vmem>> -> memref<8x128xf32, #tpu.memory_space<vmem>>
      %dma_wait3A_129 = arith.constant 8 : i32
      %dma_wait3A_130 = tpu.memref_slice %arg2[%dma_wait3A_129, %mul3A_120] : memref<32x1000000xf32, #tpu.memory_space<hbm>> -> memref<8x128xf32, #tpu.memory_space<hbm>>
      tpu.wait_dma2 semaphore(%arg9 : memref<!tpu.dma_semaphore, #tpu.memory_space<semaphore_mem>>) src(%dma_wait3A_130 : memref<8x128xf32, #tpu.memory_space<hbm>>) dst(%dma_wait3A_128 : memref<8x128xf32, #tpu.memory_space<vmem>>)
      %mul3A_131 = arith.constant 128 : i32
      %mul3A_132 = arith.muli %sub3A_107, %mul3A_131 : i32
      %dma_wait3A_133 = arith.constant 16 : i32
      %dma_wait3A_134 = arith.constant 0 : i32
      %dma_wait3A_135 = tpu.memref_slice %arg5[%dma_wait3A_133, %dma_wait3A_134] : memref<32x128xf32, #tpu.memory_space<vmem>> -> memref<8x128xf32, #tpu.memory_space<vmem>>
      %dma_wait3A_136 = arith.constant 16 : i32
      %dma_wait3A_137 = tpu.memref_slice %arg2[%dma_wait3A_136, %mul3A_132] : memref<32x1000000xf32, #tpu.memory_space<hbm>> -> memref<8x128xf32, #tpu.memory_space<hbm>>
      %dma_wait3A_138 = arith.constant 16 : i32
      %dma_wait3A_139 = arith.constant 0 : i32
      %dma_wait3A_140 = tpu.memref_slice %arg5[%dma_wait3A_138, %dma_wait3A_139] : memref<32x128xf32, #tpu.memory_space<vmem>> -> memref<8x128xf32, #tpu.memory_space<vmem>>
      %dma_wait3A_141 = arith.constant 16 : i32
      %dma_wait3A_142 = tpu.memref_slice %arg2[%dma_wait3A_141, %mul3A_132] : memref<32x1000000xf32, #tpu.memory_space<hbm>> -> memref<8x128xf32, #tpu.memory_space<hbm>>
      tpu.wait_dma2 semaphore(%arg9 : memref<!tpu.dma_semaphore, #tpu.memory_space<semaphore_mem>>) src(%dma_wait3A_142 : memref<8x128xf32, #tpu.memory_space<hbm>>) dst(%dma_wait3A_140 : memref<8x128xf32, #tpu.memory_space<vmem>>)
      %mul3A_143 = arith.constant 128 : i32
      %mul3A_144 = arith.muli %sub3A_107, %mul3A_143 : i32
      %dma_wait3A_145 = arith.constant 24 : i32
      %dma_wait3A_146 = arith.constant 0 : i32
      %dma_wait3A_147 = tpu.memref_slice %arg5[%dma_wait3A_145, %dma_wait3A_146] : memref<32x128xf32, #tpu.memory_space<vmem>> -> memref<8x128xf32, #tpu.memory_space<vmem>>
      %dma_wait3A_148 = arith.constant 24 : i32
      %dma_wait3A_149 = tpu.memref_slice %arg2[%dma_wait3A_148, %mul3A_144] : memref<32x1000000xf32, #tpu.memory_space<hbm>> -> memref<8x128xf32, #tpu.memory_space<hbm>>
      %dma_wait3A_150 = arith.constant 24 : i32
      %dma_wait3A_151 = arith.constant 0 : i32
      %dma_wait3A_152 = tpu.memref_slice %arg5[%dma_wait3A_150, %dma_wait3A_151] : memref<32x128xf32, #tpu.memory_space<vmem>> -> memref<8x128xf32, #tpu.memory_space<vmem>>
      %dma_wait3A_153 = arith.constant 24 : i32
      %dma_wait3A_154 = tpu.memref_slice %arg2[%dma_wait3A_153, %mul3A_144] : memref<32x1000000xf32, #tpu.memory_space<hbm>> -> memref<8x128xf32, #tpu.memory_space<hbm>>
      tpu.wait_dma2 semaphore(%arg9 : memref<!tpu.dma_semaphore, #tpu.memory_space<semaphore_mem>>) src(%dma_wait3A_154 : memref<8x128xf32, #tpu.memory_space<hbm>>) dst(%dma_wait3A_152 : memref<8x128xf32, #tpu.memory_space<vmem>>)
      %gt3A_155 = arith.constant 2 : i32
      %gt3A_156 = arith.cmpi sgt, %add3A_8, %gt3A_155 : i32
      %convert_element_type3A_157 = arith.extui %gt3A_156 : i1 to i32
      %cond3A_158 = arith.constant 0 : i32
      %cond3A_159 = arith.cmpi ne, %convert_element_type3A_157, %cond3A_158 : i32
      scf.if %cond3A_159 {
        %sub3A_167 = arith.constant 2 : i32
        %sub3A_168 = arith.subi %sub3A_107, %sub3A_167 : i32
        %mul3A_169 = arith.constant 32 : i32
        %mul3A_170 = arith.muli %sub3A_168, %mul3A_169 : i32
        %dma_wait3A_171 = arith.constant 0 : i32
        %dma_wait3A_172 = tpu.memref_slice %arg4[%mul3A_170, %dma_wait3A_171] : memref<250000x128xf32, #tpu.memory_space<hbm>> -> memref<32x128xf32, #tpu.memory_space<hbm>>
        %dma_wait3A_173 = arith.constant 0 : i32
        %dma_wait3A_174 = tpu.memref_slice %arg4[%mul3A_170, %dma_wait3A_173] : memref<250000x128xf32, #tpu.memory_space<hbm>> -> memref<32x128xf32, #tpu.memory_space<hbm>>
        tpu.wait_dma2 semaphore(%arg11 : memref<!tpu.dma_semaphore, #tpu.memory_space<semaphore_mem>>) src(%arg7 : memref<32x128xf32, #tpu.memory_space<vmem>>) dst(%dma_wait3A_174 : memref<32x128xf32, #tpu.memory_space<hbm>>)
      } else {
      }
      %parallel_loop3A = arith.constant 0 : i32
      %parallel_loop3A_160 = arith.constant 32 : i32
      %parallel_loop3A_161 = arith.constant 1 : i32
      scf.for %parallel_loop3A_167 = %parallel_loop3A to %parallel_loop3A_160 step %parallel_loop3A_161  : i32 {
        %parallel_loop3A_168 = arith.constant 4 : i32
        %parallel_loop3A_169 = arith.muli %parallel_loop3A_167, %parallel_loop3A_168 : i32
        %parallel_loop3A_170 = arith.constant 0 : i32
        %parallel_loop3A_171 = arith.addi %parallel_loop3A_169, %parallel_loop3A_170 : i32
        %parallel_loop3A_172 = arith.constant 0 : i32
        %parallel_loop3A_173 = vector.broadcast %parallel_loop3A_172 : i32 to vector<16xi32>
        %parallel_loop3A_174 = vector.broadcast %parallel_loop3A_171 : i32 to vector<16xi32>
        %parallel_loop3A_175 = arith.addi %parallel_loop3A_173, %parallel_loop3A_174 : vector<16xi32>
        %parallel_loop3A_176 = tpu.vector_load_idx %arg5[%iota3A, %parallel_loop3A_175] : memref<32x128xf32, #tpu.memory_space<vmem>>[vector<16xi32>, vector<16xi32>], vector<16xf32>,
        %parallel_loop3A_177 = arith.index_cast %parallel_loop3A_167 : i32 to index
        %parallel_loop3A_178 = arith.constant 0 : index
        %parallel_loop3A_179 = tpu.vector_load %arg7[%parallel_loop3A_177, %parallel_loop3A_178] {strides = array<i32>} : memref<32x128xf32, #tpu.memory_space<vmem>>, vector<16xf32>,
        tpu.vector_store %arg7[%parallel_loop3A_177, %parallel_loop3A_178], %parallel_loop3A_176 {strides = array<i32>} : memref<32x128xf32, #tpu.memory_space<vmem>>, vector<16xf32>,
        %parallel_loop3A_180 = arith.constant 4 : i32
        %parallel_loop3A_181 = arith.muli %parallel_loop3A_167, %parallel_loop3A_180 : i32
        %parallel_loop3A_182 = arith.constant 0 : i32
        %parallel_loop3A_183 = arith.addi %parallel_loop3A_181, %parallel_loop3A_182 : i32
        %parallel_loop3A_184 = arith.constant 0 : i32
        %parallel_loop3A_185 = vector.broadcast %parallel_loop3A_184 : i32 to vector<16xi32>
        %parallel_loop3A_186 = vector.broadcast %parallel_loop3A_183 : i32 to vector<16xi32>
        %parallel_loop3A_187 = arith.addi %parallel_loop3A_185, %parallel_loop3A_186 : vector<16xi32>
        %parallel_loop3A_188 = tpu.vector_load_idx %arg5[%add3A_11, %parallel_loop3A_187] : memref<32x128xf32, #tpu.memory_space<vmem>>[vector<16xi32>, vector<16xi32>], vector<16xf32>,
        %parallel_loop3A_189 = arith.index_cast %parallel_loop3A_167 : i32 to index
        %parallel_loop3A_190 = arith.constant 16 : index
        %parallel_loop3A_191 = tpu.vector_load %arg7[%parallel_loop3A_189, %parallel_loop3A_190] {strides = array<i32>} : memref<32x128xf32, #tpu.memory_space<vmem>>, vector<16xf32>,
        tpu.vector_store %arg7[%parallel_loop3A_189, %parallel_loop3A_190], %parallel_loop3A_188 {strides = array<i32>} : memref<32x128xf32, #tpu.memory_space<vmem>>, vector<16xf32>,
        %parallel_loop3A_192 = arith.constant 4 : i32
        %parallel_loop3A_193 = arith.muli %parallel_loop3A_167, %parallel_loop3A_192 : i32
        %parallel_loop3A_194 = arith.constant 1 : i32
        %parallel_loop3A_195 = arith.addi %parallel_loop3A_193, %parallel_loop3A_194 : i32
        %parallel_loop3A_196 = arith.constant 0 : i32
        %parallel_loop3A_197 = vector.broadcast %parallel_loop3A_196 : i32 to vector<16xi32>
        %parallel_loop3A_198 = vector.broadcast %parallel_loop3A_195 : i32 to vector<16xi32>
        %parallel_loop3A_199 = arith.addi %parallel_loop3A_197, %parallel_loop3A_198 : vector<16xi32>
        %parallel_loop3A_200 = tpu.vector_load_idx %arg5[%iota3A, %parallel_loop3A_199] : memref<32x128xf32, #tpu.memory_space<vmem>>[vector<16xi32>, vector<16xi32>], vector<16xf32>,
        %parallel_loop3A_201 = arith.index_cast %parallel_loop3A_167 : i32 to index
        %parallel_loop3A_202 = arith.constant 32 : index
        %parallel_loop3A_203 = tpu.vector_load %arg7[%parallel_loop3A_201, %parallel_loop3A_202] {strides = array<i32>} : memref<32x128xf32, #tpu.memory_space<vmem>>, vector<16xf32>,
        tpu.vector_store %arg7[%parallel_loop3A_201, %parallel_loop3A_202], %parallel_loop3A_200 {strides = array<i32>} : memref<32x128xf32, #tpu.memory_space<vmem>>, vector<16xf32>,
        %parallel_loop3A_204 = arith.constant 4 : i32
        %parallel_loop3A_205 = arith.muli %parallel_loop3A_167, %parallel_loop3A_204 : i32
        %parallel_loop3A_206 = arith.constant 1 : i32
        %parallel_loop3A_207 = arith.addi %parallel_loop3A_205, %parallel_loop3A_206 : i32
        %parallel_loop3A_208 = arith.constant 0 : i32
        %parallel_loop3A_209 = vector.broadcast %parallel_loop3A_208 : i32 to vector<16xi32>
        %parallel_loop3A_210 = vector.broadcast %parallel_loop3A_207 : i32 to vector<16xi32>
        %parallel_loop3A_211 = arith.addi %parallel_loop3A_209, %parallel_loop3A_210 : vector<16xi32>
        %parallel_loop3A_212 = tpu.vector_load_idx %arg5[%add3A_11, %parallel_loop3A_211] : memref<32x128xf32, #tpu.memory_space<vmem>>[vector<16xi32>, vector<16xi32>], vector<16xf32>,
        %parallel_loop3A_213 = arith.index_cast %parallel_loop3A_167 : i32 to index
        %parallel_loop3A_214 = arith.constant 48 : index
        %parallel_loop3A_215 = tpu.vector_load %arg7[%parallel_loop3A_213, %parallel_loop3A_214] {strides = array<i32>} : memref<32x128xf32, #tpu.memory_space<vmem>>, vector<16xf32>,
        tpu.vector_store %arg7[%parallel_loop3A_213, %parallel_loop3A_214], %parallel_loop3A_212 {strides = array<i32>} : memref<32x128xf32, #tpu.memory_space<vmem>>, vector<16xf32>,
        %parallel_loop3A_216 = arith.constant 4 : i32
        %parallel_loop3A_217 = arith.muli %parallel_loop3A_167, %parallel_loop3A_216 : i32
        %parallel_loop3A_218 = arith.constant 2 : i32
        %parallel_loop3A_219 = arith.addi %parallel_loop3A_217, %parallel_loop3A_218 : i32
        %parallel_loop3A_220 = arith.constant 0 : i32
        %parallel_loop3A_221 = vector.broadcast %parallel_loop3A_220 : i32 to vector<16xi32>
        %parallel_loop3A_222 = vector.broadcast %parallel_loop3A_219 : i32 to vector<16xi32>
        %parallel_loop3A_223 = arith.addi %parallel_loop3A_221, %parallel_loop3A_222 : vector<16xi32>
        %parallel_loop3A_224 = tpu.vector_load_idx %arg5[%iota3A, %parallel_loop3A_223] : memref<32x128xf32, #tpu.memory_space<vmem>>[vector<16xi32>, vector<16xi32>], vector<16xf32>,
        %parallel_loop3A_225 = arith.index_cast %parallel_loop3A_167 : i32 to index
        %parallel_loop3A_226 = arith.constant 64 : index
        %parallel_loop3A_227 = tpu.vector_load %arg7[%parallel_loop3A_225, %parallel_loop3A_226] {strides = array<i32>} : memref<32x128xf32, #tpu.memory_space<vmem>>, vector<16xf32>,
        tpu.vector_store %arg7[%parallel_loop3A_225, %parallel_loop3A_226], %parallel_loop3A_224 {strides = array<i32>} : memref<32x128xf32, #tpu.memory_space<vmem>>, vector<16xf32>,
        %parallel_loop3A_228 = arith.constant 4 : i32
        %parallel_loop3A_229 = arith.muli %parallel_loop3A_167, %parallel_loop3A_228 : i32
        %parallel_loop3A_230 = arith.constant 2 : i32
        %parallel_loop3A_231 = arith.addi %parallel_loop3A_229, %parallel_loop3A_230 : i32
        %parallel_loop3A_232 = arith.constant 0 : i32
        %parallel_loop3A_233 = vector.broadcast %parallel_loop3A_232 : i32 to vector<16xi32>
        %parallel_loop3A_234 = vector.broadcast %parallel_loop3A_231 : i32 to vector<16xi32>
        %parallel_loop3A_235 = arith.addi %parallel_loop3A_233, %parallel_loop3A_234 : vector<16xi32>
        %parallel_loop3A_236 = tpu.vector_load_idx %arg5[%add3A_11, %parallel_loop3A_235] : memref<32x128xf32, #tpu.memory_space<vmem>>[vector<16xi32>, vector<16xi32>], vector<16xf32>,
        %parallel_loop3A_237 = arith.index_cast %parallel_loop3A_167 : i32 to index
        %parallel_loop3A_238 = arith.constant 80 : index
        %parallel_loop3A_239 = tpu.vector_load %arg7[%parallel_loop3A_237, %parallel_loop3A_238] {strides = array<i32>} : memref<32x128xf32, #tpu.memory_space<vmem>>, vector<16xf32>,
        tpu.vector_store %arg7[%parallel_loop3A_237, %parallel_loop3A_238], %parallel_loop3A_236 {strides = array<i32>} : memref<32x128xf32, #tpu.memory_space<vmem>>, vector<16xf32>,
        %parallel_loop3A_240 = arith.constant 4 : i32
        %parallel_loop3A_241 = arith.muli %parallel_loop3A_167, %parallel_loop3A_240 : i32
        %parallel_loop3A_242 = arith.constant 3 : i32
        %parallel_loop3A_243 = arith.addi %parallel_loop3A_241, %parallel_loop3A_242 : i32
        %parallel_loop3A_244 = arith.constant 0 : i32
        %parallel_loop3A_245 = vector.broadcast %parallel_loop3A_244 : i32 to vector<16xi32>
        %parallel_loop3A_246 = vector.broadcast %parallel_loop3A_243 : i32 to vector<16xi32>
        %parallel_loop3A_247 = arith.addi %parallel_loop3A_245, %parallel_loop3A_246 : vector<16xi32>
        %parallel_loop3A_248 = tpu.vector_load_idx %arg5[%iota3A, %parallel_loop3A_247] : memref<32x128xf32, #tpu.memory_space<vmem>>[vector<16xi32>, vector<16xi32>], vector<16xf32>,
        %parallel_loop3A_249 = arith.index_cast %parallel_loop3A_167 : i32 to index
        %parallel_loop3A_250 = arith.constant 96 : index
        %parallel_loop3A_251 = tpu.vector_load %arg7[%parallel_loop3A_249, %parallel_loop3A_250] {strides = array<i32>} : memref<32x128xf32, #tpu.memory_space<vmem>>, vector<16xf32>,
        tpu.vector_store %arg7[%parallel_loop3A_249, %parallel_loop3A_250], %parallel_loop3A_248 {strides = array<i32>} : memref<32x128xf32, #tpu.memory_space<vmem>>, vector<16xf32>,
        %parallel_loop3A_252 = arith.constant 4 : i32
        %parallel_loop3A_253 = arith.muli %parallel_loop3A_167, %parallel_loop3A_252 : i32
        %parallel_loop3A_254 = arith.constant 3 : i32
        %parallel_loop3A_255 = arith.addi %parallel_loop3A_253, %parallel_loop3A_254 : i32
        %parallel_loop3A_256 = arith.constant 0 : i32
        %parallel_loop3A_257 = vector.broadcast %parallel_loop3A_256 : i32 to vector<16xi32>
        %parallel_loop3A_258 = vector.broadcast %parallel_loop3A_255 : i32 to vector<16xi32>
        %parallel_loop3A_259 = arith.addi %parallel_loop3A_257, %parallel_loop3A_258 : vector<16xi32>
        %parallel_loop3A_260 = tpu.vector_load_idx %arg5[%add3A_11, %parallel_loop3A_259] : memref<32x128xf32, #tpu.memory_space<vmem>>[vector<16xi32>, vector<16xi32>], vector<16xf32>,
        %parallel_loop3A_261 = arith.index_cast %parallel_loop3A_167 : i32 to index
        %parallel_loop3A_262 = arith.constant 112 : index
        %parallel_loop3A_263 = tpu.vector_load %arg7[%parallel_loop3A_261, %parallel_loop3A_262] {strides = array<i32>} : memref<32x128xf32, #tpu.memory_space<vmem>>, vector<16xf32>,
        tpu.vector_store %arg7[%parallel_loop3A_261, %parallel_loop3A_262], %parallel_loop3A_260 {strides = array<i32>} : memref<32x128xf32, #tpu.memory_space<vmem>>, vector<16xf32>,
      } {sc.loop_unroll_factor = 2 : i64, sc.parallel_access}
      %mul3A_162 = arith.constant 32 : i32
      %mul3A_163 = arith.muli %sub3A_107, %mul3A_162 : i32
      %dma_start3A = arith.constant 0 : i32
      %dma_start3A_164 = tpu.memref_slice %arg4[%mul3A_163, %dma_start3A] : memref<250000x128xf32, #tpu.memory_space<hbm>> -> memref<32x128xf32, #tpu.memory_space<hbm>>
      %dma_start3A_165 = arith.constant 0 : i32
      %dma_start3A_166 = tpu.memref_slice %arg4[%mul3A_163, %dma_start3A_165] : memref<250000x128xf32, #tpu.memory_space<hbm>> -> memref<32x128xf32, #tpu.memory_space<hbm>>
      tpu.enqueue_dma source(%arg7 : memref<32x128xf32, #tpu.memory_space<vmem>>) target(%dma_start3A_166 : memref<32x128xf32, #tpu.memory_space<hbm>>) target_semaphore(%arg11 : memref<!tpu.dma_semaphore, #tpu.memory_space<semaphore_mem>>)
    } else {
    }
    %jit3A_75 = arith.constant 2 : i32
    %eq3A_76 = arith.constant 0 : i32
    %eq3A_77 = arith.cmpi eq, %jit3A_75, %eq3A_76 : i32
    %jit3A_78 = arith.constant 1 : i32
    %select_n3A_79 = arith.select %eq3A_77, %jit3A_78, %jit3A_75 : i32
    %rem3A_80 = arith.remsi %add3A_8, %select_n3A_79 : i32
    %ne3A_81 = arith.constant 0 : i32
    %ne3A_82 = arith.cmpi ne, %rem3A_80, %ne3A_81 : i32
    %lt3A_83 = arith.constant 0 : i32
    %lt3A_84 = arith.cmpi slt, %rem3A_80, %lt3A_83 : i32
    %lt3A_85 = arith.constant 0 : i32
    %lt3A_86 = arith.cmpi slt, %select_n3A_79, %lt3A_85 : i32
    %ne3A_87 = arith.xori %lt3A_84, %lt3A_86 : i1
    %and3A_88 = arith.andi %ne3A_87, %ne3A_82 : i1
    %add3A_89 = arith.addi %rem3A_80, %select_n3A_79 : i32
    %select_n3A_90 = arith.select %and3A_88, %add3A_89, %rem3A_80 : i32
    %eq3A_91 = arith.constant 0 : i32
    %eq3A_92 = arith.cmpi eq, %select_n3A_90, %eq3A_91 : i32
    %convert_element_type3A_93 = arith.extui %eq3A_92 : i1 to i32
    %cond3A_94 = arith.constant 0 : i32
    %cond3A_95 = arith.cmpi ne, %convert_element_type3A_93, %cond3A_94 : i32
    scf.if %cond3A_95 {
      %add3A_105 = arith.addi %add3A_4, %add3A_8 : i32
      %sub3A_106 = arith.constant 2 : i32
      %sub3A_107 = arith.subi %add3A_105, %sub3A_106 : i32
      %mul3A_108 = arith.constant 32 : i32
      %mul3A_109 = arith.muli %sub3A_107, %mul3A_108 : i32
      %dma_wait3A = arith.constant 0 : i32
      %dma_wait3A_110 = tpu.memref_slice %arg4[%mul3A_109, %dma_wait3A] : memref<250000x128xf32, #tpu.memory_space<hbm>> -> memref<32x128xf32, #tpu.memory_space<hbm>>
      %dma_wait3A_111 = arith.constant 0 : i32
      %dma_wait3A_112 = tpu.memref_slice %arg4[%mul3A_109, %dma_wait3A_111] : memref<250000x128xf32, #tpu.memory_space<hbm>> -> memref<32x128xf32, #tpu.memory_space<hbm>>
      tpu.wait_dma2 semaphore(%arg11 : memref<!tpu.dma_semaphore, #tpu.memory_space<semaphore_mem>>) src(%arg7 : memref<32x128xf32, #tpu.memory_space<vmem>>) dst(%dma_wait3A_112 : memref<32x128xf32, #tpu.memory_space<hbm>>)
      %add3A_113 = arith.addi %add3A_4, %add3A_8 : i32
      %sub3A_114 = arith.constant 1 : i32
      %sub3A_115 = arith.subi %add3A_113, %sub3A_114 : i32
      %mul3A_116 = arith.constant 32 : i32
      %mul3A_117 = arith.muli %sub3A_115, %mul3A_116 : i32
      %dma_wait3A_118 = arith.constant 0 : i32
      %dma_wait3A_119 = tpu.memref_slice %arg4[%mul3A_117, %dma_wait3A_118] : memref<250000x128xf32, #tpu.memory_space<hbm>> -> memref<32x128xf32, #tpu.memory_space<hbm>>
      %dma_wait3A_120 = arith.constant 0 : i32
      %dma_wait3A_121 = tpu.memref_slice %arg4[%mul3A_117, %dma_wait3A_120] : memref<250000x128xf32, #tpu.memory_space<hbm>> -> memref<32x128xf32, #tpu.memory_space<hbm>>
      tpu.wait_dma2 semaphore(%arg12 : memref<!tpu.dma_semaphore, #tpu.memory_space<semaphore_mem>>) src(%arg8 : memref<32x128xf32, #tpu.memory_space<vmem>>) dst(%dma_wait3A_121 : memref<32x128xf32, #tpu.memory_space<hbm>>)
    } else {
    }
    %not3A = arith.constant true
    %not3A_96 = arith.xori %eq3A_92, %not3A : i1
    %convert_element_type3A_97 = arith.extui %not3A_96 : i1 to i32
    %cond3A_98 = arith.constant 0 : i32
    %cond3A_99 = arith.cmpi ne, %convert_element_type3A_97, %cond3A_98 : i32
    scf.if %cond3A_99 {
      %gt3A_105 = arith.constant 1 : i32
      %gt3A_106 = arith.cmpi sgt, %add3A_8, %gt3A_105 : i32
      %convert_element_type3A_107 = arith.extui %gt3A_106 : i1 to i32
      %cond3A_108 = arith.constant 0 : i32
      %cond3A_109 = arith.cmpi ne, %convert_element_type3A_107, %cond3A_108 : i32
      scf.if %cond3A_109 {
        %add3A_118 = arith.addi %add3A_4, %add3A_8 : i32
        %sub3A_119 = arith.constant 2 : i32
        %sub3A_120 = arith.subi %add3A_118, %sub3A_119 : i32
        %mul3A_121 = arith.constant 32 : i32
        %mul3A_122 = arith.muli %sub3A_120, %mul3A_121 : i32
        %dma_wait3A_123 = arith.constant 0 : i32
        %dma_wait3A_124 = tpu.memref_slice %arg4[%mul3A_122, %dma_wait3A_123] : memref<250000x128xf32, #tpu.memory_space<hbm>> -> memref<32x128xf32, #tpu.memory_space<hbm>>
        %dma_wait3A_125 = arith.constant 0 : i32
        %dma_wait3A_126 = tpu.memref_slice %arg4[%mul3A_122, %dma_wait3A_125] : memref<250000x128xf32, #tpu.memory_space<hbm>> -> memref<32x128xf32, #tpu.memory_space<hbm>>
        tpu.wait_dma2 semaphore(%arg12 : memref<!tpu.dma_semaphore, #tpu.memory_space<semaphore_mem>>) src(%arg8 : memref<32x128xf32, #tpu.memory_space<vmem>>) dst(%dma_wait3A_126 : memref<32x128xf32, #tpu.memory_space<hbm>>)
      } else {
      }
      %add3A_110 = arith.addi %add3A_4, %add3A_8 : i32
      %sub3A_111 = arith.constant 1 : i32
      %sub3A_112 = arith.subi %add3A_110, %sub3A_111 : i32
      %mul3A_113 = arith.constant 32 : i32
      %mul3A_114 = arith.muli %sub3A_112, %mul3A_113 : i32
      %dma_wait3A = arith.constant 0 : i32
      %dma_wait3A_115 = tpu.memref_slice %arg4[%mul3A_114, %dma_wait3A] : memref<250000x128xf32, #tpu.memory_space<hbm>> -> memref<32x128xf32, #tpu.memory_space<hbm>>
      %dma_wait3A_116 = arith.constant 0 : i32
      %dma_wait3A_117 = tpu.memref_slice %arg4[%mul3A_114, %dma_wait3A_116] : memref<250000x128xf32, #tpu.memory_space<hbm>> -> memref<32x128xf32, #tpu.memory_space<hbm>>
      tpu.wait_dma2 semaphore(%arg11 : memref<!tpu.dma_semaphore, #tpu.memory_space<semaphore_mem>>) src(%arg7 : memref<32x128xf32, #tpu.memory_space<vmem>>) dst(%dma_wait3A_117 : memref<32x128xf32, #tpu.memory_space<hbm>>)
    } else {
    }
    %eq3A_100 = arith.constant 31 : i32
    %eq3A_101 = arith.cmpi eq, %add3A, %eq3A_100 : i32
    %convert_element_type3A_102 = arith.extui %eq3A_101 : i1 to i32
    %cond3A_103 = arith.constant 0 : i32
    %cond3A_104 = arith.cmpi ne, %convert_element_type3A_102, %cond3A_103 : i32
    scf.if %cond3A_104 {
      "tpu.region"() ({
        %run_scoped3A = tpu.sem_alloc : memref<!tpu.dma_semaphore, #tpu.memory_space<semaphore_mem>>
        %dma_start3A = arith.constant 0 : i32
        %dma_start3A_105 = arith.constant 0 : i32
        %dma_start3A_106 = tpu.memref_slice %arg7[%dma_start3A, %dma_start3A_105] : memref<32x128xf32, #tpu.memory_space<vmem>> -> memref<16x128xf32, #tpu.memory_space<vmem>>
        %dma_start3A_107 = arith.constant 0 : i32
        %dma_start3A_108 = arith.constant 0 : i32
        %dma_start3A_109 = tpu.memref_slice %arg7[%dma_start3A_107, %dma_start3A_108] : memref<32x128xf32, #tpu.memory_space<vmem>> -> memref<16x128xf32, #tpu.memory_space<vmem>>
        tpu.enqueue_dma source(%arg3 : memref<16x128xf32, #tpu.memory_space<hbm>>) target(%dma_start3A_109 : memref<16x128xf32, #tpu.memory_space<vmem>>) target_semaphore(%run_scoped3A : memref<!tpu.dma_semaphore, #tpu.memory_space<semaphore_mem>>)
        %dma_wait3A = arith.constant 0 : i32
        %dma_wait3A_110 = arith.constant 0 : i32
        %dma_wait3A_111 = tpu.memref_slice %arg7[%dma_wait3A, %dma_wait3A_110] : memref<32x128xf32, #tpu.memory_space<vmem>> -> memref<16x128xf32, #tpu.memory_space<vmem>>
        %dma_wait3A_112 = arith.constant 0 : i32
        %dma_wait3A_113 = arith.constant 0 : i32
        %dma_wait3A_114 = tpu.memref_slice %arg7[%dma_wait3A_112, %dma_wait3A_113] : memref<32x128xf32, #tpu.memory_space<vmem>> -> memref<16x128xf32, #tpu.memory_space<vmem>>
        tpu.wait_dma2 semaphore(%run_scoped3A : memref<!tpu.dma_semaphore, #tpu.memory_space<semaphore_mem>>) src(%arg3 : memref<16x128xf32, #tpu.memory_space<hbm>>) dst(%dma_wait3A_114 : memref<16x128xf32, #tpu.memory_space<vmem>>)
        tpu.yield
      }) : () -> ()
      "tpu.region"() ({
        %run_scoped3A = tpu.sem_alloc : memref<!tpu.dma_semaphore, #tpu.memory_space<semaphore_mem>>
        %dma_start3A = arith.constant 0 : i32
        %dma_start3A_105 = arith.constant 0 : i32
        %dma_start3A_106 = tpu.memref_slice %arg7[%dma_start3A, %dma_start3A_105] : memref<32x128xf32, #tpu.memory_space<vmem>> -> memref<16x128xf32, #tpu.memory_space<vmem>>
        %dma_start3A_107 = arith.constant 249984 : i32
        %dma_start3A_108 = arith.constant 0 : i32
        %dma_start3A_109 = tpu.memref_slice %arg4[%dma_start3A_107, %dma_start3A_108] : memref<250000x128xf32, #tpu.memory_space<hbm>> -> memref<16x128xf32, #tpu.memory_space<hbm>>
        %dma_start3A_110 = arith.constant 249984 : i32
        %dma_start3A_111 = arith.constant 0 : i32
        %dma_start3A_112 = tpu.memref_slice %arg4[%dma_start3A_110, %dma_start3A_111] : memref<250000x128xf32, #tpu.memory_space<hbm>> -> memref<16x128xf32, #tpu.memory_space<hbm>>
        %dma_start3A_113 = arith.constant 0 : i32
        %dma_start3A_114 = arith.constant 0 : i32
        %dma_start3A_115 = tpu.memref_slice %arg7[%dma_start3A_113, %dma_start3A_114] : memref<32x128xf32, #tpu.memory_space<vmem>> -> memref<16x128xf32, #tpu.memory_space<vmem>>
        tpu.enqueue_dma source(%dma_start3A_115 : memref<16x128xf32, #tpu.memory_space<vmem>>) target(%dma_start3A_112 : memref<16x128xf32, #tpu.memory_space<hbm>>) target_semaphore(%run_scoped3A : memref<!tpu.dma_semaphore, #tpu.memory_space<semaphore_mem>>)
        %dma_wait3A = arith.constant 0 : i32
        %dma_wait3A_116 = arith.constant 0 : i32
        %dma_wait3A_117 = tpu.memref_slice %arg7[%dma_wait3A, %dma_wait3A_116] : memref<32x128xf32, #tpu.memory_space<vmem>> -> memref<16x128xf32, #tpu.memory_space<vmem>>
        %dma_wait3A_118 = arith.constant 249984 : i32
        %dma_wait3A_119 = arith.constant 0 : i32
        %dma_wait3A_120 = tpu.memref_slice %arg4[%dma_wait3A_118, %dma_wait3A_119] : memref<250000x128xf32, #tpu.memory_space<hbm>> -> memref<16x128xf32, #tpu.memory_space<hbm>>
        %dma_wait3A_121 = arith.constant 249984 : i32
        %dma_wait3A_122 = arith.constant 0 : i32
        %dma_wait3A_123 = tpu.memref_slice %arg4[%dma_wait3A_121, %dma_wait3A_122] : memref<250000x128xf32, #tpu.memory_space<hbm>> -> memref<16x128xf32, #tpu.memory_space<hbm>>
        %dma_wait3A_124 = arith.constant 0 : i32
        %dma_wait3A_125 = arith.constant 0 : i32
        %dma_wait3A_126 = tpu.memref_slice %arg7[%dma_wait3A_124, %dma_wait3A_125] : memref<32x128xf32, #tpu.memory_space<vmem>> -> memref<16x128xf32, #tpu.memory_space<vmem>>
        tpu.wait_dma2 semaphore(%run_scoped3A : memref<!tpu.dma_semaphore, #tpu.memory_space<semaphore_mem>>) src(%dma_wait3A_126 : memref<16x128xf32, #tpu.memory_space<vmem>>) dst(%dma_wait3A_123 : memref<16x128xf32, #tpu.memory_space<hbm>>)
        tpu.yield
      }) : () -> ()
    } else {
    }
    return
  }
}

</mosaic_0001>

<sc_bundles>
// kernel: _sc_detile.3.cloned.1.call-start
scs
__scs_entry_jumppad:
0x0: {  	(pc) =	sbr.rel $0x88, $3  }
0x1: {  	(tag) =	ssettag $0x0;
	lr =	simm.s32 $0x1  }
0x2: {  	[smem:$0x3F9F] =	sst lr;
	_ =	strace $0xD0000000  }
0x3: {  	_ = 	snop  }
0x4: {  	_ = 	snop  }
0x5: {  	_ = 	snop  }
0x6: {  	_ = 	snop  }
0x7: {  	_ = 	snop  }
__scs_overlays_trampoline_lowered:
0x8: {  	[smem:$0x3FAE] =	sst s0  }
0x9: {  	[smem:$0x3FAF] =	sst s1  }
0xa: {  	[smem:$0x3FB0] =	sst s2  }
0xb: {  	[smem:$0x3FB1] =	sst s3  }
0xc: {  	[smem:$0x3FB2] =	sst s4  }
0xd: {  	[smem:$0x3FB3] =	sst s5  }
0xe: {  	[smem:$0x3FB4] =	sst s6  }
0xf: {  	[smem:$0x3FB5] =	sst s7  }
0x10: {  	[smem:$0x3FB6] =	sst s8  }
0x11: {  	[smem:$0x3FB7] =	sst s9;
	s0 =	simm.s32 @!p0 $0x0  }
0x12: {  	s1 =	sld [smem:$0x3F9D];
	s0 =	simm.s32 @p0 $0x1  }
0x13: {  	[smem:$0x3FB8] =	sst s0;
	s0 =	simm.s32 @!p1 $0x0  }
0x14: {  	s2 =	sld [smem:$0x3F9C];
	s0 =	simm.s32 @p1 $0x1  }
0x15: {  	[smem:$0x3FB9] =	sst s0;
	s0 =	simm.s32 @!p2 $0x0  }
0x16: {  	s3 =	sld [smem:$0x3FDB];
	s0 =	simm.s32 @p2 $0x1  }
0x17: {  	s4 =	simm.s32 $0x1BF5;
	[smem:$0x3FBB] =	sst s0  }
0x18: {  	s0 =	sld [smem:$0x3F9E];
	_ =	swait.ge [sflag:s4], $0x0  }
0x19: {  	s7 =	sld [smem:$0x3F9F]  }
0x1a: {  	s8 =	sadd.s32 $0xFFFFE003, lr  }
0x1b: {  	s9 =	sadd.s32 $0xFFFFFEF7, lr;
	s5 =	simm.s32 $0xFFFFFFFF;
	p2 =	slt.u32 s8, $0xFFFFF086  }
0x1c: {  	p1 =	slt.u32 s9, $0xF7A;
	s5 =	simm.s32 @!p2 $0x0  }
0x1d: {  	s5 =	simm.s32 @p1 $0x1;
	p0 =	seq.s32 s7, s2  }
0x1e: {  	s7 =	smul.u32 @!p0 $0xF7A, s2;
	p2 =	seq.s32 @!p0 s5, $0x0  }
0x1f: {  	s9 =	smul.u32 $0xF7A, s1;
	s8 =	simm.s32 @!p0 $0x1BF5;
	p2 =	por !p2, p0  }
0x20: {  	[sflag:s8] =	ssyncset.s32 @!p0 $0xFFFFF086;
	s6 =	sadd.s32 @!p0 s3, s7;
	s7 =	simm.s32 @!p0 $0x108  }
0x21: {  	s3 =	sadd.s32 s3, s9;
	s6 =	sadd.s32 @!p0 $0x88, s6;
	s7 =	simm.s32 @p2 $0x1082  }
0x22: {  	[simem:s7], [sflag:s8] =	dma.local @!p0 [hbm:s6], $0xF7A  }
0x23: {  	s9 =	sor.u32 $0xD0000000, s2;
	s6 =	simm.s32 $0x108;
	_ =	swait.ge @!p0 [sflag:s8], $0x0  }
0x24: {  	s3 =	sadd.s32 $0x88, s3;
	s6 =	simm.s32 @!p1 $0x1082;
	[sflag:s4] =	ssyncset.s32 $0xFFFFF086  }
0x25: {  	[simem:s6], [sflag:s4] =	dma.local [hbm:s3], $0xF7A  }
0x26: {  	[smem:$0x3F9F] =	sst s1;
	(tag) =	ssettag s2;
	_ =	strace s9  }
0x27: {  	s1 =	sld [smem:$0x3FAF]  }
0x28: {  	s2 =	sld [smem:$0x3FB0]  }
0x29: {  	s4 =	sld [smem:$0x3FB2]  }
0x2a: {  	p0 =	seq.s32 s5, $0x0;
	s5 =	sld [smem:$0x3FB3]  }
0x2b: {  	s6 =	sld [smem:$0x3FB4]  }
0x2c: {  	s7 =	sld [smem:$0x3FB5]  }
0x2d: {  	s3 =	simm.s32 $0x108;
	s8 =	sld [smem:$0x3FB6]  }
0x2e: {  	s3 =	simm.s32 @!p0 $0x1082;
	s9 =	sld [smem:$0x3FB7]  }
0x2f: {  	lr =	sadd.s32 s0, s3;
	s0 =	sld [smem:$0x3FAE]  }
0x30: {  	s3 =	sld [smem:$0x3FB1]  }
0x31: {  	[smem:$0x3FBA] =	sst s10  }
0x32: {  	s10 =	sld [smem:$0x3FB8];
	_ =	sdelay $0x3  }
0x33: {  	p0 =	seq.s32 s10, $0x1;
	s10 =	sld [smem:$0x3FBA];
	_ =	sdelay $0x3  }
0x34: {  	[smem:$0x3FBA] =	sst s10  }
0x35: {  	s10 =	sld [smem:$0x3FB9];
	_ =	sdelay $0x3  }
0x36: {  	p1 =	seq.s32 s10, $0x1;
	s10 =	sld [smem:$0x3FBA];
	_ =	sdelay $0x3  }
0x37: {  	[smem:$0x3FBA] =	sst s10  }
0x38: {  	s10 =	sld [smem:$0x3FBB]  }
0x39: {  	_ = 	snop;
	(pc) =	sbr.ind lr, $3  }
0x3a: {  	_ = 	snop  }
0x3b: {  	_ = 	snop  }
0x3c: {  	p2 =	seq.s32 s10, $0x1;
	s10 =	sld [smem:$0x3FBA]  }
0x3d: {  	_ =	shalt  }
0x3e: {  	_ =	shalt  }
0x3f: {  	_ =	shalt  }
0x40: {  	_ =	shalt  }
0x41: {  	_ =	shalt  }
0x42: {  	_ =	shalt  }
0x43: {  	_ =	shalt  }
0x44: {  	_ =	shalt  }
0x45: {  	_ =	shalt  }
0x46: {  	_ =	shalt  }
0x47: {  	_ =	shalt  }
0x48: {  	_ =	shalt  }
0x49: {  	_ =	shalt  }
0x4a: {  	_ =	shalt  }
0x4b: {  	_ =	shalt  }
0x4c: {  	_ =	shalt  }
0x4d: {  	_ =	shalt  }
0x4e: {  	_ =	shalt  }
0x4f: {  	_ =	shalt  }
0x50: {  	_ =	shalt  }
0x51: {  	_ =	shalt  }
0x52: {  	_ =	shalt  }
0x53: {  	_ =	shalt  }
0x54: {  	_ =	shalt  }
0x55: {  	_ =	shalt  }
0x56: {  	_ =	shalt  }
0x57: {  	_ =	shalt  }
0x58: {  	_ =	shalt  }
0x59: {  	_ =	shalt  }
0x5a: {  	_ =	shalt  }
0x5b: {  	_ =	shalt  }
0x5c: {  	_ =	shalt  }
0x5d: {  	_ =	shalt  }
0x5e: {  	_ =	shalt  }
0x5f: {  	_ =	shalt  }
0x60: {  	_ =	shalt  }
0x61: {  	_ =	shalt  }
0x62: {  	_ =	shalt  }
0x63: {  	_ =	shalt  }
0x64: {  	_ =	shalt  }
0x65: {  	_ =	shalt  }
0x66: {  	_ =	shalt  }
0x67: {  	_ =	shalt  }
0x68: {  	_ =	shalt  }
0x69: {  	_ =	shalt  }
0x6a: {  	_ =	shalt  }
0x6b: {  	_ =	shalt  }
0x6c: {  	_ =	shalt  }
0x6d: {  	_ =	shalt  }
0x6e: {  	_ =	shalt  }
0x6f: {  	_ =	shalt  }
0x70: {  	_ =	shalt  }
0x71: {  	_ =	shalt  }
0x72: {  	_ =	shalt  }
0x73: {  	_ =	shalt  }
0x74: {  	_ =	shalt  }
0x75: {  	_ =	shalt  }
0x76: {  	_ =	shalt  }
0x77: {  	_ =	shalt  }
0x78: {  	_ =	shalt  }
0x79: {  	_ =	shalt  }
0x7a: {  	_ =	shalt  }
0x7b: {  	_ =	shalt  }
0x7c: {  	_ =	shalt  }
0x7d: {  	_ =	shalt  }
0x7e: {  	_ =	shalt  }
0x7f: {  	_ =	shalt  }
0x80: {  	_ =	shalt  }
0x81: {  	_ =	shalt  }
0x82: {  	_ =	shalt  }
0x83: {  	_ =	shalt  }
0x84: {  	_ =	shalt  }
0x85: {  	_ =	shalt  }
0x86: {  	_ =	shalt  }
0x87: {  	_ =	shalt  }
.Lfunc_end0:
.L_simem_size_0:
called_computation_lowered:
.L_overlay_start_0:
0x88: {  	s2 =	sld [smem:$0x3FD9]  }
0x89: {  	s3 =	sld [smem:$0x3FFE];
	_ =	sdelay $0x1  }
0x8a: {  	s1 =	srdreg.scid  }
0x8b: {  	s0 =	sand.u32 $0x1, s1  }
0x8c: {  	s18 =	sshll.u32 s0, $0xA;
	s2 =	sadd.s32 s3, s2  }
0x8d: {  	s2 =	sadd.s32 s2, s18  }
0x8e: {  	[smem:$0x3FC6] =	sst s2  }
0x8f: {  	_ = 	snop  }
0x90: {  	s2 =	sld [smem:$0x3FC9]  }
0x91: {  	s19 =	sld [smem:$0x3FC8]  }
0x92: {  	s4 =	sld [smem:$0x3FD0];
	(tm) =	ssettm $0x1  }
0x93: {  	s5 =	sld [smem:$0x3FFB];
	_ =	sdelay $0x3  }
0x94: {  	_ =	strace s5  }
0x95: {  	s5 =	sld [smem:$0x3FFC];
	_ =	sdelay $0x3  }
0x96: {  	_ =	strace s5  }
0x97: {  	s5 =	sld [smem:$0x3FFD];
	_ =	sdelay $0x3  }
0x98: {  	_ =	strace s5  }
0x99: {  	_ =	strace $0x8FFFFFFF  }
0x9a: {  	s20 =	sld [smem:$0x3FDB];
	_ =	sdelay $0x1  }
0x9b: {  	s6 =	simm.s32 $_scs_section_size  }
0x9c: {  	s7 =	simm.s32 $_size__tile_overlayer_lowered;
	s8 =	simm.s32 $_tile_overlayer_lowered  }
0x9d: {  	s23 =	simm.s32 $0x1BFF;
	s22 =	sshll.u32 s8, $0x1;
	s5 =	sadd.s32 s6, s20  }
0x9e: {  	s9 =	simm.s32 $0x0;
	s21 =	sshll.u32 s7, $0x1;
	s7 =	sadd.s32 s22, s5  }
0x9f: {  	[timem:s9], [sflag:s23] =	dma.local [hbm:s7], s21  }
0xa0: {  	_ =	swait.ge [sflag:s23], s21  }
0xa1: {  	s6 =	ssub.s32 $0x0, s21;
	[sflag:s23] =	ssyncset.done $0x0  }
0xa2: {  	[sflag:s23] =	ssyncadd.s32 s6;
	_ =	sdelay $0x1  }
0xa3: {  	s24 =	simm.s32 $0x1B8B  }
0xa4: {  	_ =	swait.ge [sflag:s24], $0x1  }
0xa5: {  	[sflag:s24] =	ssyncset.done $0x0  }
0xa6: {  	s25 =	simm.s32 $0x1B8E;
	[sflag:s24] =	ssyncadd.s32 $0xFFFFFFFF  }
0xa7: {  	s26 =	simm.s32 $execute0_lowered;
	[smem:$0x3FD2] =	sst s25  }
0xa8: {  	s6 =	sshll.u32 s26, $0x1;
	_ =	strace $0x80000046;
	[dreg:$0x1] =	wrdreg $0xFFFFFFFF  }
0xa9: {  	s28 =	simm.s32 $_size_execute0_lowered;
	s5 =	sadd.s32 s5, s6;
	[dreg:$0x0] =	wrdreg $0x0  }
0xaa: {  	s6 =	sshll.u32 s28, $0x1;
	[dreg:$0x2] =	wrdreg s5  }
0xab: {  	[dreg:$0x3] =	wrdreg s6  }
0xac: {  	[dreg:$0x4] =	wrdreg $0xC0  }
0xad: {  	_ =	task [dreg:s9], $0x5FFFF  }
0xae: {  	[dreg:$0x1] =	wrdreg $0xFFFFFFFF  }
0xaf: {  	[dreg:$0x0] =	wrdreg $0x60  }
0xb0: {  	[dreg:$0x2] =	wrdreg s2  }
0xb1: {  	[dreg:$0x3] =	wrdreg s19  }
0xb2: {  	[dreg:$0x4] =	wrdreg s4  }
0xb3: {  	[dreg:$0x5] =	wrdreg $0x9  }
0xb4: {  	_ =	task.clear_ibuf [dreg:s9], $0x6FFFF;
	_ =	strace $0x90000046  }
0xb5: {  	s29 =	simm.s32 $0x9;
	_ =	strace $0x80000048  }
0xb6: {  	_ =	swait.ge [sflag:s29], $0x1  }
0xb7: {  	[sflag:s29] =	ssyncadd.s32 $0xFFFFFFFF  }
0xb8: {  	_ =	strace $0x90000048  }
0xb9: {  	_ =	sfence  }
0xba: {  	s30 =	sld [smem:$0x0];
	_ =	sdelay $0x2  }
0xbb: {  	s31 =	sshll.u32 s1, $0xD;
	s1 =	sshrl.u32 s1, $0x2  }
0xbc: {  	s3 =	sand.u32 $0x4000, s31;
	s1 =	sadd.s32 s1, s30  }
0xbd: {  	s0 =	sor.u32 s3, s0;
	s1 =	sshll.u32 s1, $0x11  }
0xbe: {  	s0 =	sor.u32 s1, s0  }
0xbf: {  	s0 =	sadd.s32 $0x8F2B, s0  }
0xc0: {  	[sflag:s0] =	ssyncadd.remote.s32 $0x1  }
0xc1: {  	_ =	sfence.sel $0xFFFF  }
0xc2: {  	[dreg:$0x0] =	wrdreg $0xFFFFFFFF;
	(pc) =	sbr.abs _section_cstart, $3  }
0xc3: {  	[dreg:$0x1] =	wrdreg $0xFFFFFFFF  }
0xc4: {  	_ =	task.clear_ibuf [dreg:s9], $0x2FFFF;
	_ =	strace $0x9FFFFFFF  }
0xc5: {  	(tm) =	ssettm $0x7FFFFFFF  }
tec
execute0_lowered:
.L_overlay_start_1:
0x0: {  	(tag) =	ssettag $0x1  }
0x1: {  	s1 =	rddreg [dreg:$0x0];
	s0 =	srdreg.scid  }
0x2: {  	s7 =	stileid.u32;
	s4 =	rddreg [dreg:$0x2]  }
0x3: {  	s5 =	simm.s32 $0x0;
	s0 =	sand.u32 $0x1, s0;
	s2 =	sshll.u32 s7, $0x1  }
0x4: {  	s28 =	simm.s32 $0x1000;
	[smem:$0x7FF] =	sst s5;
	s2 =	sor.u32 s0, s2  }
0x5: {  	p0 =	slt.u32 s7, $0x2;
	s17 =	sadd.s32 $0x200, s4;
	s3 =	smul.u32 $0xF4, s2  }
0x6: {  	s19 =	sadd.s32 $0x3D0800, s4;
	s0 =	ssub.s32 $0x2, s0;
	s6 =	smin.u32 s2, $0x4  }
0x7: {  	_ =	strace $0x80000047;
	s8 =	sshrl.u32 s0, $0x1;
	s6 =	sadd.s32 s6, s3  }
0x8: {  	p2 =	sne.s32 s2, $0x1F;
	s2 =	simm.s32 $0x1;
	s21 =	sshll.u32 s6, $0x7  }
0x9: {  	s0 =	ssub.s32 s0, s8;
	s3 =	simm.s32 $0xF5;
	s7 =	sadd.s32 s1, s21  }
0xa: {  	s20 =	smax.u32 s0, $0x1;
	s0 =	simm.s32 $0x3;
	s22 =	sadd.s32 $0x1E8500, s7  }
0xb: {  	s3 =	simm.s32 @!p0 $0xF4;
	s23 =	sadd.s32 $0xF4280, s7;
	[dreg:$0x4] =	wrdreg s22  }
0xc: {  	s31 =	sshll.u32 s6, $0x9;
	s24 =	sadd.s32 $0x2DC780, s7;
	[dreg:$0x5] =	wrdreg s23  }
0xd: {  	s9 =	sand.u32 $0x1, s3;
	s25 =	sadd.s32 $0xF4300, s7;
	[dreg:$0x6] =	wrdreg s24  }
0xe: {  	s15 =	sadd.s32 $0xFFFFFFFE, s3;
	s26 =	sadd.s32 $0x80, s7;
	[dreg:$0x7] =	wrdreg s25  }
0xf: {  	s16 =	sadd.s32 $0xFFFFFFFD, s3;
	s29 =	sadd.s32 $0x1E8580, s7;
	[dreg:$0x8] =	wrdreg s26  }
0x10: {  	s3 =	sadd.s32 s31, s4;
	s30 =	sadd.s32 $0x2DC800, s7;
	[dreg:$0x9] =	wrdreg s29  }
.Ltmp0:
0x11: {  	s3 =	sadd.s32 $0x1E800, s3;
	[dreg:$0xa] =	wrdreg s30;
	(pc) =	sbr.rel .LBB2_1-.Ltmp0, $4  }
0x12: {  	v0 =	vlaneseq.u32;
	p0 =	seq.s32 s9, $0x0;
	p1 =	seq.s32 s9, $0x1;
	[dreg:$0xb] =	wrdreg s3  }
0x13: {  	v0 =	vmul.u32 $0x80, v0;
	s3 =	simm.s32 $0x4;
	s0 =	simm.s32 @!p0 $0x4;
	s24 =	simm.s32 $0x3000  }
0x14: {  	s25 =	simm.s32 $0x0;
	[dreg:$0xc] =	wrdreg s0;
	s3 =	simm.s32 @!p0 $0x3  }
0x15: {  	v1 =	vor.u32 $0x800, v0;
	s0 =	simm.s32 $0x2000;
	[dreg:$0xd] =	wrdreg s3;
	s3 =	simm.s32 $0x2  }
.LBB2_12:
0x16: {  	_ =	swait.ge [sflag:s9], $0x1000  }
0x17: {  	[sflag:s9] =	ssyncset.done $0x0  }
0x18: {  	[sflag:s9] =	ssyncadd.s32 $0xFFFFF000  }
0x19: {  	_ =	swait.ge [sflag:s8], $0x1000  }
0x1a: {  	[sflag:s8] =	ssyncset.done $0x0  }
0x1b: {  	[sflag:s8] =	ssyncadd.s32 $0xFFFFF000  }
.LBB2_13:
0x1c: {  	s8 =	simm.s32 @!p2 $0x0;
	s9 =	simm.s32 @!p2 $0x2000;
	s10 =	rddreg [dreg:$0x1]  }
0x1d: {  	[tilespmem:s9], [sflag:$0x5] =	stream.linear.gather @!p2 [hbm4b:s10+s8], $0x800, $0x38;
	[tilespmem:$0x4000] =	vst v63  }
0x1e: {  	s10 =	simm.s32 @!p2 $0x5  }
0x1f: {  	s25 =	sadd.s32 $0x1, s25;
	_ =	swait.ge @!p2 [sflag:s10], $0x800  }
0x20: {  	p3 =	sne.s32 s25, s20;
	[sflag:s10] =	ssyncset.done @!p2 $0x0  }
.Ltmp1:
0x21: {  	[sflag:s10] =	ssyncadd.s32 @!p2 $0xFFFFF800;
	(pc) =	sbr.rel @!p3 .LBB2_14-.Ltmp1, $4  }
0x22: {  	[hbm4b:s19+s8] =	stream.linear.scatter @!p2 [tilespmem:s9], [sflag:$0x5], $0x800, $0x38;
	[tilespmem:$0x4000] =	vst v63  }
0x23: {  	_ =	swait.ge @!p2 [sflag:s10], $0x800  }
0x24: {  	[sflag:s10] =	ssyncset.done @!p2 $0x0  }
0x25: {  	[sflag:s10] =	ssyncadd.s32 @!p2 $0xFFFFF800  }
.LBB2_1:
0x26: {  	[tilespmem:s5], [sflag:$0x1] =	stream.linear.gather [hbm4b:s7+s5], $0x400, $0x38;
	[tilespmem:$0x4000] =	vst v63  }
0x27: {  	s8 =	rddreg [dreg:$0x5];
	s9 =	simm.s32 $0x400  }
0x28: {  	[tilespmem:s9], [sflag:$0x1] =	stream.linear.gather [hbm4b:s8+s5], $0x400, $0x38;
	[tilespmem:$0x4000] =	vst v63  }
0x29: {  	s12 =	rddreg [dreg:$0x4];
	s13 =	simm.s32 $0x800  }
0x2a: {  	[tilespmem:s13], [sflag:$0x1] =	stream.linear.gather [hbm4b:s12+s5], $0x400, $0x38;
	[tilespmem:$0x4000] =	vst v63  }
0x2b: {  	s14 =	rddreg [dreg:$0x6];
	s18 =	simm.s32 $0xC00  }
0x2c: {  	[tilespmem:s18], [sflag:$0x1] =	stream.linear.gather [hbm4b:s14+s5], $0x400, $0x38;
	[tilespmem:$0x4000] =	vst v63  }
0x2d: {  	s21 =	rddreg [dreg:$0x8]  }
0x2e: {  	[tilespmem:s28], [sflag:$0x2] =	stream.linear.gather [hbm4b:s21+s5], $0x400, $0x38;
	[tilespmem:$0x4000] =	vst v63  }
0x2f: {  	s22 =	rddreg [dreg:$0x7];
	s23 =	simm.s32 $0x1400  }
0x30: {  	[tilespmem:s23], [sflag:$0x2] =	stream.linear.gather [hbm4b:s22+s5], $0x400, $0x38;
	[tilespmem:$0x4000] =	vst v63  }
0x31: {  	s26 =	rddreg [dreg:$0x9];
	s29 =	simm.s32 $0x1800  }
0x32: {  	[tilespmem:s29], [sflag:$0x2] =	stream.linear.gather [hbm4b:s26+s5], $0x400, $0x38;
	[tilespmem:$0x4000] =	vst v63  }
0x33: {  	s30 =	rddreg [dreg:$0xa];
	s31 =	simm.s32 $0x1C00;
	s26 =	simm.s32 $0x0  }
0x34: {  	[tilespmem:s31], [sflag:$0x2] =	stream.linear.gather [hbm4b:s30+s5], $0x400, $0x38;
	[tilespmem:$0x4000] =	vst v63  }
.LBB2_2:
0x35: {  	_ =	swait.ge [sflag:s2], $0x400  }
0x36: {  	[sflag:s2] =	ssyncset.done $0x0  }
0x37: {  	[sflag:s2] =	ssyncadd.s32 $0xFFFFFC00  }
0x38: {  	_ =	swait.ge [sflag:s2], $0x400  }
0x39: {  	[sflag:s2] =	ssyncset.done $0x0  }
0x3a: {  	s8 =	simm.s32 $0x0;
	[sflag:s2] =	ssyncadd.s32 $0xFFFFFC00  }
0x3b: {  	v2 =	vmov s8;
	_ =	swait.ge [sflag:s2], $0x400  }
0x3c: {  	v2 =	vand.u32 $0x78, v2;
	[sflag:s2] =	ssyncset.done $0x0  }
0x3d: {  	s13 =	simm.s32 $0x4;
	v2 =	vbroadcast v2, $0x0;
	[sflag:s2] =	ssyncadd.s32 $0xFFFFFC00  }
0x3e: {  	v4 =	vmov s13;
	_ =	swait.ge [sflag:s2], $0x400  }
0x3f: {  	p3 =	seq.s32 s26, $0x0;
	v4 =	vand.u32 $0x7C, v4;
	v3 =	vor.u32 v0, v2;
	[sflag:s2] =	ssyncset.done $0x0  }
0x40: {  	s8 =	simm.s32 @!p3 $0x3;
	v4 =	vbroadcast v4, $0x0;
	[sflag:s2] =	ssyncadd.s32 $0xFFFFFC00  }
0x41: {  	s14 =	simm.s32 $0x8;
	_ =	swait.ge @!p3 [sflag:s8], $0x1000  }
0x42: {  	v6 =	vmov s14;
	v5 =	vor.u32 v0, v4;
	[sflag:s8] =	ssyncset.done @!p3 $0x0  }
0x43: {  	v6 =	vand.u32 $0x78, v6;
	[sflag:s8] =	ssyncadd.s32 @!p3 $0xFFFFF000  }
0x44: {  	v6 =	vbroadcast v6, $0x0;
	v3 =	vld.idx.msk [tilespmem:v3+s5+$0x0], $0xffff  }
0x45: {  	v2 =	vor.u32 v1, v2  }
0x46: {  	s18 =	simm.s32 $0x1;
	v8 =	vor.u32 v0, v6  }
0x47: {  	v7 =	vmov s18;
	v5 =	vld.idx.msk [tilespmem:v5+s5+$0x0], $0xffff  }
0x48: {  	s22 =	simm.s32 $0x2080;
	v7 =	vand.u32 $0x79, v7;
	v4 =	vor.u32 v1, v4  }
0x49: {  	[tilespmem:s22+$0xFFFFFF80] =	vst v3;
	v3 =	vbroadcast v7, $0x0  }
0x4a: {  	s21 =	simm.s32 $0x5;
	v2 =	vld.idx.msk [tilespmem:v2+s5+$0x0], $0xffff  }
0x4b: {  	s23 =	simm.s32 $0xC;
	v9 =	vmov s21;
	v8 =	vld.idx.msk [tilespmem:v8+s5+$0x0], $0xffff;
	v7 =	vor.u32 v0, v3  }
0x4c: {  	v10 =	vmov s23;
	v9 =	vand.u32 $0x7D, v9;
	v6 =	vor.u32 v1, v6;
	[tilespmem:s22+$0x0] =	vst v5  }
0x4d: {  	s9 =	simm.s32 $0x9;
	v5 =	vbroadcast v9, $0x0;
	v9 =	vand.u32 $0x7C, v10;
	v4 =	vld.idx.msk [tilespmem:v4+s5+$0x0], $0xffff  }
0x4e: {  	s23 =	simm.s32 $0x10;
	v11 =	vmov s9;
	v9 =	vbroadcast v9, $0x0  }
0x4f: {  	s31 =	simm.s32 $0x2180;
	v11 =	vand.u32 $0x79, v11;
	v10 =	vor.u32 v0, v5;
	[tilespmem:s22+$0xFFFFFF90] =	vst v2;
	v2 =	vmov s23  }
0x50: {  	s10 =	simm.s32 $0x2;
	[tilespmem:s31+$0xFFFFFF80] =	vst v8;
	v8 =	vbroadcast v11, $0x0;
	v12 =	vor.u32 v0, v9;
	v7 =	vld.idx.msk [tilespmem:v7+s5+$0x0], $0xffff;
	v2 =	vand.u32 $0x78, v2  }
0x51: {  	v13 =	vmov s10;
	v6 =	vld.idx.msk [tilespmem:v6+s5+$0x0], $0xffff;
	v3 =	vor.u32 v1, v3;
	v2 =	vbroadcast v2, $0x0  }
0x52: {  	[tilespmem:s22+$0x10] =	vst v4;
	v4 =	vand.u32 $0x7A, v13;
	v13 =	vor.u32 v0, v8  }
0x53: {  	v11 =	vor.u32 v0, v2  }
0x54: {  	v10 =	vld.idx.msk [tilespmem:v10+s5+$0x0], $0xffff  }
0x55: {  	v5 =	vor.u32 v1, v5;
	v4 =	vbroadcast v4, $0x0;
	[tilespmem:s22+$0xFFFFFFA0] =	vst v7;
	v7 =	vld.idx.msk [tilespmem:v12+s5+$0x0], $0xffff  }
0x56: {  	s11 =	simm.s32 $0x6;
	v9 =	vor.u32 v1, v9;
	[tilespmem:s31+$0xFFFFFF90] =	vst v6;
	v3 =	vld.idx.msk [tilespmem:v3+s5+$0x0], $0xffff  }
0x57: {  	s12 =	simm.s32 $0xD;
	v14 =	vmov s11;
	v13 =	vld.idx.msk [tilespmem:v13+s5+$0x0], $0xffff;
	v12 =	vor.u32 v0, v4  }
0x58: {  	v8 =	vor.u32 v1, v8;
	v6 =	vld.idx.msk [tilespmem:v11+s5+$0x0], $0xffff;
	v11 =	vand.u32 $0x7E, v14;
	v14 =	vmov s12  }
0x59: {  	s13 =	simm.s32 $0x14;
	s21 =	simm.s32 $0x18;
	v2 =	vor.u32 v1, v2;
	[tilespmem:s22+$0x20] =	vst v10;
	v10 =	vbroadcast v11, $0x0;
	v11 =	vand.u32 $0x7D, v14  }
0x5a: {  	v5 =	vld.idx.msk [tilespmem:v5+s5+$0x0], $0xffff;
	v14 =	vmov s13;
	[tilespmem:s31+$0x0] =	vst v7;
	v7 =	vmov s21;
	v11 =	vbroadcast v11, $0x0  }
0x5b: {  	s14 =	simm.s32 $0x11;
	[tilespmem:s22+$0xFFFFFFB0] =	vst v3;
	v3 =	vand.u32 $0x78, v7;
	v7 =	vand.u32 $0x7C, v14;
	v9 =	vld.idx.msk [tilespmem:v9+s5+$0x0], $0xffff;
	v14 =	vor.u32 v0, v10  }
0x5c: {  	s18 =	simm.s32 $0x2280;
	v16 =	vmov s14;
	[tilespmem:s31+$0xFFFFFFA0] =	vst v13;
	v12 =	vld.idx.msk [tilespmem:v12+s5+$0x0], $0xffff;
	v7 =	vbroadcast v7, $0x0;
	v15 =	vor.u32 v0, v11  }
0x5d: {  	v4 =	vor.u32 v1, v4;
	v3 =	vbroadcast v3, $0x0;
	[tilespmem:s18+$0xFFFFFF80] =	vst v6;
	v6 =	vand.u32 $0x79, v16  }
0x5e: {  	s9 =	simm.s32 $0xA;
	v8 =	vld.idx.msk [tilespmem:v8+s5+$0x0], $0xffff;
	v13 =	vor.u32 v0, v7;
	v6 =	vbroadcast v6, $0x0  }
0x5f: {  	[tilespmem:s22+$0x30] =	vst v5;
	v16 =	vmov s9;
	v2 =	vld.idx.msk [tilespmem:v2+s5+$0x0], $0xffff;
	v5 =	vor.u32 v0, v3  }
0x60: {  	v16 =	vand.u32 $0x7A, v16;
	v14 =	vld.idx.msk [tilespmem:v14+s5+$0x0], $0xffff;
	[tilespmem:s31+$0x10] =	vst v9;
	v9 =	vor.u32 v0, v6  }
0x61: {  	s10 =	simm.s32 $0x3;
	v10 =	vor.u32 v1, v10;
	[tilespmem:s22+$0xFFFFFFC0] =	vst v12;
	v12 =	vbroadcast v16, $0x0;
	v15 =	vld.idx.msk [tilespmem:v15+s5+$0x0], $0xffff  }
0x62: {  	v11 =	vor.u32 v1, v11;
	v16 =	vmov s10;
	v4 =	vld.idx.msk [tilespmem:v4+s5+$0x0], $0xffff  }
0x63: {  	s11 =	simm.s32 $0xE;
	v16 =	vand.u32 $0x7B, v16;
	v13 =	vld.idx.msk [tilespmem:v13+s5+$0x0], $0xffff;
	v17 =	vor.u32 v0, v12  }
0x64: {  	s8 =	simm.s32 $0x20;
	[tilespmem:s18+$0xFFFFFF90] =	vst v2;
	v2 =	vld.idx.msk [tilespmem:v5+s5+$0x0], $0xffff;
	v5 =	vor.u32 v1, v7;
	v7 =	vmov s11;
	v16 =	vbroadcast v16, $0x0  }
0x65: {  	v19 =	vmov s8;
	s12 =	simm.s32 $0x15;
	v3 =	vor.u32 v1, v3;
	v7 =	vand.u32 $0x7E, v7;
	[tilespmem:s22+$0x40] =	vst v14;
	v9 =	vld.idx.msk [tilespmem:v9+s5+$0x0], $0xffff  }
0x66: {  	s13 =	simm.s32 $0x1C;
	v14 =	vmov s12;
	v7 =	vbroadcast v7, $0x0;
	[tilespmem:s31+$0x20] =	vst v15;
	v15 =	vor.u32 v0, v16;
	v10 =	vld.idx.msk [tilespmem:v10+s5+$0x0], $0xffff  }
0x67: {  	[tilespmem:s31+$0xFFFFFFB0] =	vst v8;
	v6 =	vor.u32 v1, v6;
	v8 =	vand.u32 $0x7D, v14;
	v14 =	vmov s13;
	v11 =	vld.idx.msk [tilespmem:v11+s5+$0x0], $0xffff  }
0x68: {  	s9 =	simm.s32 $0x7;
	s10 =	simm.s32 $0x2380;
	v8 =	vbroadcast v8, $0x0;
	v14 =	vand.u32 $0x7C, v14;
	[tilespmem:s18+$0x0] =	vst v13;
	v13 =	vld.idx.msk [tilespmem:v17+s5+$0x0], $0xffff;
	v17 =	vor.u32 v0, v7  }
0x69: {  	v18 =	vmov s9;
	v12 =	vor.u32 v1, v12;
	[tilespmem:s10+$0xFFFFFF80] =	vst v2;
	v14 =	vbroadcast v14, $0x0;
	v2 =	vld.idx.msk [tilespmem:v5+s5+$0x0], $0xffff  }
0x6a: {  	s14 =	simm.s32 $0x19;
	[tilespmem:s22+$0xFFFFFFD0] =	vst v4;
	v4 =	vand.u32 $0x7F, v18;
	v5 =	vand.u32 $0x78, v19;
	v3 =	vld.idx.msk [tilespmem:v3+s5+$0x0], $0xffff;
	v18 =	vor.u32 v0, v8  }
0x6b: {  	v19 =	vbroadcast v5, $0x0;
	[tilespmem:s18+$0xFFFFFFA0] =	vst v9;
	v9 =	vmov s14;
	v5 =	vld.idx.msk [tilespmem:v15+s5+$0x0], $0xffff;
	v15 =	vor.u32 v0, v14  }
0x6c: {  	s11 =	simm.s32 $0x12;
	v4 =	vbroadcast v4, $0x0;
	v6 =	vld.idx.msk [tilespmem:v6+s5+$0x0], $0xffff;
	v9 =	vand.u32 $0x79, v9;
	[tilespmem:s31+$0x30] =	vst v11;
	v11 =	vor.u32 v1, v16  }
0x6d: {  	v16 =	vor.u32 v0, v19;
	v20 =	vbroadcast v9, $0x0;
	v9 =	vmov s11;
	[tilespmem:s31+$0xFFFFFFC0] =	vst v13;
	v13 =	vld.idx.msk [tilespmem:v17+s5+$0x0], $0xffff  }
0x6e: {  	v17 =	vor.u32 v0, v4;
	v9 =	vand.u32 $0x7A, v9;
	[tilespmem:s18+$0x10] =	vst v2;
	v21 =	vld.idx.msk [tilespmem:v12+s5+$0x0], $0xffff  }
0x6f: {  	[tilespmem:s22+$0x50] =	vst v10;
	v22 =	vor.u32 v0, v20;
	v2 =	vbroadcast v9, $0x0;
	v18 =	vld.idx.msk [tilespmem:v18+s5+$0x0], $0xffff  }
0x70: {  	s12 =	simm.s32 $0xB;
	v25 =	vor.u32 v1, v7;
	v24 =	vor.u32 v1, v8;
	v23 =	vld.idx.msk [tilespmem:v15+s5+$0x0], $0xffff;
	[tilespmem:s22+$0xFFFFFFE0] =	vst v5  }
0x71: {  	v8 =	vor.u32 v1, v14;
	[tilespmem:s10+$0xFFFFFF90] =	vst v3;
	v3 =	vmov s12;
	v7 =	vor.u32 v0, v2;
	v10 =	vld.idx.msk [tilespmem:v11+s5+$0x0], $0xffff  }
0x72: {  	s13 =	simm.s32 $0x16;
	s11 =	simm.s32 $0xF;
	v3 =	vand.u32 $0x7B, v3;
	v5 =	vor.u32 v1, v4;
	[tilespmem:s18+$0xFFFFFFB0] =	vst v6;
	v2 =	vor.u32 v1, v2;
	v9 =	vld.idx.msk [tilespmem:v16+s5+$0x0], $0xffff  }
0x73: {  	v4 =	vmov s13;
	v6 =	vbroadcast v3, $0x0;
	v3 =	vmov s11;
	[tilespmem:s31+$0x40] =	vst v13;
	v12 =	vld.idx.msk [tilespmem:v17+s5+$0x0], $0xffff  }
0x74: {  	s29 =	sshll.u32 s26, $0x1;
	s14 =	simm.s32 $0x1D;
	v4 =	vand.u32 $0x7E, v4;
	v16 =	vor.u32 v1, v20;
	v13 =	vor.u32 v1, v19;
	v11 =	vld.idx.msk [tilespmem:v22+s5+$0x0], $0xffff;
	[tilespmem:s31+$0xFFFFFFD0] =	vst v21  }
0x75: {  	s30 =	sadd.s32 s6, s29;
	s9 =	simm.s32 $0x2380;
	v19 =	vand.u32 $0x7F, v3;
	v17 =	vmov s14;
	v15 =	vor.u32 v0, v6;
	v14 =	vld.idx.msk [tilespmem:v25+s5+$0x0], $0xffff;
	[tilespmem:s18+$0x20] =	vst v18  }
0x76: {  	s12 =	simm.s32 $0x28;
	s11 =	simm.s32 $0x8;
	s13 =	simm.s32 $0x24;
	v3 =	vbroadcast v4, $0x0;
	v4 =	vbroadcast v19, $0x0;
	v18 =	vand.u32 $0x7D, v17;
	[tilespmem:s10+$0x0] =	vst v23;
	v17 =	vld.idx.msk [tilespmem:v24+s5+$0x0], $0xffff  }
.LBB2_3:
0x77: {  	v19 =	vmov s12;
	s11 =	sadd.s32 $0x2, s11;
	v20 =	vmov s13;
	v18 =	vbroadcast v18, $0x0;
	s10 =	sadd.s32 $0x100, s10;
	v7 =	vld.idx.msk [tilespmem:v7+s5+$0x0], $0xffff;
	[tilespmem:s22+$0xFFFFFFF0] =	vst v10  }
0x78: {  	v10 =	vand.u32 $0x78, v19;
	p4 =	slt.u32 s11, $0x1E;
	[tilespmem:s10+$0xFFFFFF80] =	vst v9;
	v9 =	vand.u32 $0x7C, v20;
	v8 =	vld.idx.msk [tilespmem:v8+s5+$0x0], $0xffff;
	v19 =	vor.u32 v0, v3  }
0x79: {  	v20 =	vbroadcast v10, $0x0;
	v10 =	vld.idx.msk [tilespmem:v13+s5+$0x0], $0xffff;
	v13 =	vbroadcast v9, $0x0;
	v9 =	vor.u32 v0, v18;
	[tilespmem:s22+$0x60] =	vst v12  }
0x7a: {  	s13 =	sadd.s32 $0x1, s8;
	[tilespmem:s9+$0xFFFFFFA0] =	vst v11;
	v11 =	vld.idx.msk [tilespmem:v15+s5+$0x0], $0xffff  }
0x7b: {  	v12 =	vmov s13;
	v15 =	vor.u32 v0, v13;
	v16 =	vld.idx.msk [tilespmem:v16+s5+$0x0], $0xffff;
	[tilespmem:s31+$0x50] =	vst v14  }
0x7c: {  	v6 =	vor.u32 v1, v6;
	s13 =	sadd.s32 $0x2, s21;
	v12 =	vand.u32 $0x79, v12;
	v14 =	vor.u32 v0, v4;
	[tilespmem:s18+$0x30] =	vst v17;
	v17 =	vld.idx.msk [tilespmem:v5+s5+$0x0], $0xffff  }
0x7d: {  	v21 =	vor.u32 v0, v20;
	v22 =	vbroadcast v12, $0x0;
	v5 =	vmov s13;
	[tilespmem:s18+$0xFFFFFFC0] =	vst v7;
	v12 =	vld.idx.msk [tilespmem:v19+s5+$0x0], $0xffff  }
0x7e: {  	v5 =	vand.u32 $0x7A, v5;
	[tilespmem:s9+$0x10] =	vst v8;
	v19 =	vld.idx.msk [tilespmem:v2+s5+$0x0], $0xffff  }
0x7f: {  	v23 =	vor.u32 v0, v22;
	v2 =	vbroadcast v5, $0x0;
	[tilespmem:s10+$0xFFFFFF90] =	vst v10;
	v24 =	vld.idx.msk [tilespmem:v9+s5+$0x0], $0xffff  }
0x80: {  	v26 =	vor.u32 v1, v18;
	v18 =	vor.u32 v1, v3;
	s13 =	sadd.s32 $0x3, s23;
	v25 =	vld.idx.msk [tilespmem:v15+s5+$0x0], $0xffff;
	[tilespmem:s31+$0xFFFFFFE0] =	vst v11  }
0x81: {  	v3 =	vmov s13;
	v5 =	vor.u32 v1, v4;
	v7 =	vor.u32 v0, v2;
	[tilespmem:s9+$0xFFFFFFB0] =	vst v16;
	v10 =	vld.idx.msk [tilespmem:v6+s5+$0x0], $0xffff  }
.Ltmp2:
0x82: {  	s14 =	sadd.s32 $0x7, s23;
	s13 =	sadd.s32 $0x6, s21;
	v8 =	vor.u32 v1, v13;
	v3 =	vand.u32 $0x7B, v3;
	v2 =	vor.u32 v1, v2;
	v9 =	vld.idx.msk [tilespmem:v21+s5+$0x0], $0xffff;
	[tilespmem:s22+$0x70] =	vst v17;
	(pc) =	sbr.rel @p4 .LBB2_3-.Ltmp2, $4  }
0x83: {  	v4 =	vmov s13;
	v6 =	vbroadcast v3, $0x0;
	v3 =	vmov s14;
	s22 =	smov.u32 s31;
	s31 =	smov.u32 s18;
	[tilespmem:s18+$0x40] =	vst v12;
	v12 =	vld.idx.msk [tilespmem:v14+s5+$0x0], $0xffff;
	s18 =	smov.u32 s9  }
0x84: {  	s23 =	smov.u32 s21;
	v13 =	vor.u32 v1, v20;
	s13 =	sadd.s32 $0x5, s8;
	v4 =	vand.u32 $0x7E, v4;
	s9 =	smov.u32 s10;
	v11 =	vld.idx.msk [tilespmem:v23+s5+$0x0], $0xffff;
	[tilespmem:s31+$0xFFFFFFD0] =	vst v19;
	v19 =	vand.u32 $0x7F, v3  }
0x85: {  	s21 =	smov.u32 s8;
	s8 =	smov.u32 s12;
	v17 =	vmov s13;
	v15 =	vor.u32 v0, v6;
	v3 =	vbroadcast v4, $0x0;
	[tilespmem:s18+$0x20] =	vst v24;
	v14 =	vld.idx.msk [tilespmem:v18+s5+$0x0], $0xffff  }
0x86: {  	s12 =	sadd.s32 $0x8, s12;
	v16 =	vor.u32 v1, v22;
	s13 =	sadd.s32 $0x4, s8;
	v18 =	vand.u32 $0x7D, v17;
	v4 =	vbroadcast v19, $0x0;
	[tilespmem:s10+$0x0] =	vst v25;
	v17 =	vld.idx.msk [tilespmem:v26+s5+$0x0], $0xffff  }
0x87: {  	v19 =	vmov s13  }
0x88: {  	v19 =	vand.u32 $0x7C, v19  }
0x89: {  	v19 =	vbroadcast v19, $0x0;
	_ =	sdelay $0x1  }
0x8a: {  	v20 =	vor.u32 v0, v19;
	_ =	sdelay $0x4  }
0x8b: {  	v20 =	vld.idx.msk [tilespmem:v20+s5+$0x0], $0xffff  }
0x8c: {  	s11 =	sadd.s32 $0x1, s8;
	s10 =	sadd.s32 $0x100, s10;
	[tilespmem:s22+$0xFFFFFFF0] =	vst v10;
	v19 =	vor.u32 v1, v19  }
0x8d: {  	s12 =	sadd.s32 $0x5, s8;
	v10 =	vmov s11;
	[tilespmem:s10+$0xFFFFFF80] =	vst v9  }
0x8e: {  	v18 =	vbroadcast v18, $0x0;
	v8 =	vld.idx.msk [tilespmem:v8+s5+$0x0], $0xffff;
	[tilespmem:s22+$0x60] =	vst v12;
	v9 =	vand.u32 $0x79, v10;
	v10 =	vmov s12  }
0x8f: {  	v7 =	vld.idx.msk [tilespmem:v7+s5+$0x0], $0xffff;
	[tilespmem:s9+$0xFFFFFFA0] =	vst v11;
	v9 =	vbroadcast v9, $0x0;
	v10 =	vand.u32 $0x7D, v10  }
0x90: {  	v12 =	vld.idx.msk [tilespmem:v13+s5+$0x0], $0xffff;
	v13 =	vor.u32 v0, v18;
	v10 =	vbroadcast v10, $0x0;
	[tilespmem:s10+$0x0] =	vst v20  }
0x91: {  	[tilespmem:s31+$0x50] =	vst v14;
	v11 =	vor.u32 v0, v9;
	v19 =	vld.idx.msk [tilespmem:v19+s5+$0x0], $0xffff  }
0x92: {  	v15 =	vld.idx.msk [tilespmem:v15+s5+$0x0], $0xffff;
	[tilespmem:s18+$0x30] =	vst v17;
	v14 =	vor.u32 v0, v10  }
0x93: {  	v5 =	vld.idx.msk [tilespmem:v5+s5+$0x0], $0xffff;
	[tilespmem:s9+$0x10] =	vst v8  }
0x94: {  	v16 =	vld.idx.msk [tilespmem:v16+s5+$0x0], $0xffff;
	v17 =	vor.u32 v0, v3;
	[tilespmem:s18+$0xFFFFFFC0] =	vst v7  }
0x95: {  	v6 =	vor.u32 v1, v6;
	[tilespmem:s10+$0xFFFFFF90] =	vst v12;
	v8 =	vld.idx.msk [tilespmem:v13+s5+$0x0], $0xffff  }
0x96: {  	s13 =	sadd.s32 $0x2, s21;
	s14 =	sadd.s32 $0x6, s21;
	v3 =	vor.u32 v1, v3;
	v12 =	vor.u32 v1, v18;
	v11 =	vld.idx.msk [tilespmem:v11+s5+$0x0], $0xffff;
	[tilespmem:s10+$0x10] =	vst v19  }
0x97: {  	v7 =	vor.u32 v1, v9;
	[tilespmem:s31+$0xFFFFFFE0] =	vst v15;
	v15 =	vmov s14;
	v18 =	vmov s13;
	v9 =	vld.idx.msk [tilespmem:v14+s5+$0x0], $0xffff  }
0x98: {  	s12 =	sadd.s32 $0x2, s8;
	v10 =	vor.u32 v1, v10;
	v15 =	vand.u32 $0x7E, v15;
	v2 =	vld.idx.msk [tilespmem:v2+s5+$0x0], $0xffff;
	v14 =	vand.u32 $0x7A, v18  }
0x99: {  	v13 =	vor.u32 v0, v4;
	s13 =	sadd.s32 $0x6, s8;
	[tilespmem:s9+$0xFFFFFFB0] =	vst v16;
	v16 =	vmov s12;
	v17 =	vld.idx.msk [tilespmem:v17+s5+$0x0], $0xffff;
	v14 =	vbroadcast v14, $0x0  }
0x9a: {  	v6 =	vld.idx.msk [tilespmem:v6+s5+$0x0], $0xffff;
	[tilespmem:s9+$0x20] =	vst v8;
	v8 =	vbroadcast v15, $0x0;
	v15 =	vand.u32 $0x7A, v16;
	v16 =	vmov s13  }
0x9b: {  	s14 =	sadd.s32 $0x3, s23;
	v12 =	vld.idx.msk [tilespmem:v12+s5+$0x0], $0xffff;
	[tilespmem:s10+$0xFFFFFFA0] =	vst v11;
	v11 =	vbroadcast v15, $0x0;
	v15 =	vand.u32 $0x7E, v16;
	v18 =	vor.u32 v0, v14  }
0x9c: {  	v16 =	vmov s14;
	v7 =	vld.idx.msk [tilespmem:v7+s5+$0x0], $0xffff;
	v19 =	vor.u32 v0, v8;
	[tilespmem:s10+$0x20] =	vst v9;
	v9 =	vbroadcast v15, $0x0  }
0x9d: {  	[tilespmem:s22+$0x70] =	vst v5;
	v5 =	vor.u32 v0, v11;
	v15 =	vand.u32 $0x7B, v16;
	v10 =	vld.idx.msk [tilespmem:v10+s5+$0x0], $0xffff  }
0x9e: {  	s22 =	sadd.s32 $0x7, s23;
	v13 =	vld.idx.msk [tilespmem:v13+s5+$0x0], $0xffff;
	[tilespmem:s18+$0x40] =	vst v17;
	v15 =	vbroadcast v15, $0x0;
	v16 =	vor.u32 v0, v9  }
0x9f: {  	v4 =	vor.u32 v1, v4;
	[tilespmem:s18+$0xFFFFFFD0] =	vst v2;
	v17 =	vmov s22;
	v3 =	vld.idx.msk [tilespmem:v3+s5+$0x0], $0xffff  }
0xa0: {  	v2 =	vand.u32 $0x7F, v17;
	[tilespmem:s9+$0x30] =	vst v12;
	v17 =	vor.u32 v0, v15;
	v18 =	vld.idx.msk [tilespmem:v18+s5+$0x0], $0xffff  }
0xa1: {  	[tilespmem:s10+$0xFFFFFFB0] =	vst v7;
	v12 =	vor.u32 v1, v14;
	v14 =	vld.idx.msk [tilespmem:v19+s5+$0x0], $0xffff  }
0xa2: {  	s23 =	sadd.s32 $0x3, s21;
	s12 =	sadd.s32 $0x7, s21;
	v2 =	vbroadcast v2, $0x0;
	v7 =	vor.u32 v1, v8;
	v5 =	vld.idx.msk [tilespmem:v5+s5+$0x0], $0xffff;
	[tilespmem:s10+$0x30] =	vst v10  }
0xa3: {  	[tilespmem:s31+$0x60] =	vst v13;
	v13 =	vmov s12;
	v8 =	vmov s23;
	v10 =	vor.u32 v1, v11;
	v11 =	vld.idx.msk [tilespmem:v16+s5+$0x0], $0xffff  }
0xa4: {  	[tilespmem:s31+$0xFFFFFFF0] =	vst v6;
	s13 =	sadd.s32 $0x3, s8;
	v6 =	vor.u32 v0, v2;
	v4 =	vld.idx.msk [tilespmem:v4+s5+$0x0], $0xffff;
	v8 =	vand.u32 $0x7B, v8;
	v9 =	vor.u32 v1, v9  }
0xa5: {  	s14 =	sadd.s32 $0x7, s8;
	v13 =	vand.u32 $0x7F, v13;
	v8 =	vbroadcast v8, $0x0;
	v16 =	vld.idx.msk [tilespmem:v17+s5+$0x0], $0xffff;
	[tilespmem:s9+$0xFFFFFFC0] =	vst v18;
	v17 =	vmov s13  }
0xa6: {  	v13 =	vbroadcast v13, $0x0;
	[tilespmem:s9+$0x40] =	vst v14;
	v12 =	vld.idx.msk [tilespmem:v12+s5+$0x0], $0xffff;
	v14 =	vand.u32 $0x7B, v17;
	v17 =	vmov s14  }
0xa7: {  	[tilespmem:s10+$0xFFFFFFC0] =	vst v5;
	v7 =	vld.idx.msk [tilespmem:v7+s5+$0x0], $0xffff;
	v18 =	vor.u32 v0, v8;
	v5 =	vbroadcast v14, $0x0;
	v14 =	vand.u32 $0x7F, v17  }
0xa8: {  	v17 =	vor.u32 v0, v13;
	v10 =	vld.idx.msk [tilespmem:v10+s5+$0x0], $0xffff;
	[tilespmem:s10+$0x40] =	vst v11;
	v11 =	vbroadcast v14, $0x0  }
0xa9: {  	[tilespmem:s18+$0x50] =	vst v3;
	v3 =	vor.u32 v0, v5;
	v9 =	vld.idx.msk [tilespmem:v9+s5+$0x0], $0xffff  }
0xaa: {  	v6 =	vld.idx.msk [tilespmem:v6+s5+$0x0], $0xffff;
	[tilespmem:s31+$0x70] =	vst v4;
	v14 =	vor.u32 v0, v11  }
0xab: {  	v2 =	vor.u32 v1, v2;
	[tilespmem:s9+$0xFFFFFFD0] =	vst v12  }
0xac: {  	v15 =	vor.u32 v1, v15;
	[tilespmem:s9+$0x50] =	vst v7;
	v12 =	vld.idx.msk [tilespmem:v18+s5+$0x0], $0xffff  }
0xad: {  	v7 =	vor.u32 v1, v8;
	v8 =	vld.idx.msk [tilespmem:v17+s5+$0x0], $0xffff;
	[tilespmem:s10+$0xFFFFFFD0] =	vst v10  }
0xae: {  	v10 =	vor.u32 v1, v13;
	v3 =	vld.idx.msk [tilespmem:v3+s5+$0x0], $0xffff;
	[tilespmem:s10+$0x50] =	vst v9  }
0xaf: {  	[tilespmem:s18+$0x60] =	vst v6;
	v4 =	vor.u32 v1, v5;
	v5 =	vld.idx.msk [tilespmem:v14+s5+$0x0], $0xffff  }
0xb0: {  	v2 =	vld.idx.msk [tilespmem:v2+s5+$0x0], $0xffff;
	[tilespmem:s18+$0xFFFFFFE0] =	vst v16;
	v6 =	vor.u32 v1, v11  }
0xb1: {  	v9 =	vld.idx.msk [tilespmem:v15+s5+$0x0], $0xffff;
	[tilespmem:s9+$0xFFFFFFE0] =	vst v12  }
0xb2: {  	[tilespmem:s9+$0x60] =	vst v8;
	v7 =	vld.idx.msk [tilespmem:v7+s5+$0x0], $0xffff  }
0xb3: {  	v8 =	vld.idx.msk [tilespmem:v10+s5+$0x0], $0xffff;
	[tilespmem:s10+$0xFFFFFFE0] =	vst v3  }
0xb4: {  	v3 =	vld.idx.msk [tilespmem:v4+s5+$0x0], $0xffff;
	[tilespmem:s10+$0x60] =	vst v5  }
0xb5: {  	[tilespmem:s18+$0x70] =	vst v2;
	v4 =	vld.idx.msk [tilespmem:v6+s5+$0x0], $0xffff  }
0xb6: {  	[tilespmem:s18+$0xFFFFFFF0] =	vst v9  }
0xb7: {  	[tilespmem:s9+$0xFFFFFFF0] =	vst v7  }
0xb8: {  	s31 =	sshll.u32 s30, $0x9;
	[tilespmem:s9+$0x70] =	vst v8  }
0xb9: {  	s21 =	sand.u32 $0x1FFFFE00, s31;
	[tilespmem:s10+$0xFFFFFFF0] =	vst v3  }
0xba: {  	p4 =	sge.u32 s29, s15;
	s8 =	sadd.s32 s4, s21;
	[tilespmem:s10+$0x70] =	vst v4  }
0xbb: {  	[hbm4b:s8+s5] =	stream.linear.scatter [tilespmem:s0], [sflag:$0x3], $0x1000, $0x38;
	[tilespmem:$0x4000] =	vst v63  }
0xbc: {  	s8 =	sshll.u32 @!p4 s30, $0x7  }
0xbd: {  	s8 =	sand.u32 @!p4 $0x1FFFFF80, s8  }
0xbe: {  	s8 =	sadd.s32 @!p4 s1, s8  }
0xbf: {  	s10 =	simm.s32 @!p4 $0x0;
	s9 =	sadd.s32 @!p4 $0x100, s8  }
0xc0: {  	[tilespmem:s10], [sflag:$0x1] =	stream.linear.gather @!p4 [hbm4b:s9+s10], $0x400, $0x38;
	[tilespmem:$0x4000] =	vst v63  }
0xc1: {  	s11 =	simm.s32 @!p4 $0x400;
	s9 =	sadd.s32 @!p4 $0xF4380, s8  }
0xc2: {  	[tilespmem:s11], [sflag:$0x1] =	stream.linear.gather @!p4 [hbm4b:s9+s10], $0x400, $0x38;
	[tilespmem:$0x4000] =	vst v63  }
0xc3: {  	s9 =	sadd.s32 @!p4 $0x1E8600, s8;
	s11 =	simm.s32 @!p4 $0x800  }
0xc4: {  	[tilespmem:s11], [sflag:$0x1] =	stream.linear.gather @!p4 [hbm4b:s9+s10], $0x400, $0x38;
	[tilespmem:$0x4000] =	vst v63  }
0xc5: {  	s8 =	sadd.s32 @!p4 $0x2DC880, s8;
	s9 =	simm.s32 @!p4 $0xC00  }
0xc6: {  	[tilespmem:s9], [sflag:$0x1] =	stream.linear.gather @!p4 [hbm4b:s8+s10], $0x400, $0x38;
	[tilespmem:$0x4000] =	vst v63  }
0xc7: {  	_ =	swait.ge [sflag:s3], $0x400  }
0xc8: {  	[sflag:s3] =	ssyncset.done $0x0  }
0xc9: {  	[sflag:s3] =	ssyncadd.s32 $0xFFFFFC00  }
0xca: {  	_ =	swait.ge [sflag:s3], $0x400  }
0xcb: {  	[sflag:s3] =	ssyncset.done $0x0  }
0xcc: {  	s22 =	simm.s32 $0x0;
	[sflag:s3] =	ssyncadd.s32 $0xFFFFFC00  }
0xcd: {  	v2 =	vmov s22;
	_ =	swait.ge [sflag:s3], $0x400  }
0xce: {  	v2 =	vand.u32 $0x78, v2;
	[sflag:s3] =	ssyncset.done $0x0  }
0xcf: {  	s23 =	simm.s32 $0x4;
	v2 =	vbroadcast v2, $0x0;
	[sflag:s3] =	ssyncadd.s32 $0xFFFFFC00  }
0xd0: {  	v4 =	vmov s23;
	_ =	swait.ge [sflag:s3], $0x400  }
0xd1: {  	v3 =	vor.u32 v0, v2;
	v4 =	vand.u32 $0x7C, v4;
	[sflag:s3] =	ssyncset.done $0x0  }
0xd2: {  	v4 =	vbroadcast v4, $0x0;
	s8 =	simm.s32 @!p3 $0x4;
	[sflag:s3] =	ssyncadd.s32 $0xFFFFFC00  }
0xd3: {  	s9 =	simm.s32 $0x8;
	_ =	swait.ge @!p3 [sflag:s8], $0x1000  }
0xd4: {  	v5 =	vor.u32 v0, v4;
	v6 =	vmov s9;
	[sflag:s8] =	ssyncset.done @!p3 $0x0  }
0xd5: {  	v6 =	vand.u32 $0x78, v6;
	[sflag:s8] =	ssyncadd.s32 @!p3 $0xFFFFF000  }
0xd6: {  	v6 =	vbroadcast v6, $0x0;
	v3 =	vld.idx.msk [tilespmem:v3+s28+$0x0], $0xffff  }
0xd7: {  	v2 =	vor.u32 v1, v2  }
0xd8: {  	s10 =	simm.s32 $0x1;
	v8 =	vor.u32 v0, v6  }
0xd9: {  	v7 =	vmov s10;
	v5 =	vld.idx.msk [tilespmem:v5+s28+$0x0], $0xffff  }
0xda: {  	s23 =	simm.s32 $0x3080;
	v4 =	vor.u32 v1, v4;
	v7 =	vand.u32 $0x79, v7  }
0xdb: {  	[tilespmem:s23+$0xFFFFFF80] =	vst v3;
	v3 =	vbroadcast v7, $0x0  }
0xdc: {  	s11 =	simm.s32 $0x5;
	v2 =	vld.idx.msk [tilespmem:v2+s28+$0x0], $0xffff  }
0xdd: {  	s12 =	simm.s32 $0xC;
	v9 =	vmov s11;
	v8 =	vld.idx.msk [tilespmem:v8+s28+$0x0], $0xffff;
	v7 =	vor.u32 v0, v3  }
0xde: {  	v10 =	vmov s12;
	v9 =	vand.u32 $0x7D, v9;
	v6 =	vor.u32 v1, v6;
	[tilespmem:s23+$0x0] =	vst v5  }
0xdf: {  	s13 =	simm.s32 $0x9;
	v5 =	vbroadcast v9, $0x0;
	v9 =	vand.u32 $0x7C, v10;
	v4 =	vld.idx.msk [tilespmem:v4+s28+$0x0], $0xffff  }
0xe0: {  	s21 =	simm.s32 $0x10;
	v11 =	vmov s13;
	v9 =	vbroadcast v9, $0x0  }
0xe1: {  	v11 =	vand.u32 $0x79, v11;
	s18 =	simm.s32 $0x3180;
	v10 =	vor.u32 v0, v5;
	[tilespmem:s23+$0xFFFFFF90] =	vst v2;
	v2 =	vmov s21  }
0xe2: {  	s14 =	simm.s32 $0x2;
	[tilespmem:s18+$0xFFFFFF80] =	vst v8;
	v8 =	vbroadcast v11, $0x0;
	v12 =	vor.u32 v0, v9;
	v7 =	vld.idx.msk [tilespmem:v7+s28+$0x0], $0xffff;
	v2 =	vand.u32 $0x78, v2  }
0xe3: {  	v13 =	vmov s14;
	v6 =	vld.idx.msk [tilespmem:v6+s28+$0x0], $0xffff;
	v3 =	vor.u32 v1, v3;
	v2 =	vbroadcast v2, $0x0  }
0xe4: {  	[tilespmem:s23+$0x10] =	vst v4;
	v4 =	vand.u32 $0x7A, v13;
	v13 =	vor.u32 v0, v8  }
0xe5: {  	v11 =	vor.u32 v0, v2  }
0xe6: {  	v10 =	vld.idx.msk [tilespmem:v10+s28+$0x0], $0xffff  }
0xe7: {  	v5 =	vor.u32 v1, v5;
	v4 =	vbroadcast v4, $0x0;
	[tilespmem:s23+$0xFFFFFFA0] =	vst v7;
	v7 =	vld.idx.msk [tilespmem:v12+s28+$0x0], $0xffff  }
0xe8: {  	s22 =	simm.s32 $0x6;
	v9 =	vor.u32 v1, v9;
	[tilespmem:s18+$0xFFFFFF90] =	vst v6;
	v3 =	vld.idx.msk [tilespmem:v3+s28+$0x0], $0xffff  }
0xe9: {  	v14 =	vmov s22;
	s9 =	simm.s32 $0xD;
	v13 =	vld.idx.msk [tilespmem:v13+s28+$0x0], $0xffff;
	v12 =	vor.u32 v0, v4  }
0xea: {  	v8 =	vor.u32 v1, v8;
	v6 =	vld.idx.msk [tilespmem:v11+s28+$0x0], $0xffff;
	v11 =	vand.u32 $0x7E, v14;
	v14 =	vmov s9  }
0xeb: {  	s10 =	simm.s32 $0x14;
	s8 =	simm.s32 $0x18;
	v2 =	vor.u32 v1, v2;
	[tilespmem:s23+$0x20] =	vst v10;
	v10 =	vbroadcast v11, $0x0;
	v11 =	vand.u32 $0x7D, v14  }
0xec: {  	v5 =	vld.idx.msk [tilespmem:v5+s28+$0x0], $0xffff;
	v14 =	vmov s10;
	[tilespmem:s18+$0x0] =	vst v7;
	v7 =	vmov s8;
	v11 =	vbroadcast v11, $0x0  }
0xed: {  	s11 =	simm.s32 $0x11;
	[tilespmem:s23+$0xFFFFFFB0] =	vst v3;
	v3 =	vand.u32 $0x78, v7;
	v7 =	vand.u32 $0x7C, v14;
	v9 =	vld.idx.msk [tilespmem:v9+s28+$0x0], $0xffff;
	v14 =	vor.u32 v0, v10  }
0xee: {  	s22 =	simm.s32 $0x3280;
	v16 =	vmov s11;
	[tilespmem:s18+$0xFFFFFFA0] =	vst v13;
	v12 =	vld.idx.msk [tilespmem:v12+s28+$0x0], $0xffff;
	v7 =	vbroadcast v7, $0x0;
	v15 =	vor.u32 v0, v11  }
0xef: {  	v4 =	vor.u32 v1, v4;
	v3 =	vbroadcast v3, $0x0;
	[tilespmem:s22+$0xFFFFFF80] =	vst v6;
	v6 =	vand.u32 $0x79, v16  }
0xf0: {  	s12 =	simm.s32 $0xA;
	v8 =	vld.idx.msk [tilespmem:v8+s28+$0x0], $0xffff;
	v13 =	vor.u32 v0, v7;
	v6 =	vbroadcast v6, $0x0  }
0xf1: {  	[tilespmem:s23+$0x30] =	vst v5;
	v16 =	vmov s12;
	v2 =	vld.idx.msk [tilespmem:v2+s28+$0x0], $0xffff;
	v5 =	vor.u32 v0, v3  }
0xf2: {  	v16 =	vand.u32 $0x7A, v16;
	v14 =	vld.idx.msk [tilespmem:v14+s28+$0x0], $0xffff;
	[tilespmem:s18+$0x10] =	vst v9;
	v9 =	vor.u32 v0, v6  }
0xf3: {  	s13 =	simm.s32 $0x3;
	v10 =	vor.u32 v1, v10;
	[tilespmem:s23+$0xFFFFFFC0] =	vst v12;
	v12 =	vbroadcast v16, $0x0;
	v15 =	vld.idx.msk [tilespmem:v15+s28+$0x0], $0xffff  }
0xf4: {  	v11 =	vor.u32 v1, v11;
	v16 =	vmov s13;
	v4 =	vld.idx.msk [tilespmem:v4+s28+$0x0], $0xffff  }
0xf5: {  	s14 =	simm.s32 $0xE;
	v16 =	vand.u32 $0x7B, v16;
	v13 =	vld.idx.msk [tilespmem:v13+s28+$0x0], $0xffff;
	v17 =	vor.u32 v0, v12  }
0xf6: {  	s9 =	simm.s32 $0x20;
	[tilespmem:s22+$0xFFFFFF90] =	vst v2;
	v2 =	vld.idx.msk [tilespmem:v5+s28+$0x0], $0xffff;
	v5 =	vor.u32 v1, v7;
	v7 =	vmov s14;
	v16 =	vbroadcast v16, $0x0  }
0xf7: {  	s10 =	simm.s32 $0x15;
	v19 =	vmov s9;
	v3 =	vor.u32 v1, v3;
	v7 =	vand.u32 $0x7E, v7;
	[tilespmem:s23+$0x40] =	vst v14;
	v9 =	vld.idx.msk [tilespmem:v9+s28+$0x0], $0xffff  }
0xf8: {  	s11 =	simm.s32 $0x1C;
	v14 =	vmov s10;
	v7 =	vbroadcast v7, $0x0;
	[tilespmem:s18+$0x20] =	vst v15;
	v15 =	vor.u32 v0, v16;
	v10 =	vld.idx.msk [tilespmem:v10+s28+$0x0], $0xffff  }
0xf9: {  	[tilespmem:s18+$0xFFFFFFB0] =	vst v8;
	v6 =	vor.u32 v1, v6;
	v8 =	vand.u32 $0x7D, v14;
	v14 =	vmov s11;
	v11 =	vld.idx.msk [tilespmem:v11+s28+$0x0], $0xffff  }
0xfa: {  	s12 =	simm.s32 $0x7;
	s11 =	simm.s32 $0x3380;
	v8 =	vbroadcast v8, $0x0;
	v14 =	vand.u32 $0x7C, v14;
	[tilespmem:s22+$0x0] =	vst v13;
	v13 =	vld.idx.msk [tilespmem:v17+s28+$0x0], $0xffff;
	v17 =	vor.u32 v0, v7  }
0xfb: {  	v18 =	vmov s12;
	v12 =	vor.u32 v1, v12;
	[tilespmem:s11+$0xFFFFFF80] =	vst v2;
	v14 =	vbroadcast v14, $0x0;
	v2 =	vld.idx.msk [tilespmem:v5+s28+$0x0], $0xffff  }
0xfc: {  	s13 =	simm.s32 $0x19;
	[tilespmem:s23+$0xFFFFFFD0] =	vst v4;
	v4 =	vand.u32 $0x7F, v18;
	v5 =	vand.u32 $0x78, v19;
	v3 =	vld.idx.msk [tilespmem:v3+s28+$0x0], $0xffff;
	v18 =	vor.u32 v0, v8  }
0xfd: {  	v19 =	vbroadcast v5, $0x0;
	[tilespmem:s22+$0xFFFFFFA0] =	vst v9;
	v9 =	vmov s13;
	v5 =	vld.idx.msk [tilespmem:v15+s28+$0x0], $0xffff;
	v15 =	vor.u32 v0, v14  }
0xfe: {  	s14 =	simm.s32 $0x12;
	v4 =	vbroadcast v4, $0x0;
	v6 =	vld.idx.msk [tilespmem:v6+s28+$0x0], $0xffff;
	v9 =	vand.u32 $0x79, v9;
	[tilespmem:s18+$0x30] =	vst v11;
	v11 =	vor.u32 v1, v16  }
0xff: {  	v16 =	vor.u32 v0, v19;
	v20 =	vbroadcast v9, $0x0;
	v9 =	vmov s14;
	[tilespmem:s18+$0xFFFFFFC0] =	vst v13;
	v13 =	vld.idx.msk [tilespmem:v17+s28+$0x0], $0xffff  }
0x100: {  	v17 =	vor.u32 v0, v4;
	v9 =	vand.u32 $0x7A, v9;
	[tilespmem:s22+$0x10] =	vst v2;
	v21 =	vld.idx.msk [tilespmem:v12+s28+$0x0], $0xffff  }
0x101: {  	[tilespmem:s23+$0x50] =	vst v10;
	v22 =	vor.u32 v0, v20;
	v2 =	vbroadcast v9, $0x0;
	v18 =	vld.idx.msk [tilespmem:v18+s28+$0x0], $0xffff  }
0x102: {  	s12 =	simm.s32 $0xB;
	v25 =	vor.u32 v1, v7;
	v24 =	vor.u32 v1, v8;
	v23 =	vld.idx.msk [tilespmem:v15+s28+$0x0], $0xffff;
	[tilespmem:s23+$0xFFFFFFE0] =	vst v5  }
0x103: {  	v8 =	vor.u32 v1, v14;
	[tilespmem:s11+$0xFFFFFF90] =	vst v3;
	v3 =	vmov s12;
	v7 =	vor.u32 v0, v2;
	v10 =	vld.idx.msk [tilespmem:v11+s28+$0x0], $0xffff  }
0x104: {  	s13 =	simm.s32 $0x16;
	s12 =	simm.s32 $0xF;
	v3 =	vand.u32 $0x7B, v3;
	v5 =	vor.u32 v1, v4;
	[tilespmem:s22+$0xFFFFFFB0] =	vst v6;
	v2 =	vor.u32 v1, v2;
	v9 =	vld.idx.msk [tilespmem:v16+s28+$0x0], $0xffff  }
0x105: {  	v4 =	vmov s13;
	v6 =	vbroadcast v3, $0x0;
	v3 =	vmov s12;
	[tilespmem:s18+$0x40] =	vst v13;
	v12 =	vld.idx.msk [tilespmem:v17+s28+$0x0], $0xffff  }
0x106: {  	s14 =	simm.s32 $0x1D;
	v4 =	vand.u32 $0x7E, v4;
	v16 =	vor.u32 v1, v20;
	v13 =	vor.u32 v1, v19;
	v11 =	vld.idx.msk [tilespmem:v22+s28+$0x0], $0xffff;
	[tilespmem:s18+$0xFFFFFFD0] =	vst v21  }
0x107: {  	s10 =	simm.s32 $0x3380;
	v19 =	vand.u32 $0x7F, v3;
	v17 =	vmov s14;
	v15 =	vor.u32 v0, v6;
	v14 =	vld.idx.msk [tilespmem:v25+s28+$0x0], $0xffff;
	[tilespmem:s22+$0x20] =	vst v18  }
0x108: {  	s12 =	simm.s32 $0x8;
	s13 =	simm.s32 $0x28;
	v3 =	vbroadcast v4, $0x0;
	s14 =	simm.s32 $0x24;
	v4 =	vbroadcast v19, $0x0;
	v18 =	vand.u32 $0x7D, v17;
	[tilespmem:s11+$0x0] =	vst v23;
	v17 =	vld.idx.msk [tilespmem:v24+s28+$0x0], $0xffff  }
.LBB2_5:
0x109: {  	v19 =	vmov s13;
	s12 =	sadd.s32 $0x2, s12;
	v20 =	vmov s14;
	v18 =	vbroadcast v18, $0x0;
	s11 =	sadd.s32 $0x100, s11;
	v7 =	vld.idx.msk [tilespmem:v7+s28+$0x0], $0xffff;
	[tilespmem:s23+$0xFFFFFFF0] =	vst v10  }
0x10a: {  	v10 =	vand.u32 $0x78, v19;
	p3 =	slt.u32 s12, $0x1E;
	[tilespmem:s11+$0xFFFFFF80] =	vst v9;
	v9 =	vand.u32 $0x7C, v20;
	v8 =	vld.idx.msk [tilespmem:v8+s28+$0x0], $0xffff;
	v19 =	vor.u32 v0, v3  }
0x10b: {  	v20 =	vbroadcast v10, $0x0;
	v10 =	vld.idx.msk [tilespmem:v13+s28+$0x0], $0xffff;
	v13 =	vbroadcast v9, $0x0;
	v9 =	vor.u32 v0, v18;
	[tilespmem:s23+$0x60] =	vst v12  }
0x10c: {  	s14 =	sadd.s32 $0x1, s9;
	[tilespmem:s10+$0xFFFFFFA0] =	vst v11;
	v11 =	vld.idx.msk [tilespmem:v15+s28+$0x0], $0xffff  }
0x10d: {  	v12 =	vmov s14;
	v15 =	vor.u32 v0, v13;
	v16 =	vld.idx.msk [tilespmem:v16+s28+$0x0], $0xffff;
	[tilespmem:s18+$0x50] =	vst v14  }
0x10e: {  	v6 =	vor.u32 v1, v6;
	s14 =	sadd.s32 $0x2, s8;
	v12 =	vand.u32 $0x79, v12;
	v14 =	vor.u32 v0, v4;
	[tilespmem:s22+$0x30] =	vst v17;
	v17 =	vld.idx.msk [tilespmem:v5+s28+$0x0], $0xffff  }
0x10f: {  	v21 =	vor.u32 v0, v20;
	v22 =	vbroadcast v12, $0x0;
	v5 =	vmov s14;
	[tilespmem:s22+$0xFFFFFFC0] =	vst v7;
	v12 =	vld.idx.msk [tilespmem:v19+s28+$0x0], $0xffff  }
0x110: {  	v5 =	vand.u32 $0x7A, v5;
	[tilespmem:s10+$0x10] =	vst v8;
	v19 =	vld.idx.msk [tilespmem:v2+s28+$0x0], $0xffff  }
0x111: {  	v23 =	vor.u32 v0, v22;
	v2 =	vbroadcast v5, $0x0;
	[tilespmem:s11+$0xFFFFFF90] =	vst v10;
	v24 =	vld.idx.msk [tilespmem:v9+s28+$0x0], $0xffff  }
0x112: {  	v26 =	vor.u32 v1, v18;
	v18 =	vor.u32 v1, v3;
	s14 =	sadd.s32 $0x3, s21;
	v25 =	vld.idx.msk [tilespmem:v15+s28+$0x0], $0xffff;
	[tilespmem:s18+$0xFFFFFFE0] =	vst v11  }
0x113: {  	v3 =	vmov s14;
	v5 =	vor.u32 v1, v4;
	v7 =	vor.u32 v0, v2;
	[tilespmem:s10+$0xFFFFFFB0] =	vst v16;
	v10 =	vld.idx.msk [tilespmem:v6+s28+$0x0], $0xffff  }
.Ltmp3:
0x114: {  	s21 =	sadd.s32 $0x7, s21;
	s14 =	sadd.s32 $0x6, s8;
	v8 =	vor.u32 v1, v13;
	v3 =	vand.u32 $0x7B, v3;
	v2 =	vor.u32 v1, v2;
	v9 =	vld.idx.msk [tilespmem:v21+s28+$0x0], $0xffff;
	[tilespmem:s23+$0x70] =	vst v17;
	(pc) =	sbr.rel @p3 .LBB2_5-.Ltmp3, $4  }
0x115: {  	v4 =	vmov s14;
	v6 =	vbroadcast v3, $0x0;
	v3 =	vmov s21;
	s23 =	smov.u32 s18;
	s18 =	smov.u32 s22;
	[tilespmem:s22+$0x40] =	vst v12;
	v12 =	vld.idx.msk [tilespmem:v14+s28+$0x0], $0xffff;
	s22 =	smov.u32 s10  }
0x116: {  	v13 =	vor.u32 v1, v20;
	s14 =	sadd.s32 $0x5, s9;
	v4 =	vand.u32 $0x7E, v4;
	s21 =	smov.u32 s8;
	s10 =	smov.u32 s11;
	v11 =	vld.idx.msk [tilespmem:v23+s28+$0x0], $0xffff;
	[tilespmem:s18+$0xFFFFFFD0] =	vst v19;
	v19 =	vand.u32 $0x7F, v3  }
0x117: {  	s8 =	smov.u32 s9;
	s9 =	smov.u32 s13;
	v17 =	vmov s14;
	v15 =	vor.u32 v0, v6;
	v3 =	vbroadcast v4, $0x0;
	[tilespmem:s22+$0x20] =	vst v24;
	v14 =	vld.idx.msk [tilespmem:v18+s28+$0x0], $0xffff  }
0x118: {  	s13 =	sadd.s32 $0x8, s13;
	v16 =	vor.u32 v1, v22;
	s14 =	sadd.s32 $0x4, s9;
	v18 =	vand.u32 $0x7D, v17;
	v4 =	vbroadcast v19, $0x0;
	[tilespmem:s11+$0x0] =	vst v25;
	v17 =	vld.idx.msk [tilespmem:v26+s28+$0x0], $0xffff  }
0x119: {  	v19 =	vmov s14  }
0x11a: {  	v19 =	vand.u32 $0x7C, v19  }
0x11b: {  	v19 =	vbroadcast v19, $0x0;
	_ =	sdelay $0x1  }
0x11c: {  	v20 =	vor.u32 v0, v19;
	_ =	sdelay $0x4  }
0x11d: {  	v20 =	vld.idx.msk [tilespmem:v20+s28+$0x0], $0xffff  }
0x11e: {  	s12 =	sadd.s32 $0x1, s9;
	v19 =	vor.u32 v1, v19  }
0x11f: {  	s11 =	sadd.s32 $0x100, s11;
	[tilespmem:s23+$0xFFFFFFF0] =	vst v10;
	s13 =	sadd.s32 $0x5, s9;
	v51 =	vmov s12  }
0x120: {  	v18 =	vbroadcast v18, $0x0;
	[tilespmem:s11+$0xFFFFFF80] =	vst v9;
	v53 =	vmov s13;
	v52 =	vand.u32 $0x79, v51  }
0x121: {  	v8 =	vld.idx.msk [tilespmem:v8+s28+$0x0], $0xffff;
	[tilespmem:s23+$0x60] =	vst v12;
	v10 =	vand.u32 $0x7D, v53;
	v9 =	vbroadcast v52, $0x0  }
0x122: {  	v54 =	vld.idx.msk [tilespmem:v13+s28+$0x0], $0xffff;
	v55 =	vor.u32 v0, v18;
	v10 =	vbroadcast v10, $0x0;
	[tilespmem:s11+$0x0] =	vst v20  }
0x123: {  	[tilespmem:s10+$0xFFFFFFA0] =	vst v11;
	v56 =	vor.u32 v0, v9;
	v19 =	vld.idx.msk [tilespmem:v19+s28+$0x0], $0xffff  }
0x124: {  	v7 =	vld.idx.msk [tilespmem:v7+s28+$0x0], $0xffff;
	[tilespmem:s18+$0x50] =	vst v14;
	v57 =	vor.u32 v0, v10  }
0x125: {  	v15 =	vld.idx.msk [tilespmem:v15+s28+$0x0], $0xffff;
	[tilespmem:s22+$0x30] =	vst v17  }
0x126: {  	v58 =	vor.u32 v0, v3;
	v5 =	vld.idx.msk [tilespmem:v5+s28+$0x0], $0xffff;
	[tilespmem:s10+$0x10] =	vst v8  }
0x127: {  	[tilespmem:s11+$0xFFFFFF90] =	vst v54;
	v8 =	vld.idx.msk [tilespmem:v55+s28+$0x0], $0xffff  }
0x128: {  	s14 =	sadd.s32 $0x2, s8;
	v6 =	vor.u32 v1, v6;
	v59 =	vor.u32 v1, v18;
	v11 =	vld.idx.msk [tilespmem:v56+s28+$0x0], $0xffff;
	[tilespmem:s11+$0x10] =	vst v19  }
0x129: {  	v60 =	vor.u32 v0, v4;
	v61 =	vmov s14;
	s13 =	sadd.s32 $0x6, s8;
	[tilespmem:s22+$0xFFFFFFC0] =	vst v7;
	v62 =	vor.u32 v1, v9;
	v63 =	vld.idx.msk [tilespmem:v57+s28+$0x0], $0xffff  }
0x12a: {  	s14 =	sadd.s32 $0x2, s9;
	v21 =	vand.u32 $0x7A, v61;
	v22 =	vmov s13;
	v16 =	vld.idx.msk [tilespmem:v16+s28+$0x0], $0xffff;
	[tilespmem:s18+$0xFFFFFFE0] =	vst v15;
	v10 =	vor.u32 v1, v10  }
0x12b: {  	v23 =	vmov s14;
	s13 =	sadd.s32 $0x6, s9;
	v14 =	vbroadcast v21, $0x0;
	v17 =	vld.idx.msk [tilespmem:v58+s28+$0x0], $0xffff;
	v15 =	vand.u32 $0x7E, v22;
	[tilespmem:s23+$0x70] =	vst v5  }
0x12c: {  	v25 =	vand.u32 $0x7A, v23;
	v26 =	vmov s13;
	v2 =	vld.idx.msk [tilespmem:v2+s28+$0x0], $0xffff;
	v24 =	vbroadcast v15, $0x0;
	[tilespmem:s10+$0x20] =	vst v8  }
0x12d: {  	v28 =	vbroadcast v25, $0x0;
	v29 =	vand.u32 $0x7E, v26;
	v27 =	vor.u32 v0, v14;
	v12 =	vld.idx.msk [tilespmem:v59+s28+$0x0], $0xffff;
	[tilespmem:s11+$0xFFFFFFA0] =	vst v11  }
0x12e: {  	v32 =	vbroadcast v29, $0x0;
	v31 =	vor.u32 v0, v24;
	v7 =	vld.idx.msk [tilespmem:v62+s28+$0x0], $0xffff;
	[tilespmem:s11+$0x20] =	vst v63  }
0x12f: {  	v34 =	vor.u32 v0, v28;
	[tilespmem:s10+$0xFFFFFFB0] =	vst v16;
	v10 =	vld.idx.msk [tilespmem:v10+s28+$0x0], $0xffff  }
0x130: {  	s14 =	sadd.s32 $0x3, s21;
	v6 =	vld.idx.msk [tilespmem:v6+s28+$0x0], $0xffff;
	v35 =	vor.u32 v0, v32;
	[tilespmem:s22+$0x40] =	vst v17  }
0x131: {  	v3 =	vor.u32 v1, v3;
	v30 =	vmov s14;
	s13 =	sadd.s32 $0x3, s8;
	v13 =	vld.idx.msk [tilespmem:v60+s28+$0x0], $0xffff;
	[tilespmem:s22+$0xFFFFFFD0] =	vst v2  }
0x132: {  	v40 =	vor.u32 v1, v4;
	s14 =	sadd.s32 $0x7, s8;
	v33 =	vand.u32 $0x7B, v30;
	v43 =	vmov s13;
	v18 =	vld.idx.msk [tilespmem:v27+s28+$0x0], $0xffff;
	[tilespmem:s10+$0x30] =	vst v12  }
0x133: {  	v46 =	vmov s14;
	v38 =	vor.u32 v1, v14;
	v15 =	vbroadcast v33, $0x0;
	s23 =	sadd.s32 $0x7, s21;
	v39 =	vld.idx.msk [tilespmem:v31+s28+$0x0], $0xffff;
	[tilespmem:s11+$0xFFFFFFB0] =	vst v7  }
0x134: {  	v44 =	vor.u32 v1, v28;
	v36 =	vmov s23;
	v41 =	vor.u32 v1, v24;
	v5 =	vld.idx.msk [tilespmem:v34+s28+$0x0], $0xffff;
	[tilespmem:s11+$0x30] =	vst v10  }
0x135: {  	s21 =	sadd.s32 $0x3, s9;
	v9 =	vor.u32 v1, v32;
	v37 =	vor.u32 v0, v15;
	v2 =	vand.u32 $0x7F, v36;
	[tilespmem:s18+$0xFFFFFFF0] =	vst v6;
	v45 =	vld.idx.msk [tilespmem:v35+s28+$0x0], $0xffff  }
0x136: {  	v48 =	vmov s21;
	v3 =	vld.idx.msk [tilespmem:v3+s28+$0x0], $0xffff;
	[tilespmem:s18+$0x60] =	vst v13;
	v2 =	vbroadcast v2, $0x0;
	v8 =	vand.u32 $0x7B, v43  }
0x137: {  	s23 =	sadd.s32 $0x7, s9;
	v49 =	vand.u32 $0x7B, v48;
	v13 =	vand.u32 $0x7F, v46;
	v4 =	vld.idx.msk [tilespmem:v40+s28+$0x0], $0xffff;
	v8 =	vbroadcast v8, $0x0;
	[tilespmem:s10+$0xFFFFFFC0] =	vst v18  }
0x138: {  	v50 =	vmov s23;
	v13 =	vbroadcast v13, $0x0;
	v42 =	vor.u32 v0, v2;
	v12 =	vld.idx.msk [tilespmem:v38+s28+$0x0], $0xffff;
	[tilespmem:s10+$0x40] =	vst v39  }
0x139: {  	v52 =	vbroadcast v49, $0x0;
	v53 =	vand.u32 $0x7F, v50;
	v51 =	vor.u32 v0, v8;
	v7 =	vld.idx.msk [tilespmem:v41+s28+$0x0], $0xffff;
	[tilespmem:s11+$0xFFFFFFC0] =	vst v5  }
0x13a: {  	v55 =	vbroadcast v53, $0x0;
	v54 =	vor.u32 v0, v13;
	v10 =	vld.idx.msk [tilespmem:v44+s28+$0x0], $0xffff;
	[tilespmem:s11+$0x40] =	vst v45  }
0x13b: {  	[tilespmem:s22+$0x50] =	vst v3;
	v3 =	vor.u32 v0, v52;
	v9 =	vld.idx.msk [tilespmem:v9+s28+$0x0], $0xffff  }
0x13c: {  	v47 =	vld.idx.msk [tilespmem:v37+s28+$0x0], $0xffff;
	v14 =	vor.u32 v0, v55;
	[tilespmem:s18+$0x70] =	vst v4  }
0x13d: {  	v15 =	vor.u32 v1, v15;
	v6 =	vld.idx.msk [tilespmem:v42+s28+$0x0], $0xffff;
	[tilespmem:s10+$0xFFFFFFD0] =	vst v12  }
0x13e: {  	v2 =	vor.u32 v1, v2;
	v12 =	vld.idx.msk [tilespmem:v51+s28+$0x0], $0xffff;
	[tilespmem:s10+$0x50] =	vst v7  }
0x13f: {  	v56 =	vor.u32 v1, v8;
	v57 =	vld.idx.msk [tilespmem:v54+s28+$0x0], $0xffff;
	[tilespmem:s11+$0xFFFFFFD0] =	vst v10  }
0x140: {  	v58 =	vor.u32 v1, v13;
	v3 =	vld.idx.msk [tilespmem:v3+s28+$0x0], $0xffff;
	[tilespmem:s11+$0x50] =	vst v9  }
0x141: {  	v59 =	vor.u32 v1, v52;
	[tilespmem:s22+$0xFFFFFFE0] =	vst v47;
	v60 =	vld.idx.msk [tilespmem:v14+s28+$0x0], $0xffff  }
0x142: {  	v62 =	vor.u32 v1, v55;
	v61 =	vld.idx.msk [tilespmem:v15+s28+$0x0], $0xffff;
	[tilespmem:s22+$0x60] =	vst v6  }
0x143: {  	v2 =	vld.idx.msk [tilespmem:v2+s28+$0x0], $0xffff;
	[tilespmem:s10+$0xFFFFFFE0] =	vst v12  }
0x144: {  	v7 =	vld.idx.msk [tilespmem:v56+s28+$0x0], $0xffff;
	[tilespmem:s10+$0x60] =	vst v57  }
0x145: {  	v8 =	vld.idx.msk [tilespmem:v58+s28+$0x0], $0xffff;
	[tilespmem:s11+$0xFFFFFFE0] =	vst v3  }
0x146: {  	v3 =	vld.idx.msk [tilespmem:v59+s28+$0x0], $0xffff;
	[tilespmem:s11+$0x60] =	vst v60  }
0x147: {  	[tilespmem:s22+$0xFFFFFFF0] =	vst v61;
	v63 =	vld.idx.msk [tilespmem:v62+s28+$0x0], $0xffff  }
0x148: {  	[tilespmem:s22+$0x70] =	vst v2  }
0x149: {  	p3 =	sge.u32 s29, s16;
	[tilespmem:s10+$0xFFFFFFF0] =	vst v7  }
0x14a: {  	s8 =	sshll.u32 @!p3 s30, $0x7;
	[tilespmem:s10+$0x70] =	vst v8  }
0x14b: {  	s8 =	sand.u32 @!p3 $0x1FFFFF80, s8;
	[tilespmem:s11+$0xFFFFFFF0] =	vst v3  }
0x14c: {  	s31 =	sadd.s32 s31, s17;
	s8 =	sadd.s32 @!p3 s1, s8;
	[tilespmem:s11+$0x70] =	vst v63  }
0x14d: {  	[hbm4b:s31+s5] =	stream.linear.scatter [tilespmem:s24], [sflag:$0x4], $0x1000, $0x38;
	[tilespmem:$0x4000] =	vst v63  }
0x14e: {  	s9 =	sadd.s32 @!p3 $0x180, s8;
	s10 =	simm.s32 @!p3 $0x0;
	s11 =	simm.s32 @!p3 $0x1000  }
0x14f: {  	[tilespmem:s11], [sflag:$0x2] =	stream.linear.gather @!p3 [hbm4b:s9+s10], $0x400, $0x38;
	[tilespmem:$0x4000] =	vst v63  }
0x150: {  	s9 =	sadd.s32 @!p3 $0xF4400, s8;
	s11 =	simm.s32 @!p3 $0x1400  }
0x151: {  	[tilespmem:s11], [sflag:$0x2] =	stream.linear.gather @!p3 [hbm4b:s9+s10], $0x400, $0x38;
	[tilespmem:$0x4000] =	vst v63  }
0x152: {  	s9 =	sadd.s32 @!p3 $0x1E8680, s8;
	s11 =	simm.s32 @!p3 $0x1800  }
0x153: {  	[tilespmem:s11], [sflag:$0x2] =	stream.linear.gather @!p3 [hbm4b:s9+s10], $0x400, $0x38;
	[tilespmem:$0x4000] =	vst v63  }
0x154: {  	s26 =	sadd.s32 $0x1, s26;
	s8 =	sadd.s32 @!p3 $0x2DC900, s8;
	s9 =	simm.s32 @!p3 $0x1C00  }
0x155: {  	[tilespmem:s9], [sflag:$0x2] =	stream.linear.gather @!p3 [hbm4b:s8+s10], $0x400, $0x38;
	[tilespmem:$0x4000] =	vst v63  }
0x156: {  	p3 =	sne.s32 s26, $0x7A  }
.Ltmp4:
0x157: {  	_ = 	snop;
	(pc) =	sbr.rel @p3 .LBB2_2-.Ltmp4, $1  }
0x158: {  	_ =	sdelay $0x3  }
.Ltmp5:
0x159: {  	(pc) =	sbr.rel @!p1 .LBB2_11-.Ltmp5, $1  }
0x15a: {  	_ =	sdelay $0x3  }
0x15b: {  	_ =	swait.ge [sflag:s2], $0x400  }
0x15c: {  	[sflag:s2] =	ssyncset.done $0x0  }
0x15d: {  	[sflag:s2] =	ssyncadd.s32 $0xFFFFFC00  }
0x15e: {  	_ =	swait.ge [sflag:s2], $0x400  }
0x15f: {  	[sflag:s2] =	ssyncset.done $0x0  }
0x160: {  	s8 =	simm.s32 $0x0;
	[sflag:s2] =	ssyncadd.s32 $0xFFFFFC00  }
0x161: {  	v2 =	vmov s8;
	_ =	swait.ge [sflag:s2], $0x400  }
0x162: {  	v2 =	vand.u32 $0x78, v2;
	[sflag:s2] =	ssyncset.done $0x0  }
0x163: {  	s9 =	simm.s32 $0x4;
	v2 =	vbroadcast v2, $0x0;
	[sflag:s2] =	ssyncadd.s32 $0xFFFFFC00  }
0x164: {  	v4 =	vmov s9;
	_ =	swait.ge [sflag:s2], $0x400  }
0x165: {  	v4 =	vand.u32 $0x7C, v4;
	v3 =	vor.u32 v0, v2;
	[sflag:s2] =	ssyncset.done $0x0  }
0x166: {  	s10 =	simm.s32 $0x3;
	v4 =	vbroadcast v4, $0x0;
	[sflag:s2] =	ssyncadd.s32 $0xFFFFFC00  }
0x167: {  	s11 =	simm.s32 $0x8;
	_ =	swait.ge [sflag:s10], $0x1000  }
0x168: {  	v6 =	vmov s11;
	v5 =	vor.u32 v0, v4;
	[sflag:s10] =	ssyncset.done $0x0  }
0x169: {  	v6 =	vand.u32 $0x78, v6;
	[sflag:s10] =	ssyncadd.s32 $0xFFFFF000  }
0x16a: {  	v6 =	vbroadcast v6, $0x0;
	v3 =	vld.idx.msk [tilespmem:v3+s5+$0x0], $0xffff  }
0x16b: {  	v2 =	vor.u32 v1, v2  }
0x16c: {  	s12 =	simm.s32 $0x1;
	v8 =	vor.u32 v0, v6  }
0x16d: {  	v7 =	vmov s12;
	v5 =	vld.idx.msk [tilespmem:v5+s5+$0x0], $0xffff  }
0x16e: {  	s23 =	simm.s32 $0x2080;
	v7 =	vand.u32 $0x79, v7;
	v4 =	vor.u32 v1, v4  }
0x16f: {  	[tilespmem:s23+$0xFFFFFF80] =	vst v3;
	v3 =	vbroadcast v7, $0x0  }
0x170: {  	s13 =	simm.s32 $0x5;
	v2 =	vld.idx.msk [tilespmem:v2+s5+$0x0], $0xffff  }
0x171: {  	s14 =	simm.s32 $0xC;
	v9 =	vmov s13;
	v8 =	vld.idx.msk [tilespmem:v8+s5+$0x0], $0xffff;
	v7 =	vor.u32 v0, v3  }
0x172: {  	v10 =	vmov s14;
	v9 =	vand.u32 $0x7D, v9;
	v6 =	vor.u32 v1, v6;
	[tilespmem:s23+$0x0] =	vst v5  }
0x173: {  	s18 =	simm.s32 $0x9;
	v5 =	vbroadcast v9, $0x0;
	v9 =	vand.u32 $0x7C, v10;
	v4 =	vld.idx.msk [tilespmem:v4+s5+$0x0], $0xffff  }
0x174: {  	s21 =	simm.s32 $0x10;
	v11 =	vmov s18;
	v9 =	vbroadcast v9, $0x0  }
0x175: {  	s18 =	simm.s32 $0x2180;
	v11 =	vand.u32 $0x79, v11;
	v10 =	vor.u32 v0, v5;
	[tilespmem:s23+$0xFFFFFF90] =	vst v2;
	v2 =	vmov s21  }
0x176: {  	s22 =	simm.s32 $0x2;
	[tilespmem:s18+$0xFFFFFF80] =	vst v8;
	v8 =	vbroadcast v11, $0x0;
	v12 =	vor.u32 v0, v9;
	v7 =	vld.idx.msk [tilespmem:v7+s5+$0x0], $0xffff;
	v2 =	vand.u32 $0x78, v2  }
0x177: {  	v13 =	vmov s22;
	v6 =	vld.idx.msk [tilespmem:v6+s5+$0x0], $0xffff;
	v3 =	vor.u32 v1, v3;
	v2 =	vbroadcast v2, $0x0  }
0x178: {  	[tilespmem:s23+$0x10] =	vst v4;
	v4 =	vand.u32 $0x7A, v13;
	v13 =	vor.u32 v0, v8  }
0x179: {  	v11 =	vor.u32 v0, v2  }
0x17a: {  	v10 =	vld.idx.msk [tilespmem:v10+s5+$0x0], $0xffff  }
0x17b: {  	v5 =	vor.u32 v1, v5;
	v4 =	vbroadcast v4, $0x0;
	[tilespmem:s23+$0xFFFFFFA0] =	vst v7;
	v7 =	vld.idx.msk [tilespmem:v12+s5+$0x0], $0xffff  }
0x17c: {  	s26 =	simm.s32 $0x6;
	v9 =	vor.u32 v1, v9;
	[tilespmem:s18+$0xFFFFFF90] =	vst v6;
	v3 =	vld.idx.msk [tilespmem:v3+s5+$0x0], $0xffff  }
0x17d: {  	s29 =	simm.s32 $0xD;
	v14 =	vmov s26;
	v13 =	vld.idx.msk [tilespmem:v13+s5+$0x0], $0xffff;
	v12 =	vor.u32 v0, v4  }
0x17e: {  	v8 =	vor.u32 v1, v8;
	v6 =	vld.idx.msk [tilespmem:v11+s5+$0x0], $0xffff;
	v11 =	vand.u32 $0x7E, v14;
	v14 =	vmov s29  }
0x17f: {  	s9 =	simm.s32 $0x14;
	s8 =	simm.s32 $0x18;
	v2 =	vor.u32 v1, v2;
	[tilespmem:s23+$0x20] =	vst v10;
	v10 =	vbroadcast v11, $0x0;
	v11 =	vand.u32 $0x7D, v14  }
0x180: {  	v5 =	vld.idx.msk [tilespmem:v5+s5+$0x0], $0xffff;
	v14 =	vmov s9;
	[tilespmem:s18+$0x0] =	vst v7;
	v7 =	vmov s8;
	v11 =	vbroadcast v11, $0x0  }
0x181: {  	s30 =	simm.s32 $0x11;
	[tilespmem:s23+$0xFFFFFFB0] =	vst v3;
	v3 =	vand.u32 $0x78, v7;
	v7 =	vand.u32 $0x7C, v14;
	v9 =	vld.idx.msk [tilespmem:v9+s5+$0x0], $0xffff;
	v14 =	vor.u32 v0, v10  }
0x182: {  	s22 =	simm.s32 $0x2280;
	v16 =	vmov s30;
	[tilespmem:s18+$0xFFFFFFA0] =	vst v13;
	v12 =	vld.idx.msk [tilespmem:v12+s5+$0x0], $0xffff;
	v7 =	vbroadcast v7, $0x0;
	v15 =	vor.u32 v0, v11  }
0x183: {  	v4 =	vor.u32 v1, v4;
	v3 =	vbroadcast v3, $0x0;
	[tilespmem:s22+$0xFFFFFF80] =	vst v6;
	v6 =	vand.u32 $0x79, v16  }
0x184: {  	s31 =	simm.s32 $0xA;
	v8 =	vld.idx.msk [tilespmem:v8+s5+$0x0], $0xffff;
	v13 =	vor.u32 v0, v7;
	v6 =	vbroadcast v6, $0x0  }
0x185: {  	[tilespmem:s23+$0x30] =	vst v5;
	v16 =	vmov s31;
	v2 =	vld.idx.msk [tilespmem:v2+s5+$0x0], $0xffff;
	v5 =	vor.u32 v0, v3  }
0x186: {  	v16 =	vand.u32 $0x7A, v16;
	v14 =	vld.idx.msk [tilespmem:v14+s5+$0x0], $0xffff;
	[tilespmem:s18+$0x10] =	vst v9;
	v9 =	vor.u32 v0, v6  }
0x187: {  	s10 =	simm.s32 $0x3;
	v10 =	vor.u32 v1, v10;
	[tilespmem:s23+$0xFFFFFFC0] =	vst v12;
	v12 =	vbroadcast v16, $0x0;
	v15 =	vld.idx.msk [tilespmem:v15+s5+$0x0], $0xffff  }
0x188: {  	v11 =	vor.u32 v1, v11;
	v16 =	vmov s10;
	v4 =	vld.idx.msk [tilespmem:v4+s5+$0x0], $0xffff  }
0x189: {  	s11 =	simm.s32 $0xE;
	v16 =	vand.u32 $0x7B, v16;
	v13 =	vld.idx.msk [tilespmem:v13+s5+$0x0], $0xffff;
	v17 =	vor.u32 v0, v12  }
0x18a: {  	s9 =	simm.s32 $0x20;
	[tilespmem:s22+$0xFFFFFF90] =	vst v2;
	v2 =	vld.idx.msk [tilespmem:v5+s5+$0x0], $0xffff;
	v5 =	vor.u32 v1, v7;
	v7 =	vmov s11;
	v16 =	vbroadcast v16, $0x0  }
0x18b: {  	s12 =	simm.s32 $0x15;
	v19 =	vmov s9;
	v3 =	vor.u32 v1, v3;
	v7 =	vand.u32 $0x7E, v7;
	[tilespmem:s23+$0x40] =	vst v14;
	v9 =	vld.idx.msk [tilespmem:v9+s5+$0x0], $0xffff  }
0x18c: {  	s13 =	simm.s32 $0x1C;
	v14 =	vmov s12;
	v7 =	vbroadcast v7, $0x0;
	[tilespmem:s18+$0x20] =	vst v15;
	v15 =	vor.u32 v0, v16;
	v10 =	vld.idx.msk [tilespmem:v10+s5+$0x0], $0xffff  }
0x18d: {  	[tilespmem:s18+$0xFFFFFFB0] =	vst v8;
	v6 =	vor.u32 v1, v6;
	v8 =	vand.u32 $0x7D, v14;
	v14 =	vmov s13;
	v11 =	vld.idx.msk [tilespmem:v11+s5+$0x0], $0xffff  }
0x18e: {  	s10 =	simm.s32 $0x7;
	s11 =	simm.s32 $0x2380;
	v8 =	vbroadcast v8, $0x0;
	v14 =	vand.u32 $0x7C, v14;
	[tilespmem:s22+$0x0] =	vst v13;
	v13 =	vld.idx.msk [tilespmem:v17+s5+$0x0], $0xffff;
	v17 =	vor.u32 v0, v7  }
0x18f: {  	v18 =	vmov s10;
	v12 =	vor.u32 v1, v12;
	[tilespmem:s11+$0xFFFFFF80] =	vst v2;
	v14 =	vbroadcast v14, $0x0;
	v2 =	vld.idx.msk [tilespmem:v5+s5+$0x0], $0xffff  }
0x190: {  	s14 =	simm.s32 $0x19;
	[tilespmem:s23+$0xFFFFFFD0] =	vst v4;
	v4 =	vand.u32 $0x7F, v18;
	v5 =	vand.u32 $0x78, v19;
	v3 =	vld.idx.msk [tilespmem:v3+s5+$0x0], $0xffff;
	v18 =	vor.u32 v0, v8  }
0x191: {  	v19 =	vbroadcast v5, $0x0;
	[tilespmem:s22+$0xFFFFFFA0] =	vst v9;
	v9 =	vmov s14;
	v5 =	vld.idx.msk [tilespmem:v15+s5+$0x0], $0xffff;
	v15 =	vor.u32 v0, v14  }
0x192: {  	s26 =	simm.s32 $0x12;
	v4 =	vbroadcast v4, $0x0;
	v6 =	vld.idx.msk [tilespmem:v6+s5+$0x0], $0xffff;
	v9 =	vand.u32 $0x79, v9;
	[tilespmem:s18+$0x30] =	vst v11;
	v11 =	vor.u32 v1, v16  }
0x193: {  	v16 =	vor.u32 v0, v19;
	v20 =	vbroadcast v9, $0x0;
	v9 =	vmov s26;
	[tilespmem:s18+$0xFFFFFFC0] =	vst v13;
	v13 =	vld.idx.msk [tilespmem:v17+s5+$0x0], $0xffff  }
0x194: {  	v17 =	vor.u32 v0, v4;
	v9 =	vand.u32 $0x7A, v9;
	[tilespmem:s22+$0x10] =	vst v2;
	v21 =	vld.idx.msk [tilespmem:v12+s5+$0x0], $0xffff  }
0x195: {  	[tilespmem:s23+$0x50] =	vst v10;
	v22 =	vor.u32 v0, v20;
	v2 =	vbroadcast v9, $0x0;
	v18 =	vld.idx.msk [tilespmem:v18+s5+$0x0], $0xffff  }
0x196: {  	s29 =	simm.s32 $0xB;
	v25 =	vor.u32 v1, v7;
	v24 =	vor.u32 v1, v8;
	v23 =	vld.idx.msk [tilespmem:v15+s5+$0x0], $0xffff;
	[tilespmem:s23+$0xFFFFFFE0] =	vst v5  }
0x197: {  	v8 =	vor.u32 v1, v14;
	[tilespmem:s11+$0xFFFFFF90] =	vst v3;
	v3 =	vmov s29;
	v7 =	vor.u32 v0, v2;
	v10 =	vld.idx.msk [tilespmem:v11+s5+$0x0], $0xffff  }
0x198: {  	s30 =	simm.s32 $0x16;
	s12 =	simm.s32 $0xF;
	v3 =	vand.u32 $0x7B, v3;
	v5 =	vor.u32 v1, v4;
	[tilespmem:s22+$0xFFFFFFB0] =	vst v6;
	v2 =	vor.u32 v1, v2;
	v9 =	vld.idx.msk [tilespmem:v16+s5+$0x0], $0xffff  }
0x199: {  	v4 =	vmov s30;
	v6 =	vbroadcast v3, $0x0;
	v3 =	vmov s12;
	[tilespmem:s18+$0x40] =	vst v13;
	v12 =	vld.idx.msk [tilespmem:v17+s5+$0x0], $0xffff  }
0x19a: {  	s31 =	simm.s32 $0x1D;
	v4 =	vand.u32 $0x7E, v4;
	v16 =	vor.u32 v1, v20;
	v13 =	vor.u32 v1, v19;
	v11 =	vld.idx.msk [tilespmem:v22+s5+$0x0], $0xffff;
	[tilespmem:s18+$0xFFFFFFD0] =	vst v21  }
0x19b: {  	s10 =	simm.s32 $0x2380;
	v19 =	vand.u32 $0x7F, v3;
	v17 =	vmov s31;
	v15 =	vor.u32 v0, v6;
	v14 =	vld.idx.msk [tilespmem:v25+s5+$0x0], $0xffff;
	[tilespmem:s22+$0x20] =	vst v18  }
0x19c: {  	s13 =	simm.s32 $0x28;
	s14 =	simm.s32 $0x24;
	s12 =	simm.s32 $0x8;
	v3 =	vbroadcast v4, $0x0;
	v4 =	vbroadcast v19, $0x0;
	v18 =	vand.u32 $0x7D, v17;
	[tilespmem:s11+$0x0] =	vst v23;
	v17 =	vld.idx.msk [tilespmem:v24+s5+$0x0], $0xffff  }
.LBB2_9:
0x19d: {  	v19 =	vmov s13;
	s12 =	sadd.s32 $0x2, s12;
	v20 =	vmov s14;
	v18 =	vbroadcast v18, $0x0;
	s11 =	sadd.s32 $0x100, s11;
	v7 =	vld.idx.msk [tilespmem:v7+s5+$0x0], $0xffff;
	[tilespmem:s23+$0xFFFFFFF0] =	vst v10  }
0x19e: {  	v10 =	vand.u32 $0x78, v19;
	p3 =	slt.u32 s12, $0x1E;
	[tilespmem:s11+$0xFFFFFF80] =	vst v9;
	v9 =	vand.u32 $0x7C, v20;
	v8 =	vld.idx.msk [tilespmem:v8+s5+$0x0], $0xffff;
	v19 =	vor.u32 v0, v3  }
0x19f: {  	v20 =	vbroadcast v10, $0x0;
	v10 =	vld.idx.msk [tilespmem:v13+s5+$0x0], $0xffff;
	v13 =	vbroadcast v9, $0x0;
	v9 =	vor.u32 v0, v18;
	[tilespmem:s23+$0x60] =	vst v12  }
0x1a0: {  	s14 =	sadd.s32 $0x1, s9;
	[tilespmem:s10+$0xFFFFFFA0] =	vst v11;
	v11 =	vld.idx.msk [tilespmem:v15+s5+$0x0], $0xffff  }
0x1a1: {  	v12 =	vmov s14;
	v15 =	vor.u32 v0, v13;
	v16 =	vld.idx.msk [tilespmem:v16+s5+$0x0], $0xffff;
	[tilespmem:s18+$0x50] =	vst v14  }
0x1a2: {  	v6 =	vor.u32 v1, v6;
	s14 =	sadd.s32 $0x2, s8;
	v12 =	vand.u32 $0x79, v12;
	v14 =	vor.u32 v0, v4;
	[tilespmem:s22+$0x30] =	vst v17;
	v17 =	vld.idx.msk [tilespmem:v5+s5+$0x0], $0xffff  }
0x1a3: {  	v21 =	vor.u32 v0, v20;
	v22 =	vbroadcast v12, $0x0;
	v5 =	vmov s14;
	[tilespmem:s22+$0xFFFFFFC0] =	vst v7;
	v12 =	vld.idx.msk [tilespmem:v19+s5+$0x0], $0xffff  }
0x1a4: {  	v5 =	vand.u32 $0x7A, v5;
	[tilespmem:s10+$0x10] =	vst v8;
	v19 =	vld.idx.msk [tilespmem:v2+s5+$0x0], $0xffff  }
0x1a5: {  	v23 =	vor.u32 v0, v22;
	v2 =	vbroadcast v5, $0x0;
	[tilespmem:s11+$0xFFFFFF90] =	vst v10;
	v24 =	vld.idx.msk [tilespmem:v9+s5+$0x0], $0xffff  }
0x1a6: {  	v26 =	vor.u32 v1, v18;
	v18 =	vor.u32 v1, v3;
	s14 =	sadd.s32 $0x3, s21;
	v25 =	vld.idx.msk [tilespmem:v15+s5+$0x0], $0xffff;
	[tilespmem:s18+$0xFFFFFFE0] =	vst v11  }
0x1a7: {  	v3 =	vmov s14;
	v5 =	vor.u32 v1, v4;
	v7 =	vor.u32 v0, v2;
	[tilespmem:s10+$0xFFFFFFB0] =	vst v16;
	v10 =	vld.idx.msk [tilespmem:v6+s5+$0x0], $0xffff  }
.Ltmp6:
0x1a8: {  	s21 =	sadd.s32 $0x7, s21;
	s14 =	sadd.s32 $0x6, s8;
	v8 =	vor.u32 v1, v13;
	v3 =	vand.u32 $0x7B, v3;
	v2 =	vor.u32 v1, v2;
	v9 =	vld.idx.msk [tilespmem:v21+s5+$0x0], $0xffff;
	[tilespmem:s23+$0x70] =	vst v17;
	(pc) =	sbr.rel @p3 .LBB2_9-.Ltmp6, $4  }
0x1a9: {  	v4 =	vmov s14;
	v6 =	vbroadcast v3, $0x0;
	v3 =	vmov s21;
	s23 =	smov.u32 s18;
	s18 =	smov.u32 s22;
	[tilespmem:s22+$0x40] =	vst v12;
	v12 =	vld.idx.msk [tilespmem:v14+s5+$0x0], $0xffff;
	s22 =	smov.u32 s10  }
0x1aa: {  	v13 =	vor.u32 v1, v20;
	s14 =	sadd.s32 $0x5, s9;
	v4 =	vand.u32 $0x7E, v4;
	s21 =	smov.u32 s8;
	s10 =	smov.u32 s11;
	v11 =	vld.idx.msk [tilespmem:v23+s5+$0x0], $0xffff;
	[tilespmem:s18+$0xFFFFFFD0] =	vst v19;
	v19 =	vand.u32 $0x7F, v3  }
0x1ab: {  	s8 =	smov.u32 s9;
	s9 =	smov.u32 s13;
	v17 =	vmov s14;
	v15 =	vor.u32 v0, v6;
	v3 =	vbroadcast v4, $0x0;
	[tilespmem:s22+$0x20] =	vst v24;
	v14 =	vld.idx.msk [tilespmem:v18+s5+$0x0], $0xffff  }
0x1ac: {  	s13 =	sadd.s32 $0x8, s13;
	v16 =	vor.u32 v1, v22;
	s14 =	sadd.s32 $0x4, s9;
	v18 =	vand.u32 $0x7D, v17;
	v4 =	vbroadcast v19, $0x0;
	[tilespmem:s11+$0x0] =	vst v25;
	v17 =	vld.idx.msk [tilespmem:v26+s5+$0x0], $0xffff  }
0x1ad: {  	v19 =	vmov s14  }
0x1ae: {  	v19 =	vand.u32 $0x7C, v19  }
0x1af: {  	v19 =	vbroadcast v19, $0x0;
	_ =	sdelay $0x1  }
0x1b0: {  	v20 =	vor.u32 v0, v19;
	_ =	sdelay $0x4  }
0x1b1: {  	v20 =	vld.idx.msk [tilespmem:v20+s5+$0x0], $0xffff  }
0x1b2: {  	s12 =	sadd.s32 $0x1, s9;
	v19 =	vor.u32 v1, v19  }
0x1b3: {  	s11 =	sadd.s32 $0x100, s11;
	[tilespmem:s23+$0xFFFFFFF0] =	vst v10;
	s26 =	sadd.s32 $0x5, s9;
	v51 =	vmov s12  }
0x1b4: {  	v18 =	vbroadcast v18, $0x0;
	[tilespmem:s11+$0xFFFFFF80] =	vst v9;
	v53 =	vmov s26;
	v52 =	vand.u32 $0x79, v51  }
0x1b5: {  	v8 =	vld.idx.msk [tilespmem:v8+s5+$0x0], $0xffff;
	[tilespmem:s23+$0x60] =	vst v12;
	v10 =	vand.u32 $0x7D, v53;
	v9 =	vbroadcast v52, $0x0  }
0x1b6: {  	v54 =	vld.idx.msk [tilespmem:v13+s5+$0x0], $0xffff;
	v55 =	vor.u32 v0, v18;
	v10 =	vbroadcast v10, $0x0;
	[tilespmem:s11+$0x0] =	vst v20  }
0x1b7: {  	[tilespmem:s10+$0xFFFFFFA0] =	vst v11;
	v56 =	vor.u32 v0, v9;
	v19 =	vld.idx.msk [tilespmem:v19+s5+$0x0], $0xffff  }
0x1b8: {  	v7 =	vld.idx.msk [tilespmem:v7+s5+$0x0], $0xffff;
	[tilespmem:s18+$0x50] =	vst v14;
	v57 =	vor.u32 v0, v10  }
0x1b9: {  	v15 =	vld.idx.msk [tilespmem:v15+s5+$0x0], $0xffff;
	[tilespmem:s22+$0x30] =	vst v17  }
0x1ba: {  	v58 =	vor.u32 v0, v3;
	v5 =	vld.idx.msk [tilespmem:v5+s5+$0x0], $0xffff;
	[tilespmem:s10+$0x10] =	vst v8  }
0x1bb: {  	[tilespmem:s11+$0xFFFFFF90] =	vst v54;
	v8 =	vld.idx.msk [tilespmem:v55+s5+$0x0], $0xffff  }
0x1bc: {  	s29 =	sadd.s32 $0x2, s8;
	v6 =	vor.u32 v1, v6;
	v59 =	vor.u32 v1, v18;
	v11 =	vld.idx.msk [tilespmem:v56+s5+$0x0], $0xffff;
	[tilespmem:s11+$0x10] =	vst v19  }
0x1bd: {  	s30 =	sadd.s32 $0x6, s8;
	v60 =	vor.u32 v0, v4;
	v61 =	vmov s29;
	[tilespmem:s22+$0xFFFFFFC0] =	vst v7;
	v62 =	vor.u32 v1, v9;
	v63 =	vld.idx.msk [tilespmem:v57+s5+$0x0], $0xffff  }
0x1be: {  	s31 =	sadd.s32 $0x2, s9;
	v22 =	vmov s30;
	v21 =	vand.u32 $0x7A, v61;
	v16 =	vld.idx.msk [tilespmem:v16+s5+$0x0], $0xffff;
	[tilespmem:s18+$0xFFFFFFE0] =	vst v15;
	v10 =	vor.u32 v1, v10  }
0x1bf: {  	s13 =	sadd.s32 $0x6, s9;
	v23 =	vmov s31;
	v14 =	vbroadcast v21, $0x0;
	v17 =	vld.idx.msk [tilespmem:v58+s5+$0x0], $0xffff;
	v15 =	vand.u32 $0x7E, v22;
	[tilespmem:s23+$0x70] =	vst v5  }
0x1c0: {  	v26 =	vmov s13;
	v25 =	vand.u32 $0x7A, v23;
	v2 =	vld.idx.msk [tilespmem:v2+s5+$0x0], $0xffff;
	v24 =	vbroadcast v15, $0x0;
	[tilespmem:s10+$0x20] =	vst v8  }
0x1c1: {  	v29 =	vand.u32 $0x7E, v26;
	v28 =	vbroadcast v25, $0x0;
	v27 =	vor.u32 v0, v14;
	v12 =	vld.idx.msk [tilespmem:v59+s5+$0x0], $0xffff;
	[tilespmem:s11+$0xFFFFFFA0] =	vst v11  }
0x1c2: {  	v32 =	vbroadcast v29, $0x0;
	v31 =	vor.u32 v0, v24;
	v7 =	vld.idx.msk [tilespmem:v62+s5+$0x0], $0xffff;
	[tilespmem:s11+$0x20] =	vst v63  }
0x1c3: {  	v34 =	vor.u32 v0, v28;
	[tilespmem:s10+$0xFFFFFFB0] =	vst v16;
	v10 =	vld.idx.msk [tilespmem:v10+s5+$0x0], $0xffff  }
0x1c4: {  	s14 =	sadd.s32 $0x3, s21;
	v35 =	vor.u32 v0, v32;
	v6 =	vld.idx.msk [tilespmem:v6+s5+$0x0], $0xffff;
	[tilespmem:s22+$0x40] =	vst v17  }
0x1c5: {  	s21 =	sadd.s32 $0x7, s21;
	v3 =	vor.u32 v1, v3;
	v30 =	vmov s14;
	v13 =	vld.idx.msk [tilespmem:v60+s5+$0x0], $0xffff;
	[tilespmem:s22+$0xFFFFFFD0] =	vst v2  }
0x1c6: {  	v36 =	vmov s21;
	v40 =	vor.u32 v1, v4;
	s26 =	sadd.s32 $0x7, s8;
	s29 =	sadd.s32 $0x3, s9;
	v33 =	vand.u32 $0x7B, v30;
	v18 =	vld.idx.msk [tilespmem:v27+s5+$0x0], $0xffff;
	[tilespmem:s10+$0x30] =	vst v12  }
0x1c7: {  	s30 =	sadd.s32 $0x7, s9;
	v46 =	vmov s26;
	v48 =	vmov s29;
	v38 =	vor.u32 v1, v14;
	v39 =	vld.idx.msk [tilespmem:v31+s5+$0x0], $0xffff;
	[tilespmem:s11+$0xFFFFFFB0] =	vst v7  }
0x1c8: {  	v50 =	vmov s30;
	v44 =	vor.u32 v1, v28;
	s23 =	sadd.s32 $0x3, s8;
	v41 =	vor.u32 v1, v24;
	v5 =	vld.idx.msk [tilespmem:v34+s5+$0x0], $0xffff;
	[tilespmem:s11+$0x30] =	vst v10  }
0x1c9: {  	v15 =	vbroadcast v33, $0x0;
	v43 =	vmov s23;
	v2 =	vand.u32 $0x7F, v36;
	[tilespmem:s18+$0xFFFFFFF0] =	vst v6;
	v45 =	vld.idx.msk [tilespmem:v35+s5+$0x0], $0xffff  }
0x1ca: {  	v9 =	vor.u32 v1, v32;
	v3 =	vld.idx.msk [tilespmem:v3+s5+$0x0], $0xffff;
	[tilespmem:s18+$0x60] =	vst v13;
	v2 =	vbroadcast v2, $0x0;
	v8 =	vand.u32 $0x7B, v43  }
0x1cb: {  	v37 =	vor.u32 v0, v15;
	v13 =	vand.u32 $0x7F, v46;
	v4 =	vld.idx.msk [tilespmem:v40+s5+$0x0], $0xffff;
	v8 =	vbroadcast v8, $0x0;
	[tilespmem:s10+$0xFFFFFFC0] =	vst v18  }
0x1cc: {  	v49 =	vand.u32 $0x7B, v48;
	v13 =	vbroadcast v13, $0x0;
	v42 =	vor.u32 v0, v2;
	v12 =	vld.idx.msk [tilespmem:v38+s5+$0x0], $0xffff;
	[tilespmem:s10+$0x40] =	vst v39  }
0x1cd: {  	v53 =	vand.u32 $0x7F, v50;
	v52 =	vbroadcast v49, $0x0;
	v51 =	vor.u32 v0, v8;
	v7 =	vld.idx.msk [tilespmem:v41+s5+$0x0], $0xffff;
	[tilespmem:s11+$0xFFFFFFC0] =	vst v5  }
0x1ce: {  	v55 =	vbroadcast v53, $0x0;
	v54 =	vor.u32 v0, v13;
	v10 =	vld.idx.msk [tilespmem:v44+s5+$0x0], $0xffff;
	[tilespmem:s11+$0x40] =	vst v45  }
0x1cf: {  	[tilespmem:s22+$0x50] =	vst v3;
	v3 =	vor.u32 v0, v52;
	v9 =	vld.idx.msk [tilespmem:v9+s5+$0x0], $0xffff  }
0x1d0: {  	v14 =	vor.u32 v0, v55;
	v47 =	vld.idx.msk [tilespmem:v37+s5+$0x0], $0xffff;
	[tilespmem:s18+$0x70] =	vst v4  }
0x1d1: {  	v15 =	vor.u32 v1, v15;
	v6 =	vld.idx.msk [tilespmem:v42+s5+$0x0], $0xffff;
	[tilespmem:s10+$0xFFFFFFD0] =	vst v12  }
0x1d2: {  	v2 =	vor.u32 v1, v2;
	v12 =	vld.idx.msk [tilespmem:v51+s5+$0x0], $0xffff;
	[tilespmem:s10+$0x50] =	vst v7  }
0x1d3: {  	v56 =	vor.u32 v1, v8;
	v57 =	vld.idx.msk [tilespmem:v54+s5+$0x0], $0xffff;
	[tilespmem:s11+$0xFFFFFFD0] =	vst v10  }
0x1d4: {  	v58 =	vor.u32 v1, v13;
	v3 =	vld.idx.msk [tilespmem:v3+s5+$0x0], $0xffff;
	[tilespmem:s11+$0x50] =	vst v9  }
0x1d5: {  	v59 =	vor.u32 v1, v52;
	[tilespmem:s22+$0xFFFFFFE0] =	vst v47;
	v60 =	vld.idx.msk [tilespmem:v14+s5+$0x0], $0xffff  }
0x1d6: {  	v62 =	vor.u32 v1, v55;
	v61 =	vld.idx.msk [tilespmem:v15+s5+$0x0], $0xffff;
	[tilespmem:s22+$0x60] =	vst v6  }
0x1d7: {  	v2 =	vld.idx.msk [tilespmem:v2+s5+$0x0], $0xffff;
	[tilespmem:s10+$0xFFFFFFE0] =	vst v12  }
0x1d8: {  	v7 =	vld.idx.msk [tilespmem:v56+s5+$0x0], $0xffff;
	[tilespmem:s10+$0x60] =	vst v57  }
0x1d9: {  	v8 =	vld.idx.msk [tilespmem:v58+s5+$0x0], $0xffff;
	[tilespmem:s11+$0xFFFFFFE0] =	vst v3  }
0x1da: {  	v3 =	vld.idx.msk [tilespmem:v59+s5+$0x0], $0xffff;
	[tilespmem:s11+$0x60] =	vst v60  }
0x1db: {  	[tilespmem:s22+$0xFFFFFFF0] =	vst v61;
	v63 =	vld.idx.msk [tilespmem:v62+s5+$0x0], $0xffff  }
0x1dc: {  	[tilespmem:s22+$0x70] =	vst v2  }
0x1dd: {  	[tilespmem:s10+$0xFFFFFFF0] =	vst v7  }
0x1de: {  	[tilespmem:s10+$0x70] =	vst v8  }
0x1df: {  	[tilespmem:s11+$0xFFFFFFF0] =	vst v3  }
.Ltmp7:
0x1e0: {  	[tilespmem:s11+$0x70] =	vst v63;
	(pc) =	sbr.rel .LBB2_12-.Ltmp7, $4  }
0x1e1: {  	s31 =	rddreg [dreg:$0xb]  }
0x1e2: {  	s9 =	rddreg [dreg:$0xc]  }
0x1e3: {  	s8 =	rddreg [dreg:$0xd]  }
0x1e4: {  	[hbm4b:s31+s5] =	stream.linear.scatter [tilespmem:s0], [sflag:$0x3], $0x1000, $0x38;
	[tilespmem:$0x4000] =	vst v63  }
.LBB2_11:
0x1e5: {  	s8 =	simm.s32 $0x3  }
0x1e6: {  	_ =	swait.ge [sflag:s8], $0x1000  }
.Ltmp8:
0x1e7: {  	[sflag:s8] =	ssyncset.done $0x0;
	(pc) =	sbr.rel @p0 .LBB2_13-.Ltmp8, $4  }
.Ltmp9:
0x1e8: {  	s9 =	simm.s32 $0x4;
	[sflag:s8] =	ssyncadd.s32 $0xFFFFF000;
	(pc) =	sbr.rel @!p0 .LBB2_12-.Ltmp9, $4  }
0x1e9: {  	_ =	swait.ge [sflag:s9], $0x1000  }
0x1ea: {  	[sflag:s9] =	ssyncset.done $0x0  }
0x1eb: {  	[sflag:s9] =	ssyncadd.s32 $0xFFFFF000  }
0x1ec: {  	_ = 	snop  }
.LBB2_14:
0x1ed: {  	_ =	sfence.sel $0x180000  }
0x1ee: {  	[bflag:$0x0] =	sbarrier.arrive $0xFFFF  }
0x1ef: {  	_ =	strace $0x90000047  }
0x1f0: {  	s0 =	stileid.u32;
	[bflag:$0x2] =	sbarrier.arrive $0xFFFF  }
0x1f1: {  	p0 =	sne.s32 s0, $0x0;
	s0 =	rddreg [dreg:$0x3]  }
0x1f2: {  	s0 =	sadd.s32 @!p0 $0x100000, s0  }
0x1f3: {  	[sflag:s0] =	ssyncadd.tile.s32 @!p0 $0x1;
	_ =	shalt  }
.Lfunc_end2:
_tile_overlayer_lowered:
.L_overlay_start_2:
0x1f4: {  	(tag) =	ssettag $0x2  }
0x1f5: {  	s0 =	rddreg [dreg:$0x0];
	s2 =	stileid.u32  }
0x1f6: {  	s1 =	rddreg [dreg:$0x1];
	p0 =	sne.s32 s2, $0x0  }
0x1f7: {  	s3 =	rddreg [dreg:$0x2];
	[bflag:$0x3] =	sbarrier.arrive $0xFFFF;
	s2 =	simm.s32 @!p0 $0x1C05  }
0x1f8: {  	[timem:s3], [sflag:s2] =	dma.local @!p0 [hbm:s0], s1  }
0x1f9: {  	s0 =	simm.s32 @!p0 $0x5  }
0x1fa: {  	_ =	swait.ge @!p0 [sflag:s0], s1  }
0x1fb: {  	s1 =	ssub.s32 @!p0 $0x0, s1;
	[sflag:s0] =	ssyncset.done @!p0 $0x0  }
0x1fc: {  	[sflag:s0] =	ssyncadd.s32 @!p0 s1  }
0x1fd: {  	[bflag:$0x3] =	sbarrier.arrive $0xFFFF  }
0x1fe: {  	_ =	shalt  }

</sc_bundles>
